<compile_context>
chip_gen: v7x
topology: tpu7x:2x2x1
jax: 0.10.2.dev20260603
libtpu: 0.0.44.dev20260713+nightly
codegen_flags: <defaults>
</compile_context>

<pallas_src>
import functools

import jax
import jax.numpy as jnp
from jax import lax
from jax.experimental import pallas as pl
from jax.experimental.pallas import tpu as pltpu
import jax.experimental.pallas.tpu_sc as plsc

N_NODES = 50000
N_EDGES = 1600000
NC = 2
NS = 16
NW = NC * NS
N_PAD = 50176
R_TILE = N_PAD // NS
F3W = N_PAD * 3
FROWS = F3W // 128
CROWS = N_PAD // 128
CHUNK = 2000
PER_W = N_EDGES // NW
PT = N_PAD // NW
H2W = N_PAD * 16

_mesh = plsc.VectorSubcoreMesh(core_axis_name="c", subcore_axis_name="s")
_sc_params = pltpu.CompilerParams(use_tc_tiling_on_sc=False)



@functools.partial(
    pl.kernel,
    out_type=jax.ShapeDtypeStruct((NC, N_PAD, 3), jnp.float32),
    mesh=_mesh,
    compiler_params=_sc_params,
    scratch_types=[
        pltpu.VMEM((CHUNK,), jnp.int32),
        pltpu.VMEM((CHUNK, 3), jnp.float32),
        pltpu.VMEM((R_TILE, 3), jnp.float32),
        pltpu.VMEM_SHARED((N_PAD, 3), jnp.float32),
        pltpu.SemaphoreType.DMA,
    ],
)
def _sc_count(dst_hbm, ones_hbm, zeros_hbm, out_hbm,
              dst_v, ones_v, buf_v, acc_sh, sem):
    cid = lax.axis_index("c")
    sid = lax.axis_index("s")
    wid = cid * NS + sid
    pltpu.sync_copy(zeros_hbm, buf_v)
    pltpu.sync_copy(buf_v, acc_sh.at[pl.ds(sid * R_TILE, R_TILE)])
    pltpu.sync_copy(ones_hbm, ones_v)
    plsc.subcore_barrier()
    base = wid * PER_W

    def body(i, carry):
        off = base + i * CHUNK
        pltpu.sync_copy(dst_hbm.at[pl.ds(off, CHUNK)], dst_v)
        pltpu.sync_copy(ones_v, acc_sh.at[dst_v], add=True)
        return carry

    lax.fori_loop(0, PER_W // CHUNK, body, 0)
    plsc.subcore_barrier()
    pltpu.sync_copy(acc_sh.at[pl.ds(sid * R_TILE, R_TILE)], buf_v)
    pltpu.sync_copy(buf_v, out_hbm.at[cid, pl.ds(sid * R_TILE, R_TILE)])


@functools.partial(
    pl.kernel,
    out_type=jax.ShapeDtypeStruct((NC, N_PAD, 1), jnp.float32),
    mesh=_mesh,
    compiler_params=_sc_params,
    scratch_types=[
        pltpu.VMEM((CHUNK,), jnp.int32),
        pltpu.VMEM((CHUNK, 1), jnp.float32),
        pltpu.VMEM((R_TILE, 1), jnp.float32),
        pltpu.VMEM_SHARED((N_PAD, 1), jnp.float32),
        pltpu.SemaphoreType.DMA,
    ],
)
def _sc_count1(dst_hbm, ones_hbm, zeros_hbm, out_hbm,
               dst_v, ones_v, buf_v, acc_sh, sem):
    cid = lax.axis_index("c")
    sid = lax.axis_index("s")
    wid = cid * NS + sid
    pltpu.sync_copy(zeros_hbm, buf_v)
    pltpu.sync_copy(buf_v, acc_sh.at[pl.ds(sid * R_TILE, R_TILE)])
    pltpu.sync_copy(ones_hbm, ones_v)
    plsc.subcore_barrier()
    base = wid * PER_W

    def body(i, carry):
        off = base + i * CHUNK
        pltpu.sync_copy(dst_hbm.at[pl.ds(off, CHUNK)], dst_v)
        pltpu.sync_copy(ones_v, acc_sh.at[dst_v], add=True)
        return carry

    lax.fori_loop(0, PER_W // CHUNK, body, 0)
    plsc.subcore_barrier()
    pltpu.sync_copy(acc_sh.at[pl.ds(sid * R_TILE, R_TILE)], buf_v)
    pltpu.sync_copy(buf_v, out_hbm.at[cid, pl.ds(sid * R_TILE, R_TILE)])



@functools.partial(
    pl.kernel,
    out_type=jax.ShapeDtypeStruct((NC, N_PAD, 3), jnp.float32),
    mesh=_mesh,
    compiler_params=_sc_params,
    scratch_types=[
        pltpu.VMEM((CHUNK,), jnp.int32),
        pltpu.VMEM((CHUNK,), jnp.int32),
        pltpu.VMEM((CHUNK, 3), jnp.float32),
        pltpu.VMEM((R_TILE, 3), jnp.float32),
        pltpu.VMEM_SHARED((N_PAD, 3), jnp.float32),
        pltpu.SemaphoreType.DMA,
    ],
)
def _sc_scatter(g_hbm, src_hbm, dst_hbm, zeros_hbm, out_hbm,
                src_v, dst_v, rows_v, buf_v, acc_sh, sem):
    cid = lax.axis_index("c")
    sid = lax.axis_index("s")
    wid = cid * NS + sid
    pltpu.sync_copy(zeros_hbm, buf_v)
    pltpu.sync_copy(buf_v, acc_sh.at[pl.ds(sid * R_TILE, R_TILE)])
    plsc.subcore_barrier()
    base = wid * PER_W

    def body(i, carry):
        off = base + i * CHUNK
        pltpu.sync_copy(src_hbm.at[pl.ds(off, CHUNK)], src_v)
        pltpu.async_copy(g_hbm.at[src_v], rows_v, sem).wait()
        pltpu.sync_copy(dst_hbm.at[pl.ds(off, CHUNK)], dst_v)
        pltpu.sync_copy(rows_v, acc_sh.at[dst_v], add=True)
        return carry

    lax.fori_loop(0, PER_W // CHUNK, body, 0)
    plsc.subcore_barrier()
    pltpu.sync_copy(acc_sh.at[pl.ds(sid * R_TILE, R_TILE)], buf_v)
    pltpu.sync_copy(buf_v, out_hbm.at[cid, pl.ds(sid * R_TILE, R_TILE)])



@functools.partial(
    pl.kernel,
    out_type=jax.ShapeDtypeStruct((H2W,), jnp.float32),
    mesh=_mesh,
    compiler_params=pltpu.CompilerParams(use_tc_tiling_on_sc=False,
                                         needs_layout_passes=False),
    scratch_types=[
        pltpu.VMEM((PT * 3,), jnp.float32),
        pltpu.VMEM((PT * 3,), jnp.float32),
        pltpu.VMEM((PT * 3,), jnp.float32),
        pltpu.VMEM((PT * 3,), jnp.float32),
        pltpu.VMEM((64,), jnp.float32),
        pltpu.VMEM((PT * 16,), jnp.float32),
    ],
)
def _sc_h2(s2_hbm, g2_hbm, dis3_hbm, w2_hbm, out_hbm,
           s2a_v, s2b_v, g2_v, p_v, w2_v, h2_v):
    cid = lax.axis_index("c")
    sid = lax.axis_index("s")
    wid = cid * NS + sid
    woff = wid * (PT * 3)
    pltpu.sync_copy(s2_hbm.at[0, pl.ds(woff, PT * 3)], s2a_v)
    pltpu.sync_copy(s2_hbm.at[1, pl.ds(woff, PT * 3)], s2b_v)
    pltpu.sync_copy(g2_hbm.at[pl.ds(woff, PT * 3)], g2_v)
    pltpu.sync_copy(dis3_hbm.at[pl.ds(woff, PT * 3)], p_v)
    pltpu.sync_copy(w2_hbm, w2_v)

    def pbody(i, carry):
        sl = pl.ds(i * 16, 16)
        p_v[sl] = p_v[sl] * (s2a_v[sl] + s2b_v[sl] + g2_v[sl])
        return carry

    lax.fori_loop(0, (PT * 3) // 16, pbody, 0)

    iota = lax.iota(jnp.int32, 16)
    w2c0 = w2_v[pl.ds(0, 16)]
    w2c1 = w2_v[pl.ds(16, 16)]
    w2c2 = w2_v[pl.ds(32, 16)]
    b2v = w2_v[pl.ds(48, 16)]

    def gbody(g, carry):
        base3 = g * 48
        p0 = plsc.load_gather(p_v, [iota * 3 + base3])
        p1 = plsc.load_gather(p_v, [iota * 3 + (base3 + 1)])
        p2 = plsc.load_gather(p_v, [iota * 3 + (base3 + 2)])
        out_base = g * 256
        for e in range(16):
            a = jnp.sum(jnp.where(iota == e, w2c0, 0.0))
            b = jnp.sum(jnp.where(iota == e, w2c1, 0.0))
            c = jnp.sum(jnp.where(iota == e, w2c2, 0.0))
            d = jnp.sum(jnp.where(iota == e, b2v, 0.0))
            v = p0 * a + p1 * b + p2 * c + d
            plsc.store_scatter(h2_v, [iota * 16 + (out_base + e)], v)
        return carry

    lax.fori_loop(0, PT // 16, gbody, 0)
    pltpu.sync_copy(h2_v, out_hbm.at[pl.ds(wid * (PT * 16), PT * 16)])



def _word_index():
    row = lax.broadcasted_iota(jnp.int32, (FROWS, 128), 0)
    lane = lax.broadcasted_iota(jnp.int32, (FROWS, 128), 1)
    return row * 128 + lane


def _tc_dis_body(c0_ref, c1_ref, dis_ref):
    dis_ref[...] = lax.rsqrt(c0_ref[0] + c1_ref[0] + 1.0)


CROWS_ = N_PAD // 128

_tc_dis = pl.pallas_call(
    _tc_dis_body,
    grid=(1,),
    in_specs=[
        pl.BlockSpec((1, CROWS_, 128), lambda i: (0, 0, 0)),
        pl.BlockSpec((1, CROWS_, 128), lambda i: (1, 0, 0)),
    ],
    out_specs=pl.BlockSpec((CROWS_, 128), lambda i: (0, 0)),
    out_shape=jax.ShapeDtypeStruct((CROWS_, 128), jnp.float32),
)


def _tc_prep_body(dis3_ref, x0_ref, x1_ref, x2_ref, x3_ref, x4_ref,
                  w1_ref, g1_ref):
    dis3 = dis3_ref[...]
    r = _word_index() % 3
    m0 = jnp.where(r == 0, 1.0, 0.0)
    m1 = jnp.where(r == 1, 1.0, 0.0)
    m2 = jnp.where(r == 2, 1.0, 0.0)
    h = (m2 * w1_ref[2, 0] * x0_ref[...]
         + (m1 * w1_ref[1, 0] + m2 * w1_ref[2, 1]) * x1_ref[...]
         + (m0 * w1_ref[0, 0] + m1 * w1_ref[1, 1] + m2 * w1_ref[2, 2])
         * x2_ref[...]
         + (m0 * w1_ref[0, 1] + m1 * w1_ref[1, 2]) * x3_ref[...]
         + m0 * w1_ref[0, 2] * x4_ref[...])
    g1_ref[...] = h * dis3


_tc_prep = pl.pallas_call(
    _tc_prep_body,
    grid=(1,),
    in_specs=[
        pl.BlockSpec((FROWS, 128), lambda i: (0, 0)),
        pl.BlockSpec((FROWS, 128), lambda i: (0, 0)),
        pl.BlockSpec((FROWS, 128), lambda i: (0, 0)),
        pl.BlockSpec((FROWS, 128), lambda i: (0, 0)),
        pl.BlockSpec((FROWS, 128), lambda i: (0, 0)),
        pl.BlockSpec((FROWS, 128), lambda i: (0, 0)),
        pl.BlockSpec((3, 3), lambda i: (0, 0)),
    ],
    out_specs=pl.BlockSpec((FROWS, 128), lambda i: (0, 0)),
    out_shape=jax.ShapeDtypeStruct((FROWS, 128), jnp.float32),
)


def _tc_mid_body(s1a_ref, s1b_ref, g1_ref, dis3_ref, b1_ref, g2_ref):
    r = _word_index() % 3
    b1p = (jnp.where(r == 0, b1_ref[0, 0], 0.0)
           + jnp.where(r == 1, b1_ref[0, 1], 0.0)
           + jnp.where(r == 2, b1_ref[0, 2], 0.0))
    dis3 = dis3_ref[...]
    pre = dis3 * (s1a_ref[0] + s1b_ref[0] + g1_ref[...]) + b1p
    h1 = jnp.where(pre >= 0, pre, 0.1 * pre)
    g2_ref[...] = h1 * dis3


_tc_mid = pl.pallas_call(
    _tc_mid_body,
    grid=(1,),
    in_specs=[
        pl.BlockSpec((1, FROWS, 128), lambda i: (0, 0, 0)),
        pl.BlockSpec((1, FROWS, 128), lambda i: (1, 0, 0)),
        pl.BlockSpec((FROWS, 128), lambda i: (0, 0)),
        pl.BlockSpec((FROWS, 128), lambda i: (0, 0)),
        pl.BlockSpec((1, 3), lambda i: (0, 0)),
    ],
    out_specs=pl.BlockSpec((FROWS, 128), lambda i: (0, 0)),
    out_shape=jax.ShapeDtypeStruct((FROWS, 128), jnp.float32),
)


def _tc_final_body(h2_ref, w3_ref, b3_ref, out_ref):
    out = lax.dot_general(h2_ref[...], w3_ref[...], (((1,), (1,)), ((), ())),
                          preferred_element_type=jnp.float32)
    out_ref[...] = out + b3_ref[...]


_tc_final = pl.pallas_call(
    _tc_final_body,
    out_shape=jax.ShapeDtypeStruct((50, 128), jnp.float32),
)


def kernel(nodes, edges, W1, b1, W2, b2, W3, b3):
    src = edges[0, 0].astype(jnp.int32)
    dst = edges[0, 1].astype(jnp.int32)
    ones = jnp.ones((CHUNK, 1), jnp.float32)
    zeros1 = jnp.zeros((R_TILE, 1), jnp.float32)
    zeros3 = jnp.zeros((R_TILE, 3), jnp.float32)

    xe = jnp.concatenate([
        jnp.zeros((2,), jnp.float32),
        nodes.reshape(-1),
        jnp.zeros((F3W - 3 * N_NODES + 2,), jnp.float32),
    ])
    xs = [lax.slice(xe, (s,), (s + F3W,)).reshape(FROWS, 128)
          for s in range(5)]

    cnt = _sc_count1(dst, ones, zeros1)
    dis_p = _tc_dis(cnt.reshape(NC, CROWS_, 128), cnt.reshape(NC, CROWS_, 128))
    dis3f = jnp.broadcast_to(dis_p.reshape(N_PAD, 1),
                             (N_PAD, 3)).reshape(FROWS, 128)
    g1f = _tc_prep(dis3f, xs[0], xs[1], xs[2], xs[3], xs[4], W1)

    s1 = _sc_scatter(g1f.reshape(N_PAD, 3), src, dst, zeros3)
    s1f = s1.reshape(NC, FROWS, 128)
    g2f = _tc_mid(s1f, s1f, g1f, dis3f, b1.reshape(1, 3))

    s2 = _sc_scatter(g2f.reshape(N_PAD, 3), src, dst, zeros3)

    w2b2 = jnp.concatenate([W2[:, 0], W2[:, 1], W2[:, 2], b2])
    h2f = _sc_h2(s2.reshape(NC, F3W), g2f.reshape(F3W),
                 dis3f.reshape(F3W), w2b2)
    h2 = h2f[:N_NODES * 16].reshape(50, 16000)
    out = _tc_final(h2, W3, b3.reshape(1, 128))
    return out

# --- scband reference (transcript-rebuilt; emitter-appended) ---
"""Pipeline reference for scband-gcn-54752243089440 (READ-ONLY COPY).

The authoritative reference and input builder live on the scoring server;
editing this copy changes nothing except your own understanding.
"""

import jax, jax.numpy as jnp
import numpy as np

GCN_EMB_DIM = 16
GCN_NODES_NUM = 1000
N_EMBD = 128
N_NODES = 50000
N_EDGES = 1600000


def gcn_conv(x, edge_index, W, b):
    # Faithful PyG GCNConv: add self loops, symmetric normalization,
    # x' = D^{-1/2} (A + I) D^{-1/2} (x @ W^T) + b
    n = x.shape[0]
    loops = jnp.arange(n, dtype=edge_index.dtype)
    src = jnp.concatenate([edge_index[0], loops])
    dst = jnp.concatenate([edge_index[1], loops])
    deg = jnp.zeros((n,), dtype=x.dtype).at[dst].add(1.0)
    deg_inv_sqrt = jnp.where(deg > 0, 1.0 / jnp.sqrt(deg), 0.0)
    norm = deg_inv_sqrt[src] * deg_inv_sqrt[dst]
    h = x @ W.T
    msgs = h[src] * norm[:, None]
    out = jax.ops.segment_sum(msgs, dst, num_segments=n)
    return out + b


def setup_inputs(seed: int = 0) -> dict:
    key = jax.random.key(seed)
    k1, k2, k3, k4, k5 = jax.random.split(key, 5)
    nodes = jax.random.normal(k1, (N_NODES, 3), dtype=jnp.float32)
    edges = jax.random.randint(k2, (1, 2, N_EDGES), 0, N_NODES, dtype=jnp.int64)
    # GCNConv lin weights stored as [out, in] (PyG convention)
    W1 = jax.random.normal(k3, (3, 3), dtype=jnp.float32) * 0.5
    b1 = jnp.zeros((3,), dtype=jnp.float32)
    W2 = jax.random.normal(k4, (GCN_EMB_DIM, 3), dtype=jnp.float32) * 0.5
    b2 = jnp.zeros((GCN_EMB_DIM,), dtype=jnp.float32)
    # nn.Linear weight [out, in]
    W3 = jax.random.normal(k5, (N_EMBD, GCN_EMB_DIM * GCN_NODES_NUM), dtype=jnp.float32) * 0.01
    b3 = jnp.zeros((N_EMBD,), dtype=jnp.float32)
    return {"nodes": nodes, "edges": edges, "W1": W1, "b1": b1, "W2": W2, "b2": b2, "W3": W3, "b3": b3}


def reference(nodes, edges, W1, b1, W2, b2, W3, b3):
    edge_index = edges[0].astype(jnp.int64)
    h = gcn_conv(nodes, edge_index, W1, b1)
    h = jax.nn.leaky_relu(h, negative_slope=0.1)
    h = gcn_conv(h, edge_index, W2, b2)
    h = h.reshape(-1, GCN_EMB_DIM * GCN_NODES_NUM)
    out = h @ W3.T + b3
    return out.reshape(-1, N_EMBD)

if __name__ == "__main__":
    import jax
    _d = setup_inputs()
    print(jax.jit(kernel)(*tuple(_d.values())))

</pallas_src>

<mosaic_0001>
#map = affine_map<(d0, d1) -> (0)>
#map1 = affine_map<(d0, d1) -> (0, 0)>
#map2 = affine_map<(d0, d1) -> (0, 0, 0)>
module attributes {stable_mosaic.version = 14 : i64} {
  func.func @_sc_count1(%arg0: i32, %arg1: i32, %arg2: memref<1600000xi32, #tpu.memory_space<hbm>>, %arg3: memref<2000x1xf32, #tpu.memory_space<hbm>>, %arg4: memref<3136x1xf32, #tpu.memory_space<hbm>>, %arg5: memref<2x50176x1xf32, #tpu.memory_space<hbm>>, %arg6: memref<2000xi32, #tpu.memory_space<vmem>>, %arg7: memref<2000x1xf32, #tpu.memory_space<vmem>>, %arg8: memref<3136x1xf32, #tpu.memory_space<vmem>>, %arg9: memref<50176x1xf32, #tpu.memory_space<vmem_shared>>, %arg10: memref<!tpu.dma_semaphore, #tpu.memory_space<semaphore_mem>>) attributes {dimension_semantics = [#tpu.dimension_semantics<core_parallel>, #tpu.dimension_semantics<subcore_parallel>], iteration_bounds = array<i64: 2, 16>, scalar_prefetch = 0 : i64, scratch_operands = 5 : i64, tpu.core_type = #tpu.core_type<sc_vector_subcore>, window_params = [{transform_indices = #map}, {transform_indices = #map1}, {transform_indices = #map1}, {transform_indices = #map2}]} {
    %mul3A = arith.constant 16 : i32
    %mul3A_0 = arith.muli %arg0, %mul3A : i32
    %add3A = arith.addi %mul3A_0, %arg1 : i32
    "tpu.region"() ({
      %run_scoped3A = tpu.sem_alloc : memref<!tpu.dma_semaphore, #tpu.memory_space<semaphore_mem>>
      tpu.enqueue_dma source(%arg4 : memref<3136x1xf32, #tpu.memory_space<hbm>>) target(%arg8 : memref<3136x1xf32, #tpu.memory_space<vmem>>) target_semaphore(%run_scoped3A : memref<!tpu.dma_semaphore, #tpu.memory_space<semaphore_mem>>)
      tpu.wait_dma2 semaphore(%run_scoped3A : memref<!tpu.dma_semaphore, #tpu.memory_space<semaphore_mem>>) src(%arg4 : memref<3136x1xf32, #tpu.memory_space<hbm>>) dst(%arg8 : memref<3136x1xf32, #tpu.memory_space<vmem>>)
      tpu.yield
    }) : () -> ()
    %mul3A_1 = arith.constant 3136 : i32
    %mul3A_2 = arith.muli %arg1, %mul3A_1 : i32
    "tpu.region"() ({
      %run_scoped3A = tpu.sem_alloc : memref<!tpu.dma_semaphore, #tpu.memory_space<semaphore_mem>>
      %dma_start3A = arith.constant 0 : i32
      %dma_start3A_15 = tpu.memref_slice %arg9[%mul3A_2, %dma_start3A] : memref<50176x1xf32, #tpu.memory_space<vmem_shared>> -> memref<3136x1xf32, #tpu.memory_space<vmem_shared>>
      %dma_start3A_16 = arith.constant 0 : i32
      %dma_start3A_17 = tpu.memref_slice %arg9[%mul3A_2, %dma_start3A_16] : memref<50176x1xf32, #tpu.memory_space<vmem_shared>> -> memref<3136x1xf32, #tpu.memory_space<vmem_shared>>
      tpu.enqueue_dma source(%arg8 : memref<3136x1xf32, #tpu.memory_space<vmem>>) target(%dma_start3A_17 : memref<3136x1xf32, #tpu.memory_space<vmem_shared>>) target_semaphore(%run_scoped3A : memref<!tpu.dma_semaphore, #tpu.memory_space<semaphore_mem>>)
      %dma_wait3A = arith.constant 0 : i32
      %dma_wait3A_18 = tpu.memref_slice %arg9[%mul3A_2, %dma_wait3A] : memref<50176x1xf32, #tpu.memory_space<vmem_shared>> -> memref<3136x1xf32, #tpu.memory_space<vmem_shared>>
      %dma_wait3A_19 = arith.constant 0 : i32
      %dma_wait3A_20 = tpu.memref_slice %arg9[%mul3A_2, %dma_wait3A_19] : memref<50176x1xf32, #tpu.memory_space<vmem_shared>> -> memref<3136x1xf32, #tpu.memory_space<vmem_shared>>
      tpu.wait_dma2 semaphore(%run_scoped3A : memref<!tpu.dma_semaphore, #tpu.memory_space<semaphore_mem>>) src(%arg8 : memref<3136x1xf32, #tpu.memory_space<vmem>>) dst(%dma_wait3A_20 : memref<3136x1xf32, #tpu.memory_space<vmem_shared>>)
      tpu.yield
    }) : () -> ()
    "tpu.region"() ({
      %run_scoped3A = tpu.sem_alloc : memref<!tpu.dma_semaphore, #tpu.memory_space<semaphore_mem>>
      tpu.enqueue_dma source(%arg3 : memref<2000x1xf32, #tpu.memory_space<hbm>>) target(%arg7 : memref<2000x1xf32, #tpu.memory_space<vmem>>) target_semaphore(%run_scoped3A : memref<!tpu.dma_semaphore, #tpu.memory_space<semaphore_mem>>)
      tpu.wait_dma2 semaphore(%run_scoped3A : memref<!tpu.dma_semaphore, #tpu.memory_space<semaphore_mem>>) src(%arg3 : memref<2000x1xf32, #tpu.memory_space<hbm>>) dst(%arg7 : memref<2000x1xf32, #tpu.memory_space<vmem>>)
      tpu.yield
    }) : () -> ()
    %barrier3A = arith.constant 0 : index
    tpu.barrier barrier_id(%barrier3A)
    %mul3A_3 = arith.constant 50000 : i32
    %mul3A_4 = arith.muli %add3A, %mul3A_3 : i32
    %scan3A = arith.constant 0 : i32
    %scan3A_5 = arith.constant 0 : i32
    %scan3A_6 = arith.constant 25 : i32
    %scan3A_7 = arith.addi %scan3A_5, %scan3A_6 : i32
    %scan3A_8 = arith.constant 1 : i32
    scf.for %scan3A_15 = %scan3A_5 to %scan3A_7 step %scan3A_8  : i32 {
      %mul3A_16 = arith.constant 2000 : i32
      %mul3A_17 = arith.muli %scan3A_15, %mul3A_16 : i32
      %add3A_18 = arith.addi %mul3A_4, %mul3A_17 : i32
      "tpu.region"() ({
        %run_scoped3A = tpu.sem_alloc : memref<!tpu.dma_semaphore, #tpu.memory_space<semaphore_mem>>
        %dma_start3A = tpu.memref_slice %arg2[%add3A_18] : memref<1600000xi32, #tpu.memory_space<hbm>> -> memref<2000xi32, #tpu.memory_space<hbm>>
        %dma_start3A_19 = tpu.memref_slice %arg2[%add3A_18] : memref<1600000xi32, #tpu.memory_space<hbm>> -> memref<2000xi32, #tpu.memory_space<hbm>>
        tpu.enqueue_dma source(%dma_start3A_19 : memref<2000xi32, #tpu.memory_space<hbm>>) target(%arg6 : memref<2000xi32, #tpu.memory_space<vmem>>) target_semaphore(%run_scoped3A : memref<!tpu.dma_semaphore, #tpu.memory_space<semaphore_mem>>)
        %dma_wait3A = tpu.memref_slice %arg2[%add3A_18] : memref<1600000xi32, #tpu.memory_space<hbm>> -> memref<2000xi32, #tpu.memory_space<hbm>>
        %dma_wait3A_20 = tpu.memref_slice %arg2[%add3A_18] : memref<1600000xi32, #tpu.memory_space<hbm>> -> memref<2000xi32, #tpu.memory_space<hbm>>
        tpu.wait_dma2 semaphore(%run_scoped3A : memref<!tpu.dma_semaphore, #tpu.memory_space<semaphore_mem>>) src(%dma_wait3A_20 : memref<2000xi32, #tpu.memory_space<hbm>>) dst(%arg6 : memref<2000xi32, #tpu.memory_space<vmem>>)
        tpu.yield
      }) : () -> ()
      "tpu.region"() ({
        %run_scoped3A = tpu.sem_alloc : memref<!tpu.dma_semaphore, #tpu.memory_space<semaphore_mem>>
        %dma_start3A = arith.constant 0 : i32
        %dma_start3A_19 = arith.constant 0 : i32
        %dma_start3A_20 = tpu.memref_slice %arg9[%dma_start3A, %dma_start3A_19] : memref<50176x1xf32, #tpu.memory_space<vmem_shared>> -> memref<50176x1xf32, #tpu.memory_space<vmem_shared>>
        tpu.enqueue_indirect_dma source(%arg7 : memref<2000x1xf32, #tpu.memory_space<vmem>>) target(%dma_start3A_20 : memref<50176x1xf32, #tpu.memory_space<vmem_shared>>) offsets(%arg6 : memref<2000xi32, #tpu.memory_space<vmem>>) semaphore(%run_scoped3A : memref<!tpu.dma_semaphore, #tpu.memory_space<semaphore_mem>>) {add = true}
        %dma_wait3A = arith.constant 0 : i32
        %dma_wait3A_21 = arith.constant 0 : i32
        %dma_wait3A_22 = tpu.memref_slice %arg9[%dma_wait3A, %dma_wait3A_21] : memref<50176x1xf32, #tpu.memory_space<vmem_shared>> -> memref<50176x1xf32, #tpu.memory_space<vmem_shared>>
        tpu.wait_indirect_dma semaphore(%run_scoped3A : memref<!tpu.dma_semaphore, #tpu.memory_space<semaphore_mem>>) src(%arg7 : memref<2000x1xf32, #tpu.memory_space<vmem>>) dst(%dma_wait3A_22 : memref<50176x1xf32, #tpu.memory_space<vmem_shared>>)
        tpu.yield
      }) : () -> ()
    }
    %scan3A_9 = arith.constant 25 : i32
    %barrier3A_10 = arith.constant 0 : index
    tpu.barrier barrier_id(%barrier3A_10)
    %mul3A_11 = arith.constant 3136 : i32
    %mul3A_12 = arith.muli %arg1, %mul3A_11 : i32
    "tpu.region"() ({
      %run_scoped3A = tpu.sem_alloc : memref<!tpu.dma_semaphore, #tpu.memory_space<semaphore_mem>>
      %dma_start3A = arith.constant 0 : i32
      %dma_start3A_15 = tpu.memref_slice %arg9[%mul3A_12, %dma_start3A] : memref<50176x1xf32, #tpu.memory_space<vmem_shared>> -> memref<3136x1xf32, #tpu.memory_space<vmem_shared>>
      %dma_start3A_16 = arith.constant 0 : i32
      %dma_start3A_17 = tpu.memref_slice %arg9[%mul3A_12, %dma_start3A_16] : memref<50176x1xf32, #tpu.memory_space<vmem_shared>> -> memref<3136x1xf32, #tpu.memory_space<vmem_shared>>
      tpu.enqueue_dma source(%dma_start3A_17 : memref<3136x1xf32, #tpu.memory_space<vmem_shared>>) target(%arg8 : memref<3136x1xf32, #tpu.memory_space<vmem>>) target_semaphore(%run_scoped3A : memref<!tpu.dma_semaphore, #tpu.memory_space<semaphore_mem>>)
      %dma_wait3A = arith.constant 0 : i32
      %dma_wait3A_18 = tpu.memref_slice %arg9[%mul3A_12, %dma_wait3A] : memref<50176x1xf32, #tpu.memory_space<vmem_shared>> -> memref<3136x1xf32, #tpu.memory_space<vmem_shared>>
      %dma_wait3A_19 = arith.constant 0 : i32
      %dma_wait3A_20 = tpu.memref_slice %arg9[%mul3A_12, %dma_wait3A_19] : memref<50176x1xf32, #tpu.memory_space<vmem_shared>> -> memref<3136x1xf32, #tpu.memory_space<vmem_shared>>
      tpu.wait_dma2 semaphore(%run_scoped3A : memref<!tpu.dma_semaphore, #tpu.memory_space<semaphore_mem>>) src(%dma_wait3A_20 : memref<3136x1xf32, #tpu.memory_space<vmem_shared>>) dst(%arg8 : memref<3136x1xf32, #tpu.memory_space<vmem>>)
      tpu.yield
    }) : () -> ()
    %mul3A_13 = arith.constant 3136 : i32
    %mul3A_14 = arith.muli %arg1, %mul3A_13 : i32
    "tpu.region"() ({
      %run_scoped3A = tpu.sem_alloc : memref<!tpu.dma_semaphore, #tpu.memory_space<semaphore_mem>>
      %dma_start3A = arith.constant 0 : i32
      %dma_start3A_15 = tpu.memref_slice %arg5[%arg0, %mul3A_14, %dma_start3A] : memref<2x50176x1xf32, #tpu.memory_space<hbm>> -> memref<1x3136x1xf32, #tpu.memory_space<hbm>>
      %dma_start3A_16 = tpu.memref_squeeze %dma_start3A_15 : memref<1x3136x1xf32, #tpu.memory_space<hbm>> -> memref<3136x1xf32, #tpu.memory_space<hbm>>
      %dma_start3A_17 = arith.constant 0 : i32
      %dma_start3A_18 = tpu.memref_slice %arg5[%arg0, %mul3A_14, %dma_start3A_17] : memref<2x50176x1xf32, #tpu.memory_space<hbm>> -> memref<1x3136x1xf32, #tpu.memory_space<hbm>>
      %dma_start3A_19 = tpu.memref_squeeze %dma_start3A_18 : memref<1x3136x1xf32, #tpu.memory_space<hbm>> -> memref<3136x1xf32, #tpu.memory_space<hbm>>
      tpu.enqueue_dma source(%arg8 : memref<3136x1xf32, #tpu.memory_space<vmem>>) target(%dma_start3A_19 : memref<3136x1xf32, #tpu.memory_space<hbm>>) target_semaphore(%run_scoped3A : memref<!tpu.dma_semaphore, #tpu.memory_space<semaphore_mem>>)
      %dma_wait3A = arith.constant 0 : i32
      %dma_wait3A_20 = tpu.memref_slice %arg5[%arg0, %mul3A_14, %dma_wait3A] : memref<2x50176x1xf32, #tpu.memory_space<hbm>> -> memref<1x3136x1xf32, #tpu.memory_space<hbm>>
      %dma_wait3A_21 = tpu.memref_squeeze %dma_wait3A_20 : memref<1x3136x1xf32, #tpu.memory_space<hbm>> -> memref<3136x1xf32, #tpu.memory_space<hbm>>
      %dma_wait3A_22 = arith.constant 0 : i32
      %dma_wait3A_23 = tpu.memref_slice %arg5[%arg0, %mul3A_14, %dma_wait3A_22] : memref<2x50176x1xf32, #tpu.memory_space<hbm>> -> memref<1x3136x1xf32, #tpu.memory_space<hbm>>
      %dma_wait3A_24 = tpu.memref_squeeze %dma_wait3A_23 : memref<1x3136x1xf32, #tpu.memory_space<hbm>> -> memref<3136x1xf32, #tpu.memory_space<hbm>>
      tpu.wait_dma2 semaphore(%run_scoped3A : memref<!tpu.dma_semaphore, #tpu.memory_space<semaphore_mem>>) src(%arg8 : memref<3136x1xf32, #tpu.memory_space<vmem>>) dst(%dma_wait3A_24 : memref<3136x1xf32, #tpu.memory_space<hbm>>)
      tpu.yield
    }) : () -> ()
    return
  }
}

#map = affine_map<(d0, d1) -> (0, 0)>
#map1 = affine_map<(d0, d1) -> (0)>
#map2 = affine_map<(d0, d1) -> (0, 0, 0)>
module attributes {stable_mosaic.version = 14 : i64} {
  func.func @_sc_scatter(%arg0: i32, %arg1: i32, %arg2: memref<50176x3xf32, #tpu.memory_space<hbm>>, %arg3: memref<1600000xi32, #tpu.memory_space<hbm>>, %arg4: memref<1600000xi32, #tpu.memory_space<hbm>>, %arg5: memref<3136x3xf32, #tpu.memory_space<hbm>>, %arg6: memref<2x50176x3xf32, #tpu.memory_space<hbm>>, %arg7: memref<2000xi32, #tpu.memory_space<vmem>>, %arg8: memref<2000xi32, #tpu.memory_space<vmem>>, %arg9: memref<2000x3xf32, #tpu.memory_space<vmem>>, %arg10: memref<3136x3xf32, #tpu.memory_space<vmem>>, %arg11: memref<50176x3xf32, #tpu.memory_space<vmem_shared>>, %arg12: memref<!tpu.dma_semaphore, #tpu.memory_space<semaphore_mem>>) attributes {dimension_semantics = [#tpu.dimension_semantics<core_parallel>, #tpu.dimension_semantics<subcore_parallel>], iteration_bounds = array<i64: 2, 16>, scalar_prefetch = 0 : i64, scratch_operands = 6 : i64, tpu.core_type = #tpu.core_type<sc_vector_subcore>, window_params = [{transform_indices = #map}, {transform_indices = #map1}, {transform_indices = #map1}, {transform_indices = #map}, {transform_indices = #map2}]} {
    %mul3A = arith.constant 16 : i32
    %mul3A_0 = arith.muli %arg0, %mul3A : i32
    %add3A = arith.addi %mul3A_0, %arg1 : i32
    "tpu.region"() ({
      %run_scoped3A = tpu.sem_alloc : memref<!tpu.dma_semaphore, #tpu.memory_space<semaphore_mem>>
      tpu.enqueue_dma source(%arg5 : memref<3136x3xf32, #tpu.memory_space<hbm>>) target(%arg10 : memref<3136x3xf32, #tpu.memory_space<vmem>>) target_semaphore(%run_scoped3A : memref<!tpu.dma_semaphore, #tpu.memory_space<semaphore_mem>>)
      tpu.wait_dma2 semaphore(%run_scoped3A : memref<!tpu.dma_semaphore, #tpu.memory_space<semaphore_mem>>) src(%arg5 : memref<3136x3xf32, #tpu.memory_space<hbm>>) dst(%arg10 : memref<3136x3xf32, #tpu.memory_space<vmem>>)
      tpu.yield
    }) : () -> ()
    %mul3A_1 = arith.constant 3136 : i32
    %mul3A_2 = arith.muli %arg1, %mul3A_1 : i32
    "tpu.region"() ({
      %run_scoped3A = tpu.sem_alloc : memref<!tpu.dma_semaphore, #tpu.memory_space<semaphore_mem>>
      %dma_start3A = arith.constant 0 : i32
      %dma_start3A_15 = tpu.memref_slice %arg11[%mul3A_2, %dma_start3A] : memref<50176x3xf32, #tpu.memory_space<vmem_shared>> -> memref<3136x3xf32, #tpu.memory_space<vmem_shared>>
      %dma_start3A_16 = arith.constant 0 : i32
      %dma_start3A_17 = tpu.memref_slice %arg11[%mul3A_2, %dma_start3A_16] : memref<50176x3xf32, #tpu.memory_space<vmem_shared>> -> memref<3136x3xf32, #tpu.memory_space<vmem_shared>>
      tpu.enqueue_dma source(%arg10 : memref<3136x3xf32, #tpu.memory_space<vmem>>) target(%dma_start3A_17 : memref<3136x3xf32, #tpu.memory_space<vmem_shared>>) target_semaphore(%run_scoped3A : memref<!tpu.dma_semaphore, #tpu.memory_space<semaphore_mem>>)
      %dma_wait3A = arith.constant 0 : i32
      %dma_wait3A_18 = tpu.memref_slice %arg11[%mul3A_2, %dma_wait3A] : memref<50176x3xf32, #tpu.memory_space<vmem_shared>> -> memref<3136x3xf32, #tpu.memory_space<vmem_shared>>
      %dma_wait3A_19 = arith.constant 0 : i32
      %dma_wait3A_20 = tpu.memref_slice %arg11[%mul3A_2, %dma_wait3A_19] : memref<50176x3xf32, #tpu.memory_space<vmem_shared>> -> memref<3136x3xf32, #tpu.memory_space<vmem_shared>>
      tpu.wait_dma2 semaphore(%run_scoped3A : memref<!tpu.dma_semaphore, #tpu.memory_space<semaphore_mem>>) src(%arg10 : memref<3136x3xf32, #tpu.memory_space<vmem>>) dst(%dma_wait3A_20 : memref<3136x3xf32, #tpu.memory_space<vmem_shared>>)
      tpu.yield
    }) : () -> ()
    %barrier3A = arith.constant 0 : index
    tpu.barrier barrier_id(%barrier3A)
    %mul3A_3 = arith.constant 50000 : i32
    %mul3A_4 = arith.muli %add3A, %mul3A_3 : i32
    %scan3A = arith.constant 0 : i32
    %scan3A_5 = arith.constant 0 : i32
    %scan3A_6 = arith.constant 25 : i32
    %scan3A_7 = arith.addi %scan3A_5, %scan3A_6 : i32
    %scan3A_8 = arith.constant 1 : i32
    scf.for %scan3A_15 = %scan3A_5 to %scan3A_7 step %scan3A_8  : i32 {
      %mul3A_16 = arith.constant 2000 : i32
      %mul3A_17 = arith.muli %scan3A_15, %mul3A_16 : i32
      %add3A_18 = arith.addi %mul3A_4, %mul3A_17 : i32
      "tpu.region"() ({
        %run_scoped3A = tpu.sem_alloc : memref<!tpu.dma_semaphore, #tpu.memory_space<semaphore_mem>>
        %dma_start3A_23 = tpu.memref_slice %arg3[%add3A_18] : memref<1600000xi32, #tpu.memory_space<hbm>> -> memref<2000xi32, #tpu.memory_space<hbm>>
        %dma_start3A_24 = tpu.memref_slice %arg3[%add3A_18] : memref<1600000xi32, #tpu.memory_space<hbm>> -> memref<2000xi32, #tpu.memory_space<hbm>>
        tpu.enqueue_dma source(%dma_start3A_24 : memref<2000xi32, #tpu.memory_space<hbm>>) target(%arg7 : memref<2000xi32, #tpu.memory_space<vmem>>) target_semaphore(%run_scoped3A : memref<!tpu.dma_semaphore, #tpu.memory_space<semaphore_mem>>)
        %dma_wait3A_25 = tpu.memref_slice %arg3[%add3A_18] : memref<1600000xi32, #tpu.memory_space<hbm>> -> memref<2000xi32, #tpu.memory_space<hbm>>
        %dma_wait3A_26 = tpu.memref_slice %arg3[%add3A_18] : memref<1600000xi32, #tpu.memory_space<hbm>> -> memref<2000xi32, #tpu.memory_space<hbm>>
        tpu.wait_dma2 semaphore(%run_scoped3A : memref<!tpu.dma_semaphore, #tpu.memory_space<semaphore_mem>>) src(%dma_wait3A_26 : memref<2000xi32, #tpu.memory_space<hbm>>) dst(%arg7 : memref<2000xi32, #tpu.memory_space<vmem>>)
        tpu.yield
      }) : () -> ()
      %dma_start3A = arith.constant 0 : i32
      %dma_start3A_19 = arith.constant 0 : i32
      %dma_start3A_20 = tpu.memref_slice %arg2[%dma_start3A, %dma_start3A_19] : memref<50176x3xf32, #tpu.memory_space<hbm>> -> memref<50176x3xf32, #tpu.memory_space<hbm>>
      tpu.enqueue_indirect_dma source(%dma_start3A_20 : memref<50176x3xf32, #tpu.memory_space<hbm>>) target(%arg9 : memref<2000x3xf32, #tpu.memory_space<vmem>>) offsets(%arg7 : memref<2000xi32, #tpu.memory_space<vmem>>) semaphore(%arg12 : memref<!tpu.dma_semaphore, #tpu.memory_space<semaphore_mem>>)
      %dma_wait3A = arith.constant 0 : i32
      %dma_wait3A_21 = arith.constant 0 : i32
      %dma_wait3A_22 = tpu.memref_slice %arg2[%dma_wait3A, %dma_wait3A_21] : memref<50176x3xf32, #tpu.memory_space<hbm>> -> memref<50176x3xf32, #tpu.memory_space<hbm>>
      tpu.wait_indirect_dma semaphore(%arg12 : memref<!tpu.dma_semaphore, #tpu.memory_space<semaphore_mem>>) src(%dma_wait3A_22 : memref<50176x3xf32, #tpu.memory_space<hbm>>) dst(%arg9 : memref<2000x3xf32, #tpu.memory_space<vmem>>)
      "tpu.region"() ({
        %run_scoped3A = tpu.sem_alloc : memref<!tpu.dma_semaphore, #tpu.memory_space<semaphore_mem>>
        %dma_start3A_23 = tpu.memref_slice %arg4[%add3A_18] : memref<1600000xi32, #tpu.memory_space<hbm>> -> memref<2000xi32, #tpu.memory_space<hbm>>
        %dma_start3A_24 = tpu.memref_slice %arg4[%add3A_18] : memref<1600000xi32, #tpu.memory_space<hbm>> -> memref<2000xi32, #tpu.memory_space<hbm>>
        tpu.enqueue_dma source(%dma_start3A_24 : memref<2000xi32, #tpu.memory_space<hbm>>) target(%arg8 : memref<2000xi32, #tpu.memory_space<vmem>>) target_semaphore(%run_scoped3A : memref<!tpu.dma_semaphore, #tpu.memory_space<semaphore_mem>>)
        %dma_wait3A_25 = tpu.memref_slice %arg4[%add3A_18] : memref<1600000xi32, #tpu.memory_space<hbm>> -> memref<2000xi32, #tpu.memory_space<hbm>>
        %dma_wait3A_26 = tpu.memref_slice %arg4[%add3A_18] : memref<1600000xi32, #tpu.memory_space<hbm>> -> memref<2000xi32, #tpu.memory_space<hbm>>
        tpu.wait_dma2 semaphore(%run_scoped3A : memref<!tpu.dma_semaphore, #tpu.memory_space<semaphore_mem>>) src(%dma_wait3A_26 : memref<2000xi32, #tpu.memory_space<hbm>>) dst(%arg8 : memref<2000xi32, #tpu.memory_space<vmem>>)
        tpu.yield
      }) : () -> ()
      "tpu.region"() ({
        %run_scoped3A = tpu.sem_alloc : memref<!tpu.dma_semaphore, #tpu.memory_space<semaphore_mem>>
        %dma_start3A_23 = arith.constant 0 : i32
        %dma_start3A_24 = arith.constant 0 : i32
        %dma_start3A_25 = tpu.memref_slice %arg11[%dma_start3A_23, %dma_start3A_24] : memref<50176x3xf32, #tpu.memory_space<vmem_shared>> -> memref<50176x3xf32, #tpu.memory_space<vmem_shared>>
        tpu.enqueue_indirect_dma source(%arg9 : memref<2000x3xf32, #tpu.memory_space<vmem>>) target(%dma_start3A_25 : memref<50176x3xf32, #tpu.memory_space<vmem_shared>>) offsets(%arg8 : memref<2000xi32, #tpu.memory_space<vmem>>) semaphore(%run_scoped3A : memref<!tpu.dma_semaphore, #tpu.memory_space<semaphore_mem>>) {add = true}
        %dma_wait3A_26 = arith.constant 0 : i32
        %dma_wait3A_27 = arith.constant 0 : i32
        %dma_wait3A_28 = tpu.memref_slice %arg11[%dma_wait3A_26, %dma_wait3A_27] : memref<50176x3xf32, #tpu.memory_space<vmem_shared>> -> memref<50176x3xf32, #tpu.memory_space<vmem_shared>>
        tpu.wait_indirect_dma semaphore(%run_scoped3A : memref<!tpu.dma_semaphore, #tpu.memory_space<semaphore_mem>>) src(%arg9 : memref<2000x3xf32, #tpu.memory_space<vmem>>) dst(%dma_wait3A_28 : memref<50176x3xf32, #tpu.memory_space<vmem_shared>>)
        tpu.yield
      }) : () -> ()
    }
    %scan3A_9 = arith.constant 25 : i32
    %barrier3A_10 = arith.constant 0 : index
    tpu.barrier barrier_id(%barrier3A_10)
    %mul3A_11 = arith.constant 3136 : i32
    %mul3A_12 = arith.muli %arg1, %mul3A_11 : i32
    "tpu.region"() ({
      %run_scoped3A = tpu.sem_alloc : memref<!tpu.dma_semaphore, #tpu.memory_space<semaphore_mem>>
      %dma_start3A = arith.constant 0 : i32
      %dma_start3A_15 = tpu.memref_slice %arg11[%mul3A_12, %dma_start3A] : memref<50176x3xf32, #tpu.memory_space<vmem_shared>> -> memref<3136x3xf32, #tpu.memory_space<vmem_shared>>
      %dma_start3A_16 = arith.constant 0 : i32
      %dma_start3A_17 = tpu.memref_slice %arg11[%mul3A_12, %dma_start3A_16] : memref<50176x3xf32, #tpu.memory_space<vmem_shared>> -> memref<3136x3xf32, #tpu.memory_space<vmem_shared>>
      tpu.enqueue_dma source(%dma_start3A_17 : memref<3136x3xf32, #tpu.memory_space<vmem_shared>>) target(%arg10 : memref<3136x3xf32, #tpu.memory_space<vmem>>) target_semaphore(%run_scoped3A : memref<!tpu.dma_semaphore, #tpu.memory_space<semaphore_mem>>)
      %dma_wait3A = arith.constant 0 : i32
      %dma_wait3A_18 = tpu.memref_slice %arg11[%mul3A_12, %dma_wait3A] : memref<50176x3xf32, #tpu.memory_space<vmem_shared>> -> memref<3136x3xf32, #tpu.memory_space<vmem_shared>>
      %dma_wait3A_19 = arith.constant 0 : i32
      %dma_wait3A_20 = tpu.memref_slice %arg11[%mul3A_12, %dma_wait3A_19] : memref<50176x3xf32, #tpu.memory_space<vmem_shared>> -> memref<3136x3xf32, #tpu.memory_space<vmem_shared>>
      tpu.wait_dma2 semaphore(%run_scoped3A : memref<!tpu.dma_semaphore, #tpu.memory_space<semaphore_mem>>) src(%dma_wait3A_20 : memref<3136x3xf32, #tpu.memory_space<vmem_shared>>) dst(%arg10 : memref<3136x3xf32, #tpu.memory_space<vmem>>)
      tpu.yield
    }) : () -> ()
    %mul3A_13 = arith.constant 3136 : i32
    %mul3A_14 = arith.muli %arg1, %mul3A_13 : i32
    "tpu.region"() ({
      %run_scoped3A = tpu.sem_alloc : memref<!tpu.dma_semaphore, #tpu.memory_space<semaphore_mem>>
      %dma_start3A = arith.constant 0 : i32
      %dma_start3A_15 = tpu.memref_slice %arg6[%arg0, %mul3A_14, %dma_start3A] : memref<2x50176x3xf32, #tpu.memory_space<hbm>> -> memref<1x3136x3xf32, #tpu.memory_space<hbm>>
      %dma_start3A_16 = tpu.memref_squeeze %dma_start3A_15 : memref<1x3136x3xf32, #tpu.memory_space<hbm>> -> memref<3136x3xf32, #tpu.memory_space<hbm>>
      %dma_start3A_17 = arith.constant 0 : i32
      %dma_start3A_18 = tpu.memref_slice %arg6[%arg0, %mul3A_14, %dma_start3A_17] : memref<2x50176x3xf32, #tpu.memory_space<hbm>> -> memref<1x3136x3xf32, #tpu.memory_space<hbm>>
      %dma_start3A_19 = tpu.memref_squeeze %dma_start3A_18 : memref<1x3136x3xf32, #tpu.memory_space<hbm>> -> memref<3136x3xf32, #tpu.memory_space<hbm>>
      tpu.enqueue_dma source(%arg10 : memref<3136x3xf32, #tpu.memory_space<vmem>>) target(%dma_start3A_19 : memref<3136x3xf32, #tpu.memory_space<hbm>>) target_semaphore(%run_scoped3A : memref<!tpu.dma_semaphore, #tpu.memory_space<semaphore_mem>>)
      %dma_wait3A = arith.constant 0 : i32
      %dma_wait3A_20 = tpu.memref_slice %arg6[%arg0, %mul3A_14, %dma_wait3A] : memref<2x50176x3xf32, #tpu.memory_space<hbm>> -> memref<1x3136x3xf32, #tpu.memory_space<hbm>>
      %dma_wait3A_21 = tpu.memref_squeeze %dma_wait3A_20 : memref<1x3136x3xf32, #tpu.memory_space<hbm>> -> memref<3136x3xf32, #tpu.memory_space<hbm>>
      %dma_wait3A_22 = arith.constant 0 : i32
      %dma_wait3A_23 = tpu.memref_slice %arg6[%arg0, %mul3A_14, %dma_wait3A_22] : memref<2x50176x3xf32, #tpu.memory_space<hbm>> -> memref<1x3136x3xf32, #tpu.memory_space<hbm>>
      %dma_wait3A_24 = tpu.memref_squeeze %dma_wait3A_23 : memref<1x3136x3xf32, #tpu.memory_space<hbm>> -> memref<3136x3xf32, #tpu.memory_space<hbm>>
      tpu.wait_dma2 semaphore(%run_scoped3A : memref<!tpu.dma_semaphore, #tpu.memory_space<semaphore_mem>>) src(%arg10 : memref<3136x3xf32, #tpu.memory_space<vmem>>) dst(%dma_wait3A_24 : memref<3136x3xf32, #tpu.memory_space<hbm>>)
      tpu.yield
    }) : () -> ()
    return
  }
}

#map = affine_map<(d0, d1) -> (0, 0)>
#map1 = affine_map<(d0, d1) -> (0)>
#map2 = affine_map<(d0, d1) -> (0, 0, 0)>
module attributes {stable_mosaic.version = 14 : i64} {
  func.func @_sc_scatter(%arg0: i32, %arg1: i32, %arg2: memref<50176x3xf32, #tpu.memory_space<hbm>>, %arg3: memref<1600000xi32, #tpu.memory_space<hbm>>, %arg4: memref<1600000xi32, #tpu.memory_space<hbm>>, %arg5: memref<3136x3xf32, #tpu.memory_space<hbm>>, %arg6: memref<2x50176x3xf32, #tpu.memory_space<hbm>>, %arg7: memref<2000xi32, #tpu.memory_space<vmem>>, %arg8: memref<2000xi32, #tpu.memory_space<vmem>>, %arg9: memref<2000x3xf32, #tpu.memory_space<vmem>>, %arg10: memref<3136x3xf32, #tpu.memory_space<vmem>>, %arg11: memref<50176x3xf32, #tpu.memory_space<vmem_shared>>, %arg12: memref<!tpu.dma_semaphore, #tpu.memory_space<semaphore_mem>>) attributes {dimension_semantics = [#tpu.dimension_semantics<core_parallel>, #tpu.dimension_semantics<subcore_parallel>], iteration_bounds = array<i64: 2, 16>, scalar_prefetch = 0 : i64, scratch_operands = 6 : i64, tpu.core_type = #tpu.core_type<sc_vector_subcore>, window_params = [{transform_indices = #map}, {transform_indices = #map1}, {transform_indices = #map1}, {transform_indices = #map}, {transform_indices = #map2}]} {
    %mul3A = arith.constant 16 : i32
    %mul3A_0 = arith.muli %arg0, %mul3A : i32
    %add3A = arith.addi %mul3A_0, %arg1 : i32
    "tpu.region"() ({
      %run_scoped3A = tpu.sem_alloc : memref<!tpu.dma_semaphore, #tpu.memory_space<semaphore_mem>>
      tpu.enqueue_dma source(%arg5 : memref<3136x3xf32, #tpu.memory_space<hbm>>) target(%arg10 : memref<3136x3xf32, #tpu.memory_space<vmem>>) target_semaphore(%run_scoped3A : memref<!tpu.dma_semaphore, #tpu.memory_space<semaphore_mem>>)
      tpu.wait_dma2 semaphore(%run_scoped3A : memref<!tpu.dma_semaphore, #tpu.memory_space<semaphore_mem>>) src(%arg5 : memref<3136x3xf32, #tpu.memory_space<hbm>>) dst(%arg10 : memref<3136x3xf32, #tpu.memory_space<vmem>>)
      tpu.yield
    }) : () -> ()
    %mul3A_1 = arith.constant 3136 : i32
    %mul3A_2 = arith.muli %arg1, %mul3A_1 : i32
    "tpu.region"() ({
      %run_scoped3A = tpu.sem_alloc : memref<!tpu.dma_semaphore, #tpu.memory_space<semaphore_mem>>
      %dma_start3A = arith.constant 0 : i32
      %dma_start3A_15 = tpu.memref_slice %arg11[%mul3A_2, %dma_start3A] : memref<50176x3xf32, #tpu.memory_space<vmem_shared>> -> memref<3136x3xf32, #tpu.memory_space<vmem_shared>>
      %dma_start3A_16 = arith.constant 0 : i32
      %dma_start3A_17 = tpu.memref_slice %arg11[%mul3A_2, %dma_start3A_16] : memref<50176x3xf32, #tpu.memory_space<vmem_shared>> -> memref<3136x3xf32, #tpu.memory_space<vmem_shared>>
      tpu.enqueue_dma source(%arg10 : memref<3136x3xf32, #tpu.memory_space<vmem>>) target(%dma_start3A_17 : memref<3136x3xf32, #tpu.memory_space<vmem_shared>>) target_semaphore(%run_scoped3A : memref<!tpu.dma_semaphore, #tpu.memory_space<semaphore_mem>>)
      %dma_wait3A = arith.constant 0 : i32
      %dma_wait3A_18 = tpu.memref_slice %arg11[%mul3A_2, %dma_wait3A] : memref<50176x3xf32, #tpu.memory_space<vmem_shared>> -> memref<3136x3xf32, #tpu.memory_space<vmem_shared>>
      %dma_wait3A_19 = arith.constant 0 : i32
      %dma_wait3A_20 = tpu.memref_slice %arg11[%mul3A_2, %dma_wait3A_19] : memref<50176x3xf32, #tpu.memory_space<vmem_shared>> -> memref<3136x3xf32, #tpu.memory_space<vmem_shared>>
      tpu.wait_dma2 semaphore(%run_scoped3A : memref<!tpu.dma_semaphore, #tpu.memory_space<semaphore_mem>>) src(%arg10 : memref<3136x3xf32, #tpu.memory_space<vmem>>) dst(%dma_wait3A_20 : memref<3136x3xf32, #tpu.memory_space<vmem_shared>>)
      tpu.yield
    }) : () -> ()
    %barrier3A = arith.constant 0 : index
    tpu.barrier barrier_id(%barrier3A)
    %mul3A_3 = arith.constant 50000 : i32
    %mul3A_4 = arith.muli %add3A, %mul3A_3 : i32
    %scan3A = arith.constant 0 : i32
    %scan3A_5 = arith.constant 0 : i32
    %scan3A_6 = arith.constant 25 : i32
    %scan3A_7 = arith.addi %scan3A_5, %scan3A_6 : i32
    %scan3A_8 = arith.constant 1 : i32
    scf.for %scan3A_15 = %scan3A_5 to %scan3A_7 step %scan3A_8  : i32 {
      %mul3A_16 = arith.constant 2000 : i32
      %mul3A_17 = arith.muli %scan3A_15, %mul3A_16 : i32
      %add3A_18 = arith.addi %mul3A_4, %mul3A_17 : i32
      "tpu.region"() ({
        %run_scoped3A = tpu.sem_alloc : memref<!tpu.dma_semaphore, #tpu.memory_space<semaphore_mem>>
        %dma_start3A_23 = tpu.memref_slice %arg3[%add3A_18] : memref<1600000xi32, #tpu.memory_space<hbm>> -> memref<2000xi32, #tpu.memory_space<hbm>>
        %dma_start3A_24 = tpu.memref_slice %arg3[%add3A_18] : memref<1600000xi32, #tpu.memory_space<hbm>> -> memref<2000xi32, #tpu.memory_space<hbm>>
        tpu.enqueue_dma source(%dma_start3A_24 : memref<2000xi32, #tpu.memory_space<hbm>>) target(%arg7 : memref<2000xi32, #tpu.memory_space<vmem>>) target_semaphore(%run_scoped3A : memref<!tpu.dma_semaphore, #tpu.memory_space<semaphore_mem>>)
        %dma_wait3A_25 = tpu.memref_slice %arg3[%add3A_18] : memref<1600000xi32, #tpu.memory_space<hbm>> -> memref<2000xi32, #tpu.memory_space<hbm>>
        %dma_wait3A_26 = tpu.memref_slice %arg3[%add3A_18] : memref<1600000xi32, #tpu.memory_space<hbm>> -> memref<2000xi32, #tpu.memory_space<hbm>>
        tpu.wait_dma2 semaphore(%run_scoped3A : memref<!tpu.dma_semaphore, #tpu.memory_space<semaphore_mem>>) src(%dma_wait3A_26 : memref<2000xi32, #tpu.memory_space<hbm>>) dst(%arg7 : memref<2000xi32, #tpu.memory_space<vmem>>)
        tpu.yield
      }) : () -> ()
      %dma_start3A = arith.constant 0 : i32
      %dma_start3A_19 = arith.constant 0 : i32
      %dma_start3A_20 = tpu.memref_slice %arg2[%dma_start3A, %dma_start3A_19] : memref<50176x3xf32, #tpu.memory_space<hbm>> -> memref<50176x3xf32, #tpu.memory_space<hbm>>
      tpu.enqueue_indirect_dma source(%dma_start3A_20 : memref<50176x3xf32, #tpu.memory_space<hbm>>) target(%arg9 : memref<2000x3xf32, #tpu.memory_space<vmem>>) offsets(%arg7 : memref<2000xi32, #tpu.memory_space<vmem>>) semaphore(%arg12 : memref<!tpu.dma_semaphore, #tpu.memory_space<semaphore_mem>>)
      %dma_wait3A = arith.constant 0 : i32
      %dma_wait3A_21 = arith.constant 0 : i32
      %dma_wait3A_22 = tpu.memref_slice %arg2[%dma_wait3A, %dma_wait3A_21] : memref<50176x3xf32, #tpu.memory_space<hbm>> -> memref<50176x3xf32, #tpu.memory_space<hbm>>
      tpu.wait_indirect_dma semaphore(%arg12 : memref<!tpu.dma_semaphore, #tpu.memory_space<semaphore_mem>>) src(%dma_wait3A_22 : memref<50176x3xf32, #tpu.memory_space<hbm>>) dst(%arg9 : memref<2000x3xf32, #tpu.memory_space<vmem>>)
      "tpu.region"() ({
        %run_scoped3A = tpu.sem_alloc : memref<!tpu.dma_semaphore, #tpu.memory_space<semaphore_mem>>
        %dma_start3A_23 = tpu.memref_slice %arg4[%add3A_18] : memref<1600000xi32, #tpu.memory_space<hbm>> -> memref<2000xi32, #tpu.memory_space<hbm>>
        %dma_start3A_24 = tpu.memref_slice %arg4[%add3A_18] : memref<1600000xi32, #tpu.memory_space<hbm>> -> memref<2000xi32, #tpu.memory_space<hbm>>
        tpu.enqueue_dma source(%dma_start3A_24 : memref<2000xi32, #tpu.memory_space<hbm>>) target(%arg8 : memref<2000xi32, #tpu.memory_space<vmem>>) target_semaphore(%run_scoped3A : memref<!tpu.dma_semaphore, #tpu.memory_space<semaphore_mem>>)
        %dma_wait3A_25 = tpu.memref_slice %arg4[%add3A_18] : memref<1600000xi32, #tpu.memory_space<hbm>> -> memref<2000xi32, #tpu.memory_space<hbm>>
        %dma_wait3A_26 = tpu.memref_slice %arg4[%add3A_18] : memref<1600000xi32, #tpu.memory_space<hbm>> -> memref<2000xi32, #tpu.memory_space<hbm>>
        tpu.wait_dma2 semaphore(%run_scoped3A : memref<!tpu.dma_semaphore, #tpu.memory_space<semaphore_mem>>) src(%dma_wait3A_26 : memref<2000xi32, #tpu.memory_space<hbm>>) dst(%arg8 : memref<2000xi32, #tpu.memory_space<vmem>>)
        tpu.yield
      }) : () -> ()
      "tpu.region"() ({
        %run_scoped3A = tpu.sem_alloc : memref<!tpu.dma_semaphore, #tpu.memory_space<semaphore_mem>>
        %dma_start3A_23 = arith.constant 0 : i32
        %dma_start3A_24 = arith.constant 0 : i32
        %dma_start3A_25 = tpu.memref_slice %arg11[%dma_start3A_23, %dma_start3A_24] : memref<50176x3xf32, #tpu.memory_space<vmem_shared>> -> memref<50176x3xf32, #tpu.memory_space<vmem_shared>>
        tpu.enqueue_indirect_dma source(%arg9 : memref<2000x3xf32, #tpu.memory_space<vmem>>) target(%dma_start3A_25 : memref<50176x3xf32, #tpu.memory_space<vmem_shared>>) offsets(%arg8 : memref<2000xi32, #tpu.memory_space<vmem>>) semaphore(%run_scoped3A : memref<!tpu.dma_semaphore, #tpu.memory_space<semaphore_mem>>) {add = true}
        %dma_wait3A_26 = arith.constant 0 : i32
        %dma_wait3A_27 = arith.constant 0 : i32
        %dma_wait3A_28 = tpu.memref_slice %arg11[%dma_wait3A_26, %dma_wait3A_27] : memref<50176x3xf32, #tpu.memory_space<vmem_shared>> -> memref<50176x3xf32, #tpu.memory_space<vmem_shared>>
        tpu.wait_indirect_dma semaphore(%run_scoped3A : memref<!tpu.dma_semaphore, #tpu.memory_space<semaphore_mem>>) src(%arg9 : memref<2000x3xf32, #tpu.memory_space<vmem>>) dst(%dma_wait3A_28 : memref<50176x3xf32, #tpu.memory_space<vmem_shared>>)
        tpu.yield
      }) : () -> ()
    }
    %scan3A_9 = arith.constant 25 : i32
    %barrier3A_10 = arith.constant 0 : index
    tpu.barrier barrier_id(%barrier3A_10)
    %mul3A_11 = arith.constant 3136 : i32
    %mul3A_12 = arith.muli %arg1, %mul3A_11 : i32
    "tpu.region"() ({
      %run_scoped3A = tpu.sem_alloc : memref<!tpu.dma_semaphore, #tpu.memory_space<semaphore_mem>>
      %dma_start3A = arith.constant 0 : i32
      %dma_start3A_15 = tpu.memref_slice %arg11[%mul3A_12, %dma_start3A] : memref<50176x3xf32, #tpu.memory_space<vmem_shared>> -> memref<3136x3xf32, #tpu.memory_space<vmem_shared>>
      %dma_start3A_16 = arith.constant 0 : i32
      %dma_start3A_17 = tpu.memref_slice %arg11[%mul3A_12, %dma_start3A_16] : memref<50176x3xf32, #tpu.memory_space<vmem_shared>> -> memref<3136x3xf32, #tpu.memory_space<vmem_shared>>
      tpu.enqueue_dma source(%dma_start3A_17 : memref<3136x3xf32, #tpu.memory_space<vmem_shared>>) target(%arg10 : memref<3136x3xf32, #tpu.memory_space<vmem>>) target_semaphore(%run_scoped3A : memref<!tpu.dma_semaphore, #tpu.memory_space<semaphore_mem>>)
      %dma_wait3A = arith.constant 0 : i32
      %dma_wait3A_18 = tpu.memref_slice %arg11[%mul3A_12, %dma_wait3A] : memref<50176x3xf32, #tpu.memory_space<vmem_shared>> -> memref<3136x3xf32, #tpu.memory_space<vmem_shared>>
      %dma_wait3A_19 = arith.constant 0 : i32
      %dma_wait3A_20 = tpu.memref_slice %arg11[%mul3A_12, %dma_wait3A_19] : memref<50176x3xf32, #tpu.memory_space<vmem_shared>> -> memref<3136x3xf32, #tpu.memory_space<vmem_shared>>
      tpu.wait_dma2 semaphore(%run_scoped3A : memref<!tpu.dma_semaphore, #tpu.memory_space<semaphore_mem>>) src(%dma_wait3A_20 : memref<3136x3xf32, #tpu.memory_space<vmem_shared>>) dst(%arg10 : memref<3136x3xf32, #tpu.memory_space<vmem>>)
      tpu.yield
    }) : () -> ()
    %mul3A_13 = arith.constant 3136 : i32
    %mul3A_14 = arith.muli %arg1, %mul3A_13 : i32
    "tpu.region"() ({
      %run_scoped3A = tpu.sem_alloc : memref<!tpu.dma_semaphore, #tpu.memory_space<semaphore_mem>>
      %dma_start3A = arith.constant 0 : i32
      %dma_start3A_15 = tpu.memref_slice %arg6[%arg0, %mul3A_14, %dma_start3A] : memref<2x50176x3xf32, #tpu.memory_space<hbm>> -> memref<1x3136x3xf32, #tpu.memory_space<hbm>>
      %dma_start3A_16 = tpu.memref_squeeze %dma_start3A_15 : memref<1x3136x3xf32, #tpu.memory_space<hbm>> -> memref<3136x3xf32, #tpu.memory_space<hbm>>
      %dma_start3A_17 = arith.constant 0 : i32
      %dma_start3A_18 = tpu.memref_slice %arg6[%arg0, %mul3A_14, %dma_start3A_17] : memref<2x50176x3xf32, #tpu.memory_space<hbm>> -> memref<1x3136x3xf32, #tpu.memory_space<hbm>>
      %dma_start3A_19 = tpu.memref_squeeze %dma_start3A_18 : memref<1x3136x3xf32, #tpu.memory_space<hbm>> -> memref<3136x3xf32, #tpu.memory_space<hbm>>
      tpu.enqueue_dma source(%arg10 : memref<3136x3xf32, #tpu.memory_space<vmem>>) target(%dma_start3A_19 : memref<3136x3xf32, #tpu.memory_space<hbm>>) target_semaphore(%run_scoped3A : memref<!tpu.dma_semaphore, #tpu.memory_space<semaphore_mem>>)
      %dma_wait3A = arith.constant 0 : i32
      %dma_wait3A_20 = tpu.memref_slice %arg6[%arg0, %mul3A_14, %dma_wait3A] : memref<2x50176x3xf32, #tpu.memory_space<hbm>> -> memref<1x3136x3xf32, #tpu.memory_space<hbm>>
      %dma_wait3A_21 = tpu.memref_squeeze %dma_wait3A_20 : memref<1x3136x3xf32, #tpu.memory_space<hbm>> -> memref<3136x3xf32, #tpu.memory_space<hbm>>
      %dma_wait3A_22 = arith.constant 0 : i32
      %dma_wait3A_23 = tpu.memref_slice %arg6[%arg0, %mul3A_14, %dma_wait3A_22] : memref<2x50176x3xf32, #tpu.memory_space<hbm>> -> memref<1x3136x3xf32, #tpu.memory_space<hbm>>
      %dma_wait3A_24 = tpu.memref_squeeze %dma_wait3A_23 : memref<1x3136x3xf32, #tpu.memory_space<hbm>> -> memref<3136x3xf32, #tpu.memory_space<hbm>>
      tpu.wait_dma2 semaphore(%run_scoped3A : memref<!tpu.dma_semaphore, #tpu.memory_space<semaphore_mem>>) src(%arg10 : memref<3136x3xf32, #tpu.memory_space<vmem>>) dst(%dma_wait3A_24 : memref<3136x3xf32, #tpu.memory_space<hbm>>)
      tpu.yield
    }) : () -> ()
    return
  }
}

#map = affine_map<(d0, d1) -> (0, 0)>
#map1 = affine_map<(d0, d1) -> (0)>
module attributes {stable_mosaic.version = 14 : i64} {
  func.func @_sc_h2(%arg0: i32, %arg1: i32, %arg2: memref<2x150528xf32, #tpu.memory_space<hbm>>, %arg3: memref<150528xf32, #tpu.memory_space<hbm>>, %arg4: memref<150528xf32, #tpu.memory_space<hbm>>, %arg5: memref<64xf32, #tpu.memory_space<hbm>>, %arg6: memref<802816xf32, #tpu.memory_space<hbm>>, %arg7: memref<4704xf32, #tpu.memory_space<vmem>>, %arg8: memref<4704xf32, #tpu.memory_space<vmem>>, %arg9: memref<4704xf32, #tpu.memory_space<vmem>>, %arg10: memref<4704xf32, #tpu.memory_space<vmem>>, %arg11: memref<64xf32, #tpu.memory_space<vmem>>, %arg12: memref<25088xf32, #tpu.memory_space<vmem>>) attributes {dimension_semantics = [#tpu.dimension_semantics<core_parallel>, #tpu.dimension_semantics<subcore_parallel>], iteration_bounds = array<i64: 2, 16>, scalar_prefetch = 0 : i64, scratch_operands = 6 : i64, tpu.core_type = #tpu.core_type<sc_vector_subcore>, window_params = [{transform_indices = #map}, {transform_indices = #map1}, {transform_indices = #map1}, {transform_indices = #map1}, {transform_indices = #map1}]} {
    %mul3A = arith.constant 16 : i32
    %mul3A_0 = arith.muli %arg0, %mul3A : i32
    %add3A = arith.addi %mul3A_0, %arg1 : i32
    %mul3A_1 = arith.constant 4704 : i32
    %mul3A_2 = arith.muli %add3A, %mul3A_1 : i32
    %run_scoped3A = arith.constant 0 : i32
    "tpu.region"() ({
      %run_scoped3A_24 = tpu.sem_alloc : memref<!tpu.dma_semaphore, #tpu.memory_space<semaphore_mem>>
      %dma_start3A = tpu.memref_slice %arg2[%run_scoped3A, %mul3A_2] : memref<2x150528xf32, #tpu.memory_space<hbm>> -> memref<1x4704xf32, #tpu.memory_space<hbm>>
      %dma_start3A_25 = tpu.memref_squeeze %dma_start3A : memref<1x4704xf32, #tpu.memory_space<hbm>> -> memref<4704xf32, #tpu.memory_space<hbm>>
      %dma_start3A_26 = tpu.memref_slice %arg2[%run_scoped3A, %mul3A_2] : memref<2x150528xf32, #tpu.memory_space<hbm>> -> memref<1x4704xf32, #tpu.memory_space<hbm>>
      %dma_start3A_27 = tpu.memref_squeeze %dma_start3A_26 : memref<1x4704xf32, #tpu.memory_space<hbm>> -> memref<4704xf32, #tpu.memory_space<hbm>>
      tpu.enqueue_dma source(%dma_start3A_27 : memref<4704xf32, #tpu.memory_space<hbm>>) target(%arg7 : memref<4704xf32, #tpu.memory_space<vmem>>) target_semaphore(%run_scoped3A_24 : memref<!tpu.dma_semaphore, #tpu.memory_space<semaphore_mem>>)
      %dma_wait3A = tpu.memref_slice %arg2[%run_scoped3A, %mul3A_2] : memref<2x150528xf32, #tpu.memory_space<hbm>> -> memref<1x4704xf32, #tpu.memory_space<hbm>>
      %dma_wait3A_28 = tpu.memref_squeeze %dma_wait3A : memref<1x4704xf32, #tpu.memory_space<hbm>> -> memref<4704xf32, #tpu.memory_space<hbm>>
      %dma_wait3A_29 = tpu.memref_slice %arg2[%run_scoped3A, %mul3A_2] : memref<2x150528xf32, #tpu.memory_space<hbm>> -> memref<1x4704xf32, #tpu.memory_space<hbm>>
      %dma_wait3A_30 = tpu.memref_squeeze %dma_wait3A_29 : memref<1x4704xf32, #tpu.memory_space<hbm>> -> memref<4704xf32, #tpu.memory_space<hbm>>
      tpu.wait_dma2 semaphore(%run_scoped3A_24 : memref<!tpu.dma_semaphore, #tpu.memory_space<semaphore_mem>>) src(%dma_wait3A_30 : memref<4704xf32, #tpu.memory_space<hbm>>) dst(%arg7 : memref<4704xf32, #tpu.memory_space<vmem>>)
      tpu.yield
    }) : () -> ()
    %run_scoped3A_3 = arith.constant 1 : i32
    "tpu.region"() ({
      %run_scoped3A_24 = tpu.sem_alloc : memref<!tpu.dma_semaphore, #tpu.memory_space<semaphore_mem>>
      %dma_start3A = tpu.memref_slice %arg2[%run_scoped3A_3, %mul3A_2] : memref<2x150528xf32, #tpu.memory_space<hbm>> -> memref<1x4704xf32, #tpu.memory_space<hbm>>
      %dma_start3A_25 = tpu.memref_squeeze %dma_start3A : memref<1x4704xf32, #tpu.memory_space<hbm>> -> memref<4704xf32, #tpu.memory_space<hbm>>
      %dma_start3A_26 = tpu.memref_slice %arg2[%run_scoped3A_3, %mul3A_2] : memref<2x150528xf32, #tpu.memory_space<hbm>> -> memref<1x4704xf32, #tpu.memory_space<hbm>>
      %dma_start3A_27 = tpu.memref_squeeze %dma_start3A_26 : memref<1x4704xf32, #tpu.memory_space<hbm>> -> memref<4704xf32, #tpu.memory_space<hbm>>
      tpu.enqueue_dma source(%dma_start3A_27 : memref<4704xf32, #tpu.memory_space<hbm>>) target(%arg8 : memref<4704xf32, #tpu.memory_space<vmem>>) target_semaphore(%run_scoped3A_24 : memref<!tpu.dma_semaphore, #tpu.memory_space<semaphore_mem>>)
      %dma_wait3A = tpu.memref_slice %arg2[%run_scoped3A_3, %mul3A_2] : memref<2x150528xf32, #tpu.memory_space<hbm>> -> memref<1x4704xf32, #tpu.memory_space<hbm>>
      %dma_wait3A_28 = tpu.memref_squeeze %dma_wait3A : memref<1x4704xf32, #tpu.memory_space<hbm>> -> memref<4704xf32, #tpu.memory_space<hbm>>
      %dma_wait3A_29 = tpu.memref_slice %arg2[%run_scoped3A_3, %mul3A_2] : memref<2x150528xf32, #tpu.memory_space<hbm>> -> memref<1x4704xf32, #tpu.memory_space<hbm>>
      %dma_wait3A_30 = tpu.memref_squeeze %dma_wait3A_29 : memref<1x4704xf32, #tpu.memory_space<hbm>> -> memref<4704xf32, #tpu.memory_space<hbm>>
      tpu.wait_dma2 semaphore(%run_scoped3A_24 : memref<!tpu.dma_semaphore, #tpu.memory_space<semaphore_mem>>) src(%dma_wait3A_30 : memref<4704xf32, #tpu.memory_space<hbm>>) dst(%arg8 : memref<4704xf32, #tpu.memory_space<vmem>>)
      tpu.yield
    }) : () -> ()
    "tpu.region"() ({
      %run_scoped3A_24 = tpu.sem_alloc : memref<!tpu.dma_semaphore, #tpu.memory_space<semaphore_mem>>
      %dma_start3A = tpu.memref_slice %arg3[%mul3A_2] : memref<150528xf32, #tpu.memory_space<hbm>> -> memref<4704xf32, #tpu.memory_space<hbm>>
      %dma_start3A_25 = tpu.memref_slice %arg3[%mul3A_2] : memref<150528xf32, #tpu.memory_space<hbm>> -> memref<4704xf32, #tpu.memory_space<hbm>>
      tpu.enqueue_dma source(%dma_start3A_25 : memref<4704xf32, #tpu.memory_space<hbm>>) target(%arg9 : memref<4704xf32, #tpu.memory_space<vmem>>) target_semaphore(%run_scoped3A_24 : memref<!tpu.dma_semaphore, #tpu.memory_space<semaphore_mem>>)
      %dma_wait3A = tpu.memref_slice %arg3[%mul3A_2] : memref<150528xf32, #tpu.memory_space<hbm>> -> memref<4704xf32, #tpu.memory_space<hbm>>
      %dma_wait3A_26 = tpu.memref_slice %arg3[%mul3A_2] : memref<150528xf32, #tpu.memory_space<hbm>> -> memref<4704xf32, #tpu.memory_space<hbm>>
      tpu.wait_dma2 semaphore(%run_scoped3A_24 : memref<!tpu.dma_semaphore, #tpu.memory_space<semaphore_mem>>) src(%dma_wait3A_26 : memref<4704xf32, #tpu.memory_space<hbm>>) dst(%arg9 : memref<4704xf32, #tpu.memory_space<vmem>>)
      tpu.yield
    }) : () -> ()
    "tpu.region"() ({
      %run_scoped3A_24 = tpu.sem_alloc : memref<!tpu.dma_semaphore, #tpu.memory_space<semaphore_mem>>
      %dma_start3A = tpu.memref_slice %arg4[%mul3A_2] : memref<150528xf32, #tpu.memory_space<hbm>> -> memref<4704xf32, #tpu.memory_space<hbm>>
      %dma_start3A_25 = tpu.memref_slice %arg4[%mul3A_2] : memref<150528xf32, #tpu.memory_space<hbm>> -> memref<4704xf32, #tpu.memory_space<hbm>>
      tpu.enqueue_dma source(%dma_start3A_25 : memref<4704xf32, #tpu.memory_space<hbm>>) target(%arg10 : memref<4704xf32, #tpu.memory_space<vmem>>) target_semaphore(%run_scoped3A_24 : memref<!tpu.dma_semaphore, #tpu.memory_space<semaphore_mem>>)
      %dma_wait3A = tpu.memref_slice %arg4[%mul3A_2] : memref<150528xf32, #tpu.memory_space<hbm>> -> memref<4704xf32, #tpu.memory_space<hbm>>
      %dma_wait3A_26 = tpu.memref_slice %arg4[%mul3A_2] : memref<150528xf32, #tpu.memory_space<hbm>> -> memref<4704xf32, #tpu.memory_space<hbm>>
      tpu.wait_dma2 semaphore(%run_scoped3A_24 : memref<!tpu.dma_semaphore, #tpu.memory_space<semaphore_mem>>) src(%dma_wait3A_26 : memref<4704xf32, #tpu.memory_space<hbm>>) dst(%arg10 : memref<4704xf32, #tpu.memory_space<vmem>>)
      tpu.yield
    }) : () -> ()
    "tpu.region"() ({
      %run_scoped3A_24 = tpu.sem_alloc : memref<!tpu.dma_semaphore, #tpu.memory_space<semaphore_mem>>
      tpu.enqueue_dma source(%arg5 : memref<64xf32, #tpu.memory_space<hbm>>) target(%arg11 : memref<64xf32, #tpu.memory_space<vmem>>) target_semaphore(%run_scoped3A_24 : memref<!tpu.dma_semaphore, #tpu.memory_space<semaphore_mem>>)
      tpu.wait_dma2 semaphore(%run_scoped3A_24 : memref<!tpu.dma_semaphore, #tpu.memory_space<semaphore_mem>>) src(%arg5 : memref<64xf32, #tpu.memory_space<hbm>>) dst(%arg11 : memref<64xf32, #tpu.memory_space<vmem>>)
      tpu.yield
    }) : () -> ()
    %scan3A = arith.constant 0 : i32
    %scan3A_4 = arith.constant 0 : i32
    %scan3A_5 = arith.constant 294 : i32
    %scan3A_6 = arith.addi %scan3A_4, %scan3A_5 : i32
    %scan3A_7 = arith.constant 1 : i32
    scf.for %scan3A_24 = %scan3A_4 to %scan3A_6 step %scan3A_7  : i32 {
      %mul3A_25 = arith.constant 16 : i32
      %mul3A_26 = arith.muli %scan3A_24, %mul3A_25 : i32
      %get3A_27 = arith.index_cast %mul3A_26 : i32 to index
      %get3A_28 = tpu.vector_load %arg10[%get3A_27] {strides = array<i32>} : memref<4704xf32, #tpu.memory_space<vmem>>, vector<16xf32>,
      %get3A_29 = arith.index_cast %mul3A_26 : i32 to index
      %get3A_30 = tpu.vector_load %arg7[%get3A_29] {strides = array<i32>} : memref<4704xf32, #tpu.memory_space<vmem>>, vector<16xf32>,
      %get3A_31 = arith.index_cast %mul3A_26 : i32 to index
      %get3A_32 = tpu.vector_load %arg8[%get3A_31] {strides = array<i32>} : memref<4704xf32, #tpu.memory_space<vmem>>, vector<16xf32>,
      %add3A_33 = arith.addf %get3A_30, %get3A_32 : vector<16xf32>
      %get3A_34 = arith.index_cast %mul3A_26 : i32 to index
      %get3A_35 = tpu.vector_load %arg9[%get3A_34] {strides = array<i32>} : memref<4704xf32, #tpu.memory_space<vmem>>, vector<16xf32>,
      %add3A_36 = arith.addf %add3A_33, %get3A_35 : vector<16xf32>
      %mul3A_37 = arith.mulf %get3A_28, %add3A_36 : vector<16xf32>
      %swap3A = arith.index_cast %mul3A_26 : i32 to index
      %swap3A_38 = tpu.vector_load %arg10[%swap3A] {strides = array<i32>} : memref<4704xf32, #tpu.memory_space<vmem>>, vector<16xf32>,
      tpu.vector_store %arg10[%swap3A], %mul3A_37 {strides = array<i32>} : memref<4704xf32, #tpu.memory_space<vmem>>, vector<16xf32>,
    }
    %scan3A_8 = arith.constant 294 : i32
    %iota3A = tpu.iota {dimensions = array<i32: 0>} : vector<16xi32>
    %get3A = arith.constant 0 : index
    %get3A_9 = tpu.vector_load %arg11[%get3A] {strides = array<i32>} : memref<64xf32, #tpu.memory_space<vmem>>, vector<16xf32>,
    %get3A_10 = arith.constant 16 : index
    %get3A_11 = tpu.vector_load %arg11[%get3A_10] {strides = array<i32>} : memref<64xf32, #tpu.memory_space<vmem>>, vector<16xf32>,
    %get3A_12 = arith.constant 32 : index
    %get3A_13 = tpu.vector_load %arg11[%get3A_12] {strides = array<i32>} : memref<64xf32, #tpu.memory_space<vmem>>, vector<16xf32>,
    %get3A_14 = arith.constant 48 : index
    %get3A_15 = tpu.vector_load %arg11[%get3A_14] {strides = array<i32>} : memref<64xf32, #tpu.memory_space<vmem>>, vector<16xf32>,
    %scan3A_16 = arith.constant 0 : i32
    %scan3A_17 = arith.constant 0 : i32
    %scan3A_18 = arith.constant 98 : i32
    %scan3A_19 = arith.addi %scan3A_17, %scan3A_18 : i32
    %scan3A_20 = arith.constant 1 : i32
    scf.for %scan3A_24 = %scan3A_17 to %scan3A_19 step %scan3A_20  : i32 {
      %mul3A_25 = arith.constant 48 : i32
      %mul3A_26 = arith.muli %scan3A_24, %mul3A_25 : i32
      %mul3A_27 = arith.constant 3 : i32
      %mul3A_28 = vector.broadcast %mul3A_27 : i32 to vector<16xi32>
      %mul3A_29 = arith.muli %iota3A, %mul3A_28 : vector<16xi32>
      %add3A_30 = vector.broadcast %mul3A_26 : i32 to vector<16xi32>
      %add3A_31 = arith.addi %mul3A_29, %add3A_30 : vector<16xi32>
      %gather3A = tpu.vector_load_idx %arg10[%add3A_31] : memref<4704xf32, #tpu.memory_space<vmem>>[vector<16xi32>], vector<16xf32>,
      %mul3A_32 = arith.constant 3 : i32
      %mul3A_33 = vector.broadcast %mul3A_32 : i32 to vector<16xi32>
      %mul3A_34 = arith.muli %iota3A, %mul3A_33 : vector<16xi32>
      %add3A_35 = arith.constant 1 : i32
      %add3A_36 = arith.addi %mul3A_26, %add3A_35 : i32
      %add3A_37 = vector.broadcast %add3A_36 : i32 to vector<16xi32>
      %add3A_38 = arith.addi %mul3A_34, %add3A_37 : vector<16xi32>
      %gather3A_39 = tpu.vector_load_idx %arg10[%add3A_38] : memref<4704xf32, #tpu.memory_space<vmem>>[vector<16xi32>], vector<16xf32>,
      %mul3A_40 = arith.constant 3 : i32
      %mul3A_41 = vector.broadcast %mul3A_40 : i32 to vector<16xi32>
      %mul3A_42 = arith.muli %iota3A, %mul3A_41 : vector<16xi32>
      %add3A_43 = arith.constant 2 : i32
      %add3A_44 = arith.addi %mul3A_26, %add3A_43 : i32
      %add3A_45 = vector.broadcast %add3A_44 : i32 to vector<16xi32>
      %add3A_46 = arith.addi %mul3A_42, %add3A_45 : vector<16xi32>
      %gather3A_47 = tpu.vector_load_idx %arg10[%add3A_46] : memref<4704xf32, #tpu.memory_space<vmem>>[vector<16xi32>], vector<16xf32>,
      %mul3A_48 = arith.constant 256 : i32
      %mul3A_49 = arith.muli %scan3A_24, %mul3A_48 : i32
      %eq3A = arith.constant 0 : i32
      %eq3A_50 = vector.broadcast %eq3A : i32 to vector<16xi32>
      %eq3A_51 = arith.cmpi eq, %iota3A, %eq3A_50 : vector<16xi32>
      %jit3A = arith.constant 0.000000e+00 : f32
      %broadcast_in_dim3A = vector.broadcast %jit3A : f32 to vector<16xf32>
      %select_n3A = arith.select %eq3A_51, %get3A_9, %broadcast_in_dim3A : vector<16xi1>, vector<16xf32>
      %reduce_sum3A = arith.constant true
      %reduce_sum3A_52 = vector.broadcast %reduce_sum3A : i1 to vector<16xi1>
      %reduce_sum3A_53 = tpu.scan <sum>, %select_n3A masked %reduce_sum3A_52 : vector<16xf32>, vector<16xi1> -> vector<16xf32>
      %reduce_sum3A_54 = vector.extract %reduce_sum3A_53[15] : f32 from vector<16xf32>
      %eq3A_55 = arith.constant 0 : i32
      %eq3A_56 = vector.broadcast %eq3A_55 : i32 to vector<16xi32>
      %eq3A_57 = arith.cmpi eq, %iota3A, %eq3A_56 : vector<16xi32>
      %jit3A_58 = arith.constant 0.000000e+00 : f32
      %broadcast_in_dim3A_59 = vector.broadcast %jit3A_58 : f32 to vector<16xf32>
      %select_n3A_60 = arith.select %eq3A_57, %get3A_11, %broadcast_in_dim3A_59 : vector<16xi1>, vector<16xf32>
      %reduce_sum3A_61 = arith.constant true
      %reduce_sum3A_62 = vector.broadcast %reduce_sum3A_61 : i1 to vector<16xi1>
      %reduce_sum3A_63 = tpu.scan <sum>, %select_n3A_60 masked %reduce_sum3A_62 : vector<16xf32>, vector<16xi1> -> vector<16xf32>
      %reduce_sum3A_64 = vector.extract %reduce_sum3A_63[15] : f32 from vector<16xf32>
      %eq3A_65 = arith.constant 0 : i32
      %eq3A_66 = vector.broadcast %eq3A_65 : i32 to vector<16xi32>
      %eq3A_67 = arith.cmpi eq, %iota3A, %eq3A_66 : vector<16xi32>
      %jit3A_68 = arith.constant 0.000000e+00 : f32
      %broadcast_in_dim3A_69 = vector.broadcast %jit3A_68 : f32 to vector<16xf32>
      %select_n3A_70 = arith.select %eq3A_67, %get3A_13, %broadcast_in_dim3A_69 : vector<16xi1>, vector<16xf32>
      %reduce_sum3A_71 = arith.constant true
      %reduce_sum3A_72 = vector.broadcast %reduce_sum3A_71 : i1 to vector<16xi1>
      %reduce_sum3A_73 = tpu.scan <sum>, %select_n3A_70 masked %reduce_sum3A_72 : vector<16xf32>, vector<16xi1> -> vector<16xf32>
      %reduce_sum3A_74 = vector.extract %reduce_sum3A_73[15] : f32 from vector<16xf32>
      %eq3A_75 = arith.constant 0 : i32
      %eq3A_76 = vector.broadcast %eq3A_75 : i32 to vector<16xi32>
      %eq3A_77 = arith.cmpi eq, %iota3A, %eq3A_76 : vector<16xi32>
      %jit3A_78 = arith.constant 0.000000e+00 : f32
      %broadcast_in_dim3A_79 = vector.broadcast %jit3A_78 : f32 to vector<16xf32>
      %select_n3A_80 = arith.select %eq3A_77, %get3A_15, %broadcast_in_dim3A_79 : vector<16xi1>, vector<16xf32>
      %reduce_sum3A_81 = arith.constant true
      %reduce_sum3A_82 = vector.broadcast %reduce_sum3A_81 : i1 to vector<16xi1>
      %reduce_sum3A_83 = tpu.scan <sum>, %select_n3A_80 masked %reduce_sum3A_82 : vector<16xf32>, vector<16xi1> -> vector<16xf32>
      %reduce_sum3A_84 = vector.extract %reduce_sum3A_83[15] : f32 from vector<16xf32>
      %mul3A_85 = vector.broadcast %reduce_sum3A_54 : f32 to vector<16xf32>
      %mul3A_86 = arith.mulf %gather3A, %mul3A_85 : vector<16xf32>
      %mul3A_87 = vector.broadcast %reduce_sum3A_64 : f32 to vector<16xf32>
      %mul3A_88 = arith.mulf %gather3A_39, %mul3A_87 : vector<16xf32>
      %add3A_89 = arith.addf %mul3A_86, %mul3A_88 : vector<16xf32>
      %mul3A_90 = vector.broadcast %reduce_sum3A_74 : f32 to vector<16xf32>
      %mul3A_91 = arith.mulf %gather3A_47, %mul3A_90 : vector<16xf32>
      %add3A_92 = arith.addf %add3A_89, %mul3A_91 : vector<16xf32>
      %add3A_93 = vector.broadcast %reduce_sum3A_84 : f32 to vector<16xf32>
      %add3A_94 = arith.addf %add3A_92, %add3A_93 : vector<16xf32>
      %mul3A_95 = arith.constant 16 : i32
      %mul3A_96 = vector.broadcast %mul3A_95 : i32 to vector<16xi32>
      %mul3A_97 = arith.muli %iota3A, %mul3A_96 : vector<16xi32>
      %add3A_98 = arith.constant 0 : i32
      %add3A_99 = arith.addi %mul3A_49, %add3A_98 : i32
      %add3A_100 = vector.broadcast %add3A_99 : i32 to vector<16xi32>
      %add3A_101 = arith.addi %mul3A_97, %add3A_100 : vector<16xi32>
      tpu.vector_store_idx %arg12[%add3A_101], %add3A_94 : memref<25088xf32, #tpu.memory_space<vmem>>[vector<16xi32>], vector<16xf32>,
      %eq3A_102 = arith.constant 1 : i32
      %eq3A_103 = vector.broadcast %eq3A_102 : i32 to vector<16xi32>
      %eq3A_104 = arith.cmpi eq, %iota3A, %eq3A_103 : vector<16xi32>
      %jit3A_105 = arith.constant 0.000000e+00 : f32
      %broadcast_in_dim3A_106 = vector.broadcast %jit3A_105 : f32 to vector<16xf32>
      %select_n3A_107 = arith.select %eq3A_104, %get3A_9, %broadcast_in_dim3A_106 : vector<16xi1>, vector<16xf32>
      %reduce_sum3A_108 = arith.constant true
      %reduce_sum3A_109 = vector.broadcast %reduce_sum3A_108 : i1 to vector<16xi1>
      %reduce_sum3A_110 = tpu.scan <sum>, %select_n3A_107 masked %reduce_sum3A_109 : vector<16xf32>, vector<16xi1> -> vector<16xf32>
      %reduce_sum3A_111 = vector.extract %reduce_sum3A_110[15] : f32 from vector<16xf32>
      %eq3A_112 = arith.constant 1 : i32
      %eq3A_113 = vector.broadcast %eq3A_112 : i32 to vector<16xi32>
      %eq3A_114 = arith.cmpi eq, %iota3A, %eq3A_113 : vector<16xi32>
      %jit3A_115 = arith.constant 0.000000e+00 : f32
      %broadcast_in_dim3A_116 = vector.broadcast %jit3A_115 : f32 to vector<16xf32>
      %select_n3A_117 = arith.select %eq3A_114, %get3A_11, %broadcast_in_dim3A_116 : vector<16xi1>, vector<16xf32>
      %reduce_sum3A_118 = arith.constant true
      %reduce_sum3A_119 = vector.broadcast %reduce_sum3A_118 : i1 to vector<16xi1>
      %reduce_sum3A_120 = tpu.scan <sum>, %select_n3A_117 masked %reduce_sum3A_119 : vector<16xf32>, vector<16xi1> -> vector<16xf32>
      %reduce_sum3A_121 = vector.extract %reduce_sum3A_120[15] : f32 from vector<16xf32>
      %eq3A_122 = arith.constant 1 : i32
      %eq3A_123 = vector.broadcast %eq3A_122 : i32 to vector<16xi32>
      %eq3A_124 = arith.cmpi eq, %iota3A, %eq3A_123 : vector<16xi32>
      %jit3A_125 = arith.constant 0.000000e+00 : f32
      %broadcast_in_dim3A_126 = vector.broadcast %jit3A_125 : f32 to vector<16xf32>
      %select_n3A_127 = arith.select %eq3A_124, %get3A_13, %broadcast_in_dim3A_126 : vector<16xi1>, vector<16xf32>
      %reduce_sum3A_128 = arith.constant true
      %reduce_sum3A_129 = vector.broadcast %reduce_sum3A_128 : i1 to vector<16xi1>
      %reduce_sum3A_130 = tpu.scan <sum>, %select_n3A_127 masked %reduce_sum3A_129 : vector<16xf32>, vector<16xi1> -> vector<16xf32>
      %reduce_sum3A_131 = vector.extract %reduce_sum3A_130[15] : f32 from vector<16xf32>
      %eq3A_132 = arith.constant 1 : i32
      %eq3A_133 = vector.broadcast %eq3A_132 : i32 to vector<16xi32>
      %eq3A_134 = arith.cmpi eq, %iota3A, %eq3A_133 : vector<16xi32>
      %jit3A_135 = arith.constant 0.000000e+00 : f32
      %broadcast_in_dim3A_136 = vector.broadcast %jit3A_135 : f32 to vector<16xf32>
      %select_n3A_137 = arith.select %eq3A_134, %get3A_15, %broadcast_in_dim3A_136 : vector<16xi1>, vector<16xf32>
      %reduce_sum3A_138 = arith.constant true
      %reduce_sum3A_139 = vector.broadcast %reduce_sum3A_138 : i1 to vector<16xi1>
      %reduce_sum3A_140 = tpu.scan <sum>, %select_n3A_137 masked %reduce_sum3A_139 : vector<16xf32>, vector<16xi1> -> vector<16xf32>
      %reduce_sum3A_141 = vector.extract %reduce_sum3A_140[15] : f32 from vector<16xf32>
      %mul3A_142 = vector.broadcast %reduce_sum3A_111 : f32 to vector<16xf32>
      %mul3A_143 = arith.mulf %gather3A, %mul3A_142 : vector<16xf32>
      %mul3A_144 = vector.broadcast %reduce_sum3A_121 : f32 to vector<16xf32>
      %mul3A_145 = arith.mulf %gather3A_39, %mul3A_144 : vector<16xf32>
      %add3A_146 = arith.addf %mul3A_143, %mul3A_145 : vector<16xf32>
      %mul3A_147 = vector.broadcast %reduce_sum3A_131 : f32 to vector<16xf32>
      %mul3A_148 = arith.mulf %gather3A_47, %mul3A_147 : vector<16xf32>
      %add3A_149 = arith.addf %add3A_146, %mul3A_148 : vector<16xf32>
      %add3A_150 = vector.broadcast %reduce_sum3A_141 : f32 to vector<16xf32>
      %add3A_151 = arith.addf %add3A_149, %add3A_150 : vector<16xf32>
      %mul3A_152 = arith.constant 16 : i32
      %mul3A_153 = vector.broadcast %mul3A_152 : i32 to vector<16xi32>
      %mul3A_154 = arith.muli %iota3A, %mul3A_153 : vector<16xi32>
      %add3A_155 = arith.constant 1 : i32
      %add3A_156 = arith.addi %mul3A_49, %add3A_155 : i32
      %add3A_157 = vector.broadcast %add3A_156 : i32 to vector<16xi32>
      %add3A_158 = arith.addi %mul3A_154, %add3A_157 : vector<16xi32>
      tpu.vector_store_idx %arg12[%add3A_158], %add3A_151 : memref<25088xf32, #tpu.memory_space<vmem>>[vector<16xi32>], vector<16xf32>,
      %eq3A_159 = arith.constant 2 : i32
      %eq3A_160 = vector.broadcast %eq3A_159 : i32 to vector<16xi32>
      %eq3A_161 = arith.cmpi eq, %iota3A, %eq3A_160 : vector<16xi32>
      %jit3A_162 = arith.constant 0.000000e+00 : f32
      %broadcast_in_dim3A_163 = vector.broadcast %jit3A_162 : f32 to vector<16xf32>
      %select_n3A_164 = arith.select %eq3A_161, %get3A_9, %broadcast_in_dim3A_163 : vector<16xi1>, vector<16xf32>
      %reduce_sum3A_165 = arith.constant true
      %reduce_sum3A_166 = vector.broadcast %reduce_sum3A_165 : i1 to vector<16xi1>
      %reduce_sum3A_167 = tpu.scan <sum>, %select_n3A_164 masked %reduce_sum3A_166 : vector<16xf32>, vector<16xi1> -> vector<16xf32>
      %reduce_sum3A_168 = vector.extract %reduce_sum3A_167[15] : f32 from vector<16xf32>
      %eq3A_169 = arith.constant 2 : i32
      %eq3A_170 = vector.broadcast %eq3A_169 : i32 to vector<16xi32>
      %eq3A_171 = arith.cmpi eq, %iota3A, %eq3A_170 : vector<16xi32>
      %jit3A_172 = arith.constant 0.000000e+00 : f32
      %broadcast_in_dim3A_173 = vector.broadcast %jit3A_172 : f32 to vector<16xf32>
      %select_n3A_174 = arith.select %eq3A_171, %get3A_11, %broadcast_in_dim3A_173 : vector<16xi1>, vector<16xf32>
      %reduce_sum3A_175 = arith.constant true
      %reduce_sum3A_176 = vector.broadcast %reduce_sum3A_175 : i1 to vector<16xi1>
      %reduce_sum3A_177 = tpu.scan <sum>, %select_n3A_174 masked %reduce_sum3A_176 : vector<16xf32>, vector<16xi1> -> vector<16xf32>
      %reduce_sum3A_178 = vector.extract %reduce_sum3A_177[15] : f32 from vector<16xf32>
      %eq3A_179 = arith.constant 2 : i32
      %eq3A_180 = vector.broadcast %eq3A_179 : i32 to vector<16xi32>
      %eq3A_181 = arith.cmpi eq, %iota3A, %eq3A_180 : vector<16xi32>
      %jit3A_182 = arith.constant 0.000000e+00 : f32
      %broadcast_in_dim3A_183 = vector.broadcast %jit3A_182 : f32 to vector<16xf32>
      %select_n3A_184 = arith.select %eq3A_181, %get3A_13, %broadcast_in_dim3A_183 : vector<16xi1>, vector<16xf32>
      %reduce_sum3A_185 = arith.constant true
      %reduce_sum3A_186 = vector.broadcast %reduce_sum3A_185 : i1 to vector<16xi1>
      %reduce_sum3A_187 = tpu.scan <sum>, %select_n3A_184 masked %reduce_sum3A_186 : vector<16xf32>, vector<16xi1> -> vector<16xf32>
      %reduce_sum3A_188 = vector.extract %reduce_sum3A_187[15] : f32 from vector<16xf32>
      %eq3A_189 = arith.constant 2 : i32
      %eq3A_190 = vector.broadcast %eq3A_189 : i32 to vector<16xi32>
      %eq3A_191 = arith.cmpi eq, %iota3A, %eq3A_190 : vector<16xi32>
      %jit3A_192 = arith.constant 0.000000e+00 : f32
      %broadcast_in_dim3A_193 = vector.broadcast %jit3A_192 : f32 to vector<16xf32>
      %select_n3A_194 = arith.select %eq3A_191, %get3A_15, %broadcast_in_dim3A_193 : vector<16xi1>, vector<16xf32>
      %reduce_sum3A_195 = arith.constant true
      %reduce_sum3A_196 = vector.broadcast %reduce_sum3A_195 : i1 to vector<16xi1>
      %reduce_sum3A_197 = tpu.scan <sum>, %select_n3A_194 masked %reduce_sum3A_196 : vector<16xf32>, vector<16xi1> -> vector<16xf32>
      %reduce_sum3A_198 = vector.extract %reduce_sum3A_197[15] : f32 from vector<16xf32>
      %mul3A_199 = vector.broadcast %reduce_sum3A_168 : f32 to vector<16xf32>
      %mul3A_200 = arith.mulf %gather3A, %mul3A_199 : vector<16xf32>
      %mul3A_201 = vector.broadcast %reduce_sum3A_178 : f32 to vector<16xf32>
      %mul3A_202 = arith.mulf %gather3A_39, %mul3A_201 : vector<16xf32>
      %add3A_203 = arith.addf %mul3A_200, %mul3A_202 : vector<16xf32>
      %mul3A_204 = vector.broadcast %reduce_sum3A_188 : f32 to vector<16xf32>
      %mul3A_205 = arith.mulf %gather3A_47, %mul3A_204 : vector<16xf32>
      %add3A_206 = arith.addf %add3A_203, %mul3A_205 : vector<16xf32>
      %add3A_207 = vector.broadcast %reduce_sum3A_198 : f32 to vector<16xf32>
      %add3A_208 = arith.addf %add3A_206, %add3A_207 : vector<16xf32>
      %mul3A_209 = arith.constant 16 : i32
      %mul3A_210 = vector.broadcast %mul3A_209 : i32 to vector<16xi32>
      %mul3A_211 = arith.muli %iota3A, %mul3A_210 : vector<16xi32>
      %add3A_212 = arith.constant 2 : i32
      %add3A_213 = arith.addi %mul3A_49, %add3A_212 : i32
      %add3A_214 = vector.broadcast %add3A_213 : i32 to vector<16xi32>
      %add3A_215 = arith.addi %mul3A_211, %add3A_214 : vector<16xi32>
      tpu.vector_store_idx %arg12[%add3A_215], %add3A_208 : memref<25088xf32, #tpu.memory_space<vmem>>[vector<16xi32>], vector<16xf32>,
      %eq3A_216 = arith.constant 3 : i32
      %eq3A_217 = vector.broadcast %eq3A_216 : i32 to vector<16xi32>
      %eq3A_218 = arith.cmpi eq, %iota3A, %eq3A_217 : vector<16xi32>
      %jit3A_219 = arith.constant 0.000000e+00 : f32
      %broadcast_in_dim3A_220 = vector.broadcast %jit3A_219 : f32 to vector<16xf32>
      %select_n3A_221 = arith.select %eq3A_218, %get3A_9, %broadcast_in_dim3A_220 : vector<16xi1>, vector<16xf32>
      %reduce_sum3A_222 = arith.constant true
      %reduce_sum3A_223 = vector.broadcast %reduce_sum3A_222 : i1 to vector<16xi1>
      %reduce_sum3A_224 = tpu.scan <sum>, %select_n3A_221 masked %reduce_sum3A_223 : vector<16xf32>, vector<16xi1> -> vector<16xf32>
      %reduce_sum3A_225 = vector.extract %reduce_sum3A_224[15] : f32 from vector<16xf32>
      %eq3A_226 = arith.constant 3 : i32
      %eq3A_227 = vector.broadcast %eq3A_226 : i32 to vector<16xi32>
      %eq3A_228 = arith.cmpi eq, %iota3A, %eq3A_227 : vector<16xi32>
      %jit3A_229 = arith.constant 0.000000e+00 : f32
      %broadcast_in_dim3A_230 = vector.broadcast %jit3A_229 : f32 to vector<16xf32>
      %select_n3A_231 = arith.select %eq3A_228, %get3A_11, %broadcast_in_dim3A_230 : vector<16xi1>, vector<16xf32>
      %reduce_sum3A_232 = arith.constant true
      %reduce_sum3A_233 = vector.broadcast %reduce_sum3A_232 : i1 to vector<16xi1>
      %reduce_sum3A_234 = tpu.scan <sum>, %select_n3A_231 masked %reduce_sum3A_233 : vector<16xf32>, vector<16xi1> -> vector<16xf32>
      %reduce_sum3A_235 = vector.extract %reduce_sum3A_234[15] : f32 from vector<16xf32>
      %eq3A_236 = arith.constant 3 : i32
      %eq3A_237 = vector.broadcast %eq3A_236 : i32 to vector<16xi32>
      %eq3A_238 = arith.cmpi eq, %iota3A, %eq3A_237 : vector<16xi32>
      %jit3A_239 = arith.constant 0.000000e+00 : f32
      %broadcast_in_dim3A_240 = vector.broadcast %jit3A_239 : f32 to vector<16xf32>
      %select_n3A_241 = arith.select %eq3A_238, %get3A_13, %broadcast_in_dim3A_240 : vector<16xi1>, vector<16xf32>
      %reduce_sum3A_242 = arith.constant true
      %reduce_sum3A_243 = vector.broadcast %reduce_sum3A_242 : i1 to vector<16xi1>
      %reduce_sum3A_244 = tpu.scan <sum>, %select_n3A_241 masked %reduce_sum3A_243 : vector<16xf32>, vector<16xi1> -> vector<16xf32>
      %reduce_sum3A_245 = vector.extract %reduce_sum3A_244[15] : f32 from vector<16xf32>
      %eq3A_246 = arith.constant 3 : i32
      %eq3A_247 = vector.broadcast %eq3A_246 : i32 to vector<16xi32>
      %eq3A_248 = arith.cmpi eq, %iota3A, %eq3A_247 : vector<16xi32>
      %jit3A_249 = arith.constant 0.000000e+00 : f32
      %broadcast_in_dim3A_250 = vector.broadcast %jit3A_249 : f32 to vector<16xf32>
      %select_n3A_251 = arith.select %eq3A_248, %get3A_15, %broadcast_in_dim3A_250 : vector<16xi1>, vector<16xf32>
      %reduce_sum3A_252 = arith.constant true
      %reduce_sum3A_253 = vector.broadcast %reduce_sum3A_252 : i1 to vector<16xi1>
      %reduce_sum3A_254 = tpu.scan <sum>, %select_n3A_251 masked %reduce_sum3A_253 : vector<16xf32>, vector<16xi1> -> vector<16xf32>
      %reduce_sum3A_255 = vector.extract %reduce_sum3A_254[15] : f32 from vector<16xf32>
      %mul3A_256 = vector.broadcast %reduce_sum3A_225 : f32 to vector<16xf32>
      %mul3A_257 = arith.mulf %gather3A, %mul3A_256 : vector<16xf32>
      %mul3A_258 = vector.broadcast %reduce_sum3A_235 : f32 to vector<16xf32>
      %mul3A_259 = arith.mulf %gather3A_39, %mul3A_258 : vector<16xf32>
      %add3A_260 = arith.addf %mul3A_257, %mul3A_259 : vector<16xf32>
      %mul3A_261 = vector.broadcast %reduce_sum3A_245 : f32 to vector<16xf32>
      %mul3A_262 = arith.mulf %gather3A_47, %mul3A_261 : vector<16xf32>
      %add3A_263 = arith.addf %add3A_260, %mul3A_262 : vector<16xf32>
      %add3A_264 = vector.broadcast %reduce_sum3A_255 : f32 to vector<16xf32>
      %add3A_265 = arith.addf %add3A_263, %add3A_264 : vector<16xf32>
      %mul3A_266 = arith.constant 16 : i32
      %mul3A_267 = vector.broadcast %mul3A_266 : i32 to vector<16xi32>
      %mul3A_268 = arith.muli %iota3A, %mul3A_267 : vector<16xi32>
      %add3A_269 = arith.constant 3 : i32
      %add3A_270 = arith.addi %mul3A_49, %add3A_269 : i32
      %add3A_271 = vector.broadcast %add3A_270 : i32 to vector<16xi32>
      %add3A_272 = arith.addi %mul3A_268, %add3A_271 : vector<16xi32>
      tpu.vector_store_idx %arg12[%add3A_272], %add3A_265 : memref<25088xf32, #tpu.memory_space<vmem>>[vector<16xi32>], vector<16xf32>,
      %eq3A_273 = arith.constant 4 : i32
      %eq3A_274 = vector.broadcast %eq3A_273 : i32 to vector<16xi32>
      %eq3A_275 = arith.cmpi eq, %iota3A, %eq3A_274 : vector<16xi32>
      %jit3A_276 = arith.constant 0.000000e+00 : f32
      %broadcast_in_dim3A_277 = vector.broadcast %jit3A_276 : f32 to vector<16xf32>
      %select_n3A_278 = arith.select %eq3A_275, %get3A_9, %broadcast_in_dim3A_277 : vector<16xi1>, vector<16xf32>
      %reduce_sum3A_279 = arith.constant true
      %reduce_sum3A_280 = vector.broadcast %reduce_sum3A_279 : i1 to vector<16xi1>
      %reduce_sum3A_281 = tpu.scan <sum>, %select_n3A_278 masked %reduce_sum3A_280 : vector<16xf32>, vector<16xi1> -> vector<16xf32>
      %reduce_sum3A_282 = vector.extract %reduce_sum3A_281[15] : f32 from vector<16xf32>
      %eq3A_283 = arith.constant 4 : i32
      %eq3A_284 = vector.broadcast %eq3A_283 : i32 to vector<16xi32>
      %eq3A_285 = arith.cmpi eq, %iota3A, %eq3A_284 : vector<16xi32>
      %jit3A_286 = arith.constant 0.000000e+00 : f32
      %broadcast_in_dim3A_287 = vector.broadcast %jit3A_286 : f32 to vector<16xf32>
      %select_n3A_288 = arith.select %eq3A_285, %get3A_11, %broadcast_in_dim3A_287 : vector<16xi1>, vector<16xf32>
      %reduce_sum3A_289 = arith.constant true
      %reduce_sum3A_290 = vector.broadcast %reduce_sum3A_289 : i1 to vector<16xi1>
      %reduce_sum3A_291 = tpu.scan <sum>, %select_n3A_288 masked %reduce_sum3A_290 : vector<16xf32>, vector<16xi1> -> vector<16xf32>
      %reduce_sum3A_292 = vector.extract %reduce_sum3A_291[15] : f32 from vector<16xf32>
      %eq3A_293 = arith.constant 4 : i32
      %eq3A_294 = vector.broadcast %eq3A_293 : i32 to vector<16xi32>
      %eq3A_295 = arith.cmpi eq, %iota3A, %eq3A_294 : vector<16xi32>
      %jit3A_296 = arith.constant 0.000000e+00 : f32
      %broadcast_in_dim3A_297 = vector.broadcast %jit3A_296 : f32 to vector<16xf32>
      %select_n3A_298 = arith.select %eq3A_295, %get3A_13, %broadcast_in_dim3A_297 : vector<16xi1>, vector<16xf32>
      %reduce_sum3A_299 = arith.constant true
      %reduce_sum3A_300 = vector.broadcast %reduce_sum3A_299 : i1 to vector<16xi1>
      %reduce_sum3A_301 = tpu.scan <sum>, %select_n3A_298 masked %reduce_sum3A_300 : vector<16xf32>, vector<16xi1> -> vector<16xf32>
      %reduce_sum3A_302 = vector.extract %reduce_sum3A_301[15] : f32 from vector<16xf32>
      %eq3A_303 = arith.constant 4 : i32
      %eq3A_304 = vector.broadcast %eq3A_303 : i32 to vector<16xi32>
      %eq3A_305 = arith.cmpi eq, %iota3A, %eq3A_304 : vector<16xi32>
      %jit3A_306 = arith.constant 0.000000e+00 : f32
      %broadcast_in_dim3A_307 = vector.broadcast %jit3A_306 : f32 to vector<16xf32>
      %select_n3A_308 = arith.select %eq3A_305, %get3A_15, %broadcast_in_dim3A_307 : vector<16xi1>, vector<16xf32>
      %reduce_sum3A_309 = arith.constant true
      %reduce_sum3A_310 = vector.broadcast %reduce_sum3A_309 : i1 to vector<16xi1>
      %reduce_sum3A_311 = tpu.scan <sum>, %select_n3A_308 masked %reduce_sum3A_310 : vector<16xf32>, vector<16xi1> -> vector<16xf32>
      %reduce_sum3A_312 = vector.extract %reduce_sum3A_311[15] : f32 from vector<16xf32>
      %mul3A_313 = vector.broadcast %reduce_sum3A_282 : f32 to vector<16xf32>
      %mul3A_314 = arith.mulf %gather3A, %mul3A_313 : vector<16xf32>
      %mul3A_315 = vector.broadcast %reduce_sum3A_292 : f32 to vector<16xf32>
      %mul3A_316 = arith.mulf %gather3A_39, %mul3A_315 : vector<16xf32>
      %add3A_317 = arith.addf %mul3A_314, %mul3A_316 : vector<16xf32>
      %mul3A_318 = vector.broadcast %reduce_sum3A_302 : f32 to vector<16xf32>
      %mul3A_319 = arith.mulf %gather3A_47, %mul3A_318 : vector<16xf32>
      %add3A_320 = arith.addf %add3A_317, %mul3A_319 : vector<16xf32>
      %add3A_321 = vector.broadcast %reduce_sum3A_312 : f32 to vector<16xf32>
      %add3A_322 = arith.addf %add3A_320, %add3A_321 : vector<16xf32>
      %mul3A_323 = arith.constant 16 : i32
      %mul3A_324 = vector.broadcast %mul3A_323 : i32 to vector<16xi32>
      %mul3A_325 = arith.muli %iota3A, %mul3A_324 : vector<16xi32>
      %add3A_326 = arith.constant 4 : i32
      %add3A_327 = arith.addi %mul3A_49, %add3A_326 : i32
      %add3A_328 = vector.broadcast %add3A_327 : i32 to vector<16xi32>
      %add3A_329 = arith.addi %mul3A_325, %add3A_328 : vector<16xi32>
      tpu.vector_store_idx %arg12[%add3A_329], %add3A_322 : memref<25088xf32, #tpu.memory_space<vmem>>[vector<16xi32>], vector<16xf32>,
      %eq3A_330 = arith.constant 5 : i32
      %eq3A_331 = vector.broadcast %eq3A_330 : i32 to vector<16xi32>
      %eq3A_332 = arith.cmpi eq, %iota3A, %eq3A_331 : vector<16xi32>
      %jit3A_333 = arith.constant 0.000000e+00 : f32
      %broadcast_in_dim3A_334 = vector.broadcast %jit3A_333 : f32 to vector<16xf32>
      %select_n3A_335 = arith.select %eq3A_332, %get3A_9, %broadcast_in_dim3A_334 : vector<16xi1>, vector<16xf32>
      %reduce_sum3A_336 = arith.constant true
      %reduce_sum3A_337 = vector.broadcast %reduce_sum3A_336 : i1 to vector<16xi1>
      %reduce_sum3A_338 = tpu.scan <sum>, %select_n3A_335 masked %reduce_sum3A_337 : vector<16xf32>, vector<16xi1> -> vector<16xf32>
      %reduce_sum3A_339 = vector.extract %reduce_sum3A_338[15] : f32 from vector<16xf32>
      %eq3A_340 = arith.constant 5 : i32
      %eq3A_341 = vector.broadcast %eq3A_340 : i32 to vector<16xi32>
      %eq3A_342 = arith.cmpi eq, %iota3A, %eq3A_341 : vector<16xi32>
      %jit3A_343 = arith.constant 0.000000e+00 : f32
      %broadcast_in_dim3A_344 = vector.broadcast %jit3A_343 : f32 to vector<16xf32>
      %select_n3A_345 = arith.select %eq3A_342, %get3A_11, %broadcast_in_dim3A_344 : vector<16xi1>, vector<16xf32>
      %reduce_sum3A_346 = arith.constant true
      %reduce_sum3A_347 = vector.broadcast %reduce_sum3A_346 : i1 to vector<16xi1>
      %reduce_sum3A_348 = tpu.scan <sum>, %select_n3A_345 masked %reduce_sum3A_347 : vector<16xf32>, vector<16xi1> -> vector<16xf32>
      %reduce_sum3A_349 = vector.extract %reduce_sum3A_348[15] : f32 from vector<16xf32>
      %eq3A_350 = arith.constant 5 : i32
      %eq3A_351 = vector.broadcast %eq3A_350 : i32 to vector<16xi32>
      %eq3A_352 = arith.cmpi eq, %iota3A, %eq3A_351 : vector<16xi32>
      %jit3A_353 = arith.constant 0.000000e+00 : f32
      %broadcast_in_dim3A_354 = vector.broadcast %jit3A_353 : f32 to vector<16xf32>
      %select_n3A_355 = arith.select %eq3A_352, %get3A_13, %broadcast_in_dim3A_354 : vector<16xi1>, vector<16xf32>
      %reduce_sum3A_356 = arith.constant true
      %reduce_sum3A_357 = vector.broadcast %reduce_sum3A_356 : i1 to vector<16xi1>
      %reduce_sum3A_358 = tpu.scan <sum>, %select_n3A_355 masked %reduce_sum3A_357 : vector<16xf32>, vector<16xi1> -> vector<16xf32>
      %reduce_sum3A_359 = vector.extract %reduce_sum3A_358[15] : f32 from vector<16xf32>
      %eq3A_360 = arith.constant 5 : i32
      %eq3A_361 = vector.broadcast %eq3A_360 : i32 to vector<16xi32>
      %eq3A_362 = arith.cmpi eq, %iota3A, %eq3A_361 : vector<16xi32>
      %jit3A_363 = arith.constant 0.000000e+00 : f32
      %broadcast_in_dim3A_364 = vector.broadcast %jit3A_363 : f32 to vector<16xf32>
      %select_n3A_365 = arith.select %eq3A_362, %get3A_15, %broadcast_in_dim3A_364 : vector<16xi1>, vector<16xf32>
      %reduce_sum3A_366 = arith.constant true
      %reduce_sum3A_367 = vector.broadcast %reduce_sum3A_366 : i1 to vector<16xi1>
      %reduce_sum3A_368 = tpu.scan <sum>, %select_n3A_365 masked %reduce_sum3A_367 : vector<16xf32>, vector<16xi1> -> vector<16xf32>
      %reduce_sum3A_369 = vector.extract %reduce_sum3A_368[15] : f32 from vector<16xf32>
      %mul3A_370 = vector.broadcast %reduce_sum3A_339 : f32 to vector<16xf32>
      %mul3A_371 = arith.mulf %gather3A, %mul3A_370 : vector<16xf32>
      %mul3A_372 = vector.broadcast %reduce_sum3A_349 : f32 to vector<16xf32>
      %mul3A_373 = arith.mulf %gather3A_39, %mul3A_372 : vector<16xf32>
      %add3A_374 = arith.addf %mul3A_371, %mul3A_373 : vector<16xf32>
      %mul3A_375 = vector.broadcast %reduce_sum3A_359 : f32 to vector<16xf32>
      %mul3A_376 = arith.mulf %gather3A_47, %mul3A_375 : vector<16xf32>
      %add3A_377 = arith.addf %add3A_374, %mul3A_376 : vector<16xf32>
      %add3A_378 = vector.broadcast %reduce_sum3A_369 : f32 to vector<16xf32>
      %add3A_379 = arith.addf %add3A_377, %add3A_378 : vector<16xf32>
      %mul3A_380 = arith.constant 16 : i32
      %mul3A_381 = vector.broadcast %mul3A_380 : i32 to vector<16xi32>
      %mul3A_382 = arith.muli %iota3A, %mul3A_381 : vector<16xi32>
      %add3A_383 = arith.constant 5 : i32
      %add3A_384 = arith.addi %mul3A_49, %add3A_383 : i32
      %add3A_385 = vector.broadcast %add3A_384 : i32 to vector<16xi32>
      %add3A_386 = arith.addi %mul3A_382, %add3A_385 : vector<16xi32>
      tpu.vector_store_idx %arg12[%add3A_386], %add3A_379 : memref<25088xf32, #tpu.memory_space<vmem>>[vector<16xi32>], vector<16xf32>,
      %eq3A_387 = arith.constant 6 : i32
      %eq3A_388 = vector.broadcast %eq3A_387 : i32 to vector<16xi32>
      %eq3A_389 = arith.cmpi eq, %iota3A, %eq3A_388 : vector<16xi32>
      %jit3A_390 = arith.constant 0.000000e+00 : f32
      %broadcast_in_dim3A_391 = vector.broadcast %jit3A_390 : f32 to vector<16xf32>
      %select_n3A_392 = arith.select %eq3A_389, %get3A_9, %broadcast_in_dim3A_391 : vector<16xi1>, vector<16xf32>
      %reduce_sum3A_393 = arith.constant true
      %reduce_sum3A_394 = vector.broadcast %reduce_sum3A_393 : i1 to vector<16xi1>
      %reduce_sum3A_395 = tpu.scan <sum>, %select_n3A_392 masked %reduce_sum3A_394 : vector<16xf32>, vector<16xi1> -> vector<16xf32>
      %reduce_sum3A_396 = vector.extract %reduce_sum3A_395[15] : f32 from vector<16xf32>
      %eq3A_397 = arith.constant 6 : i32
      %eq3A_398 = vector.broadcast %eq3A_397 : i32 to vector<16xi32>
      %eq3A_399 = arith.cmpi eq, %iota3A, %eq3A_398 : vector<16xi32>
      %jit3A_400 = arith.constant 0.000000e+00 : f32
      %broadcast_in_dim3A_401 = vector.broadcast %jit3A_400 : f32 to vector<16xf32>
      %select_n3A_402 = arith.select %eq3A_399, %get3A_11, %broadcast_in_dim3A_401 : vector<16xi1>, vector<16xf32>
      %reduce_sum3A_403 = arith.constant true
      %reduce_sum3A_404 = vector.broadcast %reduce_sum3A_403 : i1 to vector<16xi1>
      %reduce_sum3A_405 = tpu.scan <sum>, %select_n3A_402 masked %reduce_sum3A_404 : vector<16xf32>, vector<16xi1> -> vector<16xf32>
      %reduce_sum3A_406 = vector.extract %reduce_sum3A_405[15] : f32 from vector<16xf32>
      %eq3A_407 = arith.constant 6 : i32
      %eq3A_408 = vector.broadcast %eq3A_407 : i32 to vector<16xi32>
      %eq3A_409 = arith.cmpi eq, %iota3A, %eq3A_408 : vector<16xi32>
      %jit3A_410 = arith.constant 0.000000e+00 : f32
      %broadcast_in_dim3A_411 = vector.broadcast %jit3A_410 : f32 to vector<16xf32>
      %select_n3A_412 = arith.select %eq3A_409, %get3A_13, %broadcast_in_dim3A_411 : vector<16xi1>, vector<16xf32>
      %reduce_sum3A_413 = arith.constant true
      %reduce_sum3A_414 = vector.broadcast %reduce_sum3A_413 : i1 to vector<16xi1>
      %reduce_sum3A_415 = tpu.scan <sum>, %select_n3A_412 masked %reduce_sum3A_414 : vector<16xf32>, vector<16xi1> -> vector<16xf32>
      %reduce_sum3A_416 = vector.extract %reduce_sum3A_415[15] : f32 from vector<16xf32>
      %eq3A_417 = arith.constant 6 : i32
      %eq3A_418 = vector.broadcast %eq3A_417 : i32 to vector<16xi32>
      %eq3A_419 = arith.cmpi eq, %iota3A, %eq3A_418 : vector<16xi32>
      %jit3A_420 = arith.constant 0.000000e+00 : f32
      %broadcast_in_dim3A_421 = vector.broadcast %jit3A_420 : f32 to vector<16xf32>
      %select_n3A_422 = arith.select %eq3A_419, %get3A_15, %broadcast_in_dim3A_421 : vector<16xi1>, vector<16xf32>
      %reduce_sum3A_423 = arith.constant true
      %reduce_sum3A_424 = vector.broadcast %reduce_sum3A_423 : i1 to vector<16xi1>
      %reduce_sum3A_425 = tpu.scan <sum>, %select_n3A_422 masked %reduce_sum3A_424 : vector<16xf32>, vector<16xi1> -> vector<16xf32>
      %reduce_sum3A_426 = vector.extract %reduce_sum3A_425[15] : f32 from vector<16xf32>
      %mul3A_427 = vector.broadcast %reduce_sum3A_396 : f32 to vector<16xf32>
      %mul3A_428 = arith.mulf %gather3A, %mul3A_427 : vector<16xf32>
      %mul3A_429 = vector.broadcast %reduce_sum3A_406 : f32 to vector<16xf32>
      %mul3A_430 = arith.mulf %gather3A_39, %mul3A_429 : vector<16xf32>
      %add3A_431 = arith.addf %mul3A_428, %mul3A_430 : vector<16xf32>
      %mul3A_432 = vector.broadcast %reduce_sum3A_416 : f32 to vector<16xf32>
      %mul3A_433 = arith.mulf %gather3A_47, %mul3A_432 : vector<16xf32>
      %add3A_434 = arith.addf %add3A_431, %mul3A_433 : vector<16xf32>
      %add3A_435 = vector.broadcast %reduce_sum3A_426 : f32 to vector<16xf32>
      %add3A_436 = arith.addf %add3A_434, %add3A_435 : vector<16xf32>
      %mul3A_437 = arith.constant 16 : i32
      %mul3A_438 = vector.broadcast %mul3A_437 : i32 to vector<16xi32>
      %mul3A_439 = arith.muli %iota3A, %mul3A_438 : vector<16xi32>
      %add3A_440 = arith.constant 6 : i32
      %add3A_441 = arith.addi %mul3A_49, %add3A_440 : i32
      %add3A_442 = vector.broadcast %add3A_441 : i32 to vector<16xi32>
      %add3A_443 = arith.addi %mul3A_439, %add3A_442 : vector<16xi32>
      tpu.vector_store_idx %arg12[%add3A_443], %add3A_436 : memref<25088xf32, #tpu.memory_space<vmem>>[vector<16xi32>], vector<16xf32>,
      %eq3A_444 = arith.constant 7 : i32
      %eq3A_445 = vector.broadcast %eq3A_444 : i32 to vector<16xi32>
      %eq3A_446 = arith.cmpi eq, %iota3A, %eq3A_445 : vector<16xi32>
      %jit3A_447 = arith.constant 0.000000e+00 : f32
      %broadcast_in_dim3A_448 = vector.broadcast %jit3A_447 : f32 to vector<16xf32>
      %select_n3A_449 = arith.select %eq3A_446, %get3A_9, %broadcast_in_dim3A_448 : vector<16xi1>, vector<16xf32>
      %reduce_sum3A_450 = arith.constant true
      %reduce_sum3A_451 = vector.broadcast %reduce_sum3A_450 : i1 to vector<16xi1>
      %reduce_sum3A_452 = tpu.scan <sum>, %select_n3A_449 masked %reduce_sum3A_451 : vector<16xf32>, vector<16xi1> -> vector<16xf32>
      %reduce_sum3A_453 = vector.extract %reduce_sum3A_452[15] : f32 from vector<16xf32>
      %eq3A_454 = arith.constant 7 : i32
      %eq3A_455 = vector.broadcast %eq3A_454 : i32 to vector<16xi32>
      %eq3A_456 = arith.cmpi eq, %iota3A, %eq3A_455 : vector<16xi32>
      %jit3A_457 = arith.constant 0.000000e+00 : f32
      %broadcast_in_dim3A_458 = vector.broadcast %jit3A_457 : f32 to vector<16xf32>
      %select_n3A_459 = arith.select %eq3A_456, %get3A_11, %broadcast_in_dim3A_458 : vector<16xi1>, vector<16xf32>
      %reduce_sum3A_460 = arith.constant true
      %reduce_sum3A_461 = vector.broadcast %reduce_sum3A_460 : i1 to vector<16xi1>
      %reduce_sum3A_462 = tpu.scan <sum>, %select_n3A_459 masked %reduce_sum3A_461 : vector<16xf32>, vector<16xi1> -> vector<16xf32>
      %reduce_sum3A_463 = vector.extract %reduce_sum3A_462[15] : f32 from vector<16xf32>
      %eq3A_464 = arith.constant 7 : i32
      %eq3A_465 = vector.broadcast %eq3A_464 : i32 to vector<16xi32>
      %eq3A_466 = arith.cmpi eq, %iota3A, %eq3A_465 : vector<16xi32>
      %jit3A_467 = arith.constant 0.000000e+00 : f32
      %broadcast_in_dim3A_468 = vector.broadcast %jit3A_467 : f32 to vector<16xf32>
      %select_n3A_469 = arith.select %eq3A_466, %get3A_13, %broadcast_in_dim3A_468 : vector<16xi1>, vector<16xf32>
      %reduce_sum3A_470 = arith.constant true
      %reduce_sum3A_471 = vector.broadcast %reduce_sum3A_470 : i1 to vector<16xi1>
      %reduce_sum3A_472 = tpu.scan <sum>, %select_n3A_469 masked %reduce_sum3A_471 : vector<16xf32>, vector<16xi1> -> vector<16xf32>
      %reduce_sum3A_473 = vector.extract %reduce_sum3A_472[15] : f32 from vector<16xf32>
      %eq3A_474 = arith.constant 7 : i32
      %eq3A_475 = vector.broadcast %eq3A_474 : i32 to vector<16xi32>
      %eq3A_476 = arith.cmpi eq, %iota3A, %eq3A_475 : vector<16xi32>
      %jit3A_477 = arith.constant 0.000000e+00 : f32
      %broadcast_in_dim3A_478 = vector.broadcast %jit3A_477 : f32 to vector<16xf32>
      %select_n3A_479 = arith.select %eq3A_476, %get3A_15, %broadcast_in_dim3A_478 : vector<16xi1>, vector<16xf32>
      %reduce_sum3A_480 = arith.constant true
      %reduce_sum3A_481 = vector.broadcast %reduce_sum3A_480 : i1 to vector<16xi1>
      %reduce_sum3A_482 = tpu.scan <sum>, %select_n3A_479 masked %reduce_sum3A_481 : vector<16xf32>, vector<16xi1> -> vector<16xf32>
      %reduce_sum3A_483 = vector.extract %reduce_sum3A_482[15] : f32 from vector<16xf32>
      %mul3A_484 = vector.broadcast %reduce_sum3A_453 : f32 to vector<16xf32>
      %mul3A_485 = arith.mulf %gather3A, %mul3A_484 : vector<16xf32>
      %mul3A_486 = vector.broadcast %reduce_sum3A_463 : f32 to vector<16xf32>
      %mul3A_487 = arith.mulf %gather3A_39, %mul3A_486 : vector<16xf32>
      %add3A_488 = arith.addf %mul3A_485, %mul3A_487 : vector<16xf32>
      %mul3A_489 = vector.broadcast %reduce_sum3A_473 : f32 to vector<16xf32>
      %mul3A_490 = arith.mulf %gather3A_47, %mul3A_489 : vector<16xf32>
      %add3A_491 = arith.addf %add3A_488, %mul3A_490 : vector<16xf32>
      %add3A_492 = vector.broadcast %reduce_sum3A_483 : f32 to vector<16xf32>
      %add3A_493 = arith.addf %add3A_491, %add3A_492 : vector<16xf32>
      %mul3A_494 = arith.constant 16 : i32
      %mul3A_495 = vector.broadcast %mul3A_494 : i32 to vector<16xi32>
      %mul3A_496 = arith.muli %iota3A, %mul3A_495 : vector<16xi32>
      %add3A_497 = arith.constant 7 : i32
      %add3A_498 = arith.addi %mul3A_49, %add3A_497 : i32
      %add3A_499 = vector.broadcast %add3A_498 : i32 to vector<16xi32>
      %add3A_500 = arith.addi %mul3A_496, %add3A_499 : vector<16xi32>
      tpu.vector_store_idx %arg12[%add3A_500], %add3A_493 : memref<25088xf32, #tpu.memory_space<vmem>>[vector<16xi32>], vector<16xf32>,
      %eq3A_501 = arith.constant 8 : i32
      %eq3A_502 = vector.broadcast %eq3A_501 : i32 to vector<16xi32>
      %eq3A_503 = arith.cmpi eq, %iota3A, %eq3A_502 : vector<16xi32>
      %jit3A_504 = arith.constant 0.000000e+00 : f32
      %broadcast_in_dim3A_505 = vector.broadcast %jit3A_504 : f32 to vector<16xf32>
      %select_n3A_506 = arith.select %eq3A_503, %get3A_9, %broadcast_in_dim3A_505 : vector<16xi1>, vector<16xf32>
      %reduce_sum3A_507 = arith.constant true
      %reduce_sum3A_508 = vector.broadcast %reduce_sum3A_507 : i1 to vector<16xi1>
      %reduce_sum3A_509 = tpu.scan <sum>, %select_n3A_506 masked %reduce_sum3A_508 : vector<16xf32>, vector<16xi1> -> vector<16xf32>
      %reduce_sum3A_510 = vector.extract %reduce_sum3A_509[15] : f32 from vector<16xf32>
      %eq3A_511 = arith.constant 8 : i32
      %eq3A_512 = vector.broadcast %eq3A_511 : i32 to vector<16xi32>
      %eq3A_513 = arith.cmpi eq, %iota3A, %eq3A_512 : vector<16xi32>
      %jit3A_514 = arith.constant 0.000000e+00 : f32
      %broadcast_in_dim3A_515 = vector.broadcast %jit3A_514 : f32 to vector<16xf32>
      %select_n3A_516 = arith.select %eq3A_513, %get3A_11, %broadcast_in_dim3A_515 : vector<16xi1>, vector<16xf32>
      %reduce_sum3A_517 = arith.constant true
      %reduce_sum3A_518 = vector.broadcast %reduce_sum3A_517 : i1 to vector<16xi1>
      %reduce_sum3A_519 = tpu.scan <sum>, %select_n3A_516 masked %reduce_sum3A_518 : vector<16xf32>, vector<16xi1> -> vector<16xf32>
      %reduce_sum3A_520 = vector.extract %reduce_sum3A_519[15] : f32 from vector<16xf32>
      %eq3A_521 = arith.constant 8 : i32
      %eq3A_522 = vector.broadcast %eq3A_521 : i32 to vector<16xi32>
      %eq3A_523 = arith.cmpi eq, %iota3A, %eq3A_522 : vector<16xi32>
      %jit3A_524 = arith.constant 0.000000e+00 : f32
      %broadcast_in_dim3A_525 = vector.broadcast %jit3A_524 : f32 to vector<16xf32>
      %select_n3A_526 = arith.select %eq3A_523, %get3A_13, %broadcast_in_dim3A_525 : vector<16xi1>, vector<16xf32>
      %reduce_sum3A_527 = arith.constant true
      %reduce_sum3A_528 = vector.broadcast %reduce_sum3A_527 : i1 to vector<16xi1>
      %reduce_sum3A_529 = tpu.scan <sum>, %select_n3A_526 masked %reduce_sum3A_528 : vector<16xf32>, vector<16xi1> -> vector<16xf32>
      %reduce_sum3A_530 = vector.extract %reduce_sum3A_529[15] : f32 from vector<16xf32>
      %eq3A_531 = arith.constant 8 : i32
      %eq3A_532 = vector.broadcast %eq3A_531 : i32 to vector<16xi32>
      %eq3A_533 = arith.cmpi eq, %iota3A, %eq3A_532 : vector<16xi32>
      %jit3A_534 = arith.constant 0.000000e+00 : f32
      %broadcast_in_dim3A_535 = vector.broadcast %jit3A_534 : f32 to vector<16xf32>
      %select_n3A_536 = arith.select %eq3A_533, %get3A_15, %broadcast_in_dim3A_535 : vector<16xi1>, vector<16xf32>
      %reduce_sum3A_537 = arith.constant true
      %reduce_sum3A_538 = vector.broadcast %reduce_sum3A_537 : i1 to vector<16xi1>
      %reduce_sum3A_539 = tpu.scan <sum>, %select_n3A_536 masked %reduce_sum3A_538 : vector<16xf32>, vector<16xi1> -> vector<16xf32>
      %reduce_sum3A_540 = vector.extract %reduce_sum3A_539[15] : f32 from vector<16xf32>
      %mul3A_541 = vector.broadcast %reduce_sum3A_510 : f32 to vector<16xf32>
      %mul3A_542 = arith.mulf %gather3A, %mul3A_541 : vector<16xf32>
      %mul3A_543 = vector.broadcast %reduce_sum3A_520 : f32 to vector<16xf32>
      %mul3A_544 = arith.mulf %gather3A_39, %mul3A_543 : vector<16xf32>
      %add3A_545 = arith.addf %mul3A_542, %mul3A_544 : vector<16xf32>
      %mul3A_546 = vector.broadcast %reduce_sum3A_530 : f32 to vector<16xf32>
      %mul3A_547 = arith.mulf %gather3A_47, %mul3A_546 : vector<16xf32>
      %add3A_548 = arith.addf %add3A_545, %mul3A_547 : vector<16xf32>
      %add3A_549 = vector.broadcast %reduce_sum3A_540 : f32 to vector<16xf32>
      %add3A_550 = arith.addf %add3A_548, %add3A_549 : vector<16xf32>
      %mul3A_551 = arith.constant 16 : i32
      %mul3A_552 = vector.broadcast %mul3A_551 : i32 to vector<16xi32>
      %mul3A_553 = arith.muli %iota3A, %mul3A_552 : vector<16xi32>
      %add3A_554 = arith.constant 8 : i32
      %add3A_555 = arith.addi %mul3A_49, %add3A_554 : i32
      %add3A_556 = vector.broadcast %add3A_555 : i32 to vector<16xi32>
      %add3A_557 = arith.addi %mul3A_553, %add3A_556 : vector<16xi32>
      tpu.vector_store_idx %arg12[%add3A_557], %add3A_550 : memref<25088xf32, #tpu.memory_space<vmem>>[vector<16xi32>], vector<16xf32>,
      %eq3A_558 = arith.constant 9 : i32
      %eq3A_559 = vector.broadcast %eq3A_558 : i32 to vector<16xi32>
      %eq3A_560 = arith.cmpi eq, %iota3A, %eq3A_559 : vector<16xi32>
      %jit3A_561 = arith.constant 0.000000e+00 : f32
      %broadcast_in_dim3A_562 = vector.broadcast %jit3A_561 : f32 to vector<16xf32>
      %select_n3A_563 = arith.select %eq3A_560, %get3A_9, %broadcast_in_dim3A_562 : vector<16xi1>, vector<16xf32>
      %reduce_sum3A_564 = arith.constant true
      %reduce_sum3A_565 = vector.broadcast %reduce_sum3A_564 : i1 to vector<16xi1>
      %reduce_sum3A_566 = tpu.scan <sum>, %select_n3A_563 masked %reduce_sum3A_565 : vector<16xf32>, vector<16xi1> -> vector<16xf32>
      %reduce_sum3A_567 = vector.extract %reduce_sum3A_566[15] : f32 from vector<16xf32>
      %eq3A_568 = arith.constant 9 : i32
      %eq3A_569 = vector.broadcast %eq3A_568 : i32 to vector<16xi32>
      %eq3A_570 = arith.cmpi eq, %iota3A, %eq3A_569 : vector<16xi32>
      %jit3A_571 = arith.constant 0.000000e+00 : f32
      %broadcast_in_dim3A_572 = vector.broadcast %jit3A_571 : f32 to vector<16xf32>
      %select_n3A_573 = arith.select %eq3A_570, %get3A_11, %broadcast_in_dim3A_572 : vector<16xi1>, vector<16xf32>
      %reduce_sum3A_574 = arith.constant true
      %reduce_sum3A_575 = vector.broadcast %reduce_sum3A_574 : i1 to vector<16xi1>
      %reduce_sum3A_576 = tpu.scan <sum>, %select_n3A_573 masked %reduce_sum3A_575 : vector<16xf32>, vector<16xi1> -> vector<16xf32>
      %reduce_sum3A_577 = vector.extract %reduce_sum3A_576[15] : f32 from vector<16xf32>
      %eq3A_578 = arith.constant 9 : i32
      %eq3A_579 = vector.broadcast %eq3A_578 : i32 to vector<16xi32>
      %eq3A_580 = arith.cmpi eq, %iota3A, %eq3A_579 : vector<16xi32>
      %jit3A_581 = arith.constant 0.000000e+00 : f32
      %broadcast_in_dim3A_582 = vector.broadcast %jit3A_581 : f32 to vector<16xf32>
      %select_n3A_583 = arith.select %eq3A_580, %get3A_13, %broadcast_in_dim3A_582 : vector<16xi1>, vector<16xf32>
      %reduce_sum3A_584 = arith.constant true
      %reduce_sum3A_585 = vector.broadcast %reduce_sum3A_584 : i1 to vector<16xi1>
      %reduce_sum3A_586 = tpu.scan <sum>, %select_n3A_583 masked %reduce_sum3A_585 : vector<16xf32>, vector<16xi1> -> vector<16xf32>
      %reduce_sum3A_587 = vector.extract %reduce_sum3A_586[15] : f32 from vector<16xf32>
      %eq3A_588 = arith.constant 9 : i32
      %eq3A_589 = vector.broadcast %eq3A_588 : i32 to vector<16xi32>
      %eq3A_590 = arith.cmpi eq, %iota3A, %eq3A_589 : vector<16xi32>
      %jit3A_591 = arith.constant 0.000000e+00 : f32
      %broadcast_in_dim3A_592 = vector.broadcast %jit3A_591 : f32 to vector<16xf32>
      %select_n3A_593 = arith.select %eq3A_590, %get3A_15, %broadcast_in_dim3A_592 : vector<16xi1>, vector<16xf32>
      %reduce_sum3A_594 = arith.constant true
      %reduce_sum3A_595 = vector.broadcast %reduce_sum3A_594 : i1 to vector<16xi1>
      %reduce_sum3A_596 = tpu.scan <sum>, %select_n3A_593 masked %reduce_sum3A_595 : vector<16xf32>, vector<16xi1> -> vector<16xf32>
      %reduce_sum3A_597 = vector.extract %reduce_sum3A_596[15] : f32 from vector<16xf32>
      %mul3A_598 = vector.broadcast %reduce_sum3A_567 : f32 to vector<16xf32>
      %mul3A_599 = arith.mulf %gather3A, %mul3A_598 : vector<16xf32>
      %mul3A_600 = vector.broadcast %reduce_sum3A_577 : f32 to vector<16xf32>
      %mul3A_601 = arith.mulf %gather3A_39, %mul3A_600 : vector<16xf32>
      %add3A_602 = arith.addf %mul3A_599, %mul3A_601 : vector<16xf32>
      %mul3A_603 = vector.broadcast %reduce_sum3A_587 : f32 to vector<16xf32>
      %mul3A_604 = arith.mulf %gather3A_47, %mul3A_603 : vector<16xf32>
      %add3A_605 = arith.addf %add3A_602, %mul3A_604 : vector<16xf32>
      %add3A_606 = vector.broadcast %reduce_sum3A_597 : f32 to vector<16xf32>
      %add3A_607 = arith.addf %add3A_605, %add3A_606 : vector<16xf32>
      %mul3A_608 = arith.constant 16 : i32
      %mul3A_609 = vector.broadcast %mul3A_608 : i32 to vector<16xi32>
      %mul3A_610 = arith.muli %iota3A, %mul3A_609 : vector<16xi32>
      %add3A_611 = arith.constant 9 : i32
      %add3A_612 = arith.addi %mul3A_49, %add3A_611 : i32
      %add3A_613 = vector.broadcast %add3A_612 : i32 to vector<16xi32>
      %add3A_614 = arith.addi %mul3A_610, %add3A_613 : vector<16xi32>
      tpu.vector_store_idx %arg12[%add3A_614], %add3A_607 : memref<25088xf32, #tpu.memory_space<vmem>>[vector<16xi32>], vector<16xf32>,
      %eq3A_615 = arith.constant 10 : i32
      %eq3A_616 = vector.broadcast %eq3A_615 : i32 to vector<16xi32>
      %eq3A_617 = arith.cmpi eq, %iota3A, %eq3A_616 : vector<16xi32>
      %jit3A_618 = arith.constant 0.000000e+00 : f32
      %broadcast_in_dim3A_619 = vector.broadcast %jit3A_618 : f32 to vector<16xf32>
      %select_n3A_620 = arith.select %eq3A_617, %get3A_9, %broadcast_in_dim3A_619 : vector<16xi1>, vector<16xf32>
      %reduce_sum3A_621 = arith.constant true
      %reduce_sum3A_622 = vector.broadcast %reduce_sum3A_621 : i1 to vector<16xi1>
      %reduce_sum3A_623 = tpu.scan <sum>, %select_n3A_620 masked %reduce_sum3A_622 : vector<16xf32>, vector<16xi1> -> vector<16xf32>
      %reduce_sum3A_624 = vector.extract %reduce_sum3A_623[15] : f32 from vector<16xf32>
      %eq3A_625 = arith.constant 10 : i32
      %eq3A_626 = vector.broadcast %eq3A_625 : i32 to vector<16xi32>
      %eq3A_627 = arith.cmpi eq, %iota3A, %eq3A_626 : vector<16xi32>
      %jit3A_628 = arith.constant 0.000000e+00 : f32
      %broadcast_in_dim3A_629 = vector.broadcast %jit3A_628 : f32 to vector<16xf32>
      %select_n3A_630 = arith.select %eq3A_627, %get3A_11, %broadcast_in_dim3A_629 : vector<16xi1>, vector<16xf32>
      %reduce_sum3A_631 = arith.constant true
      %reduce_sum3A_632 = vector.broadcast %reduce_sum3A_631 : i1 to vector<16xi1>
      %reduce_sum3A_633 = tpu.scan <sum>, %select_n3A_630 masked %reduce_sum3A_632 : vector<16xf32>, vector<16xi1> -> vector<16xf32>
      %reduce_sum3A_634 = vector.extract %reduce_sum3A_633[15] : f32 from vector<16xf32>
      %eq3A_635 = arith.constant 10 : i32
      %eq3A_636 = vector.broadcast %eq3A_635 : i32 to vector<16xi32>
      %eq3A_637 = arith.cmpi eq, %iota3A, %eq3A_636 : vector<16xi32>
      %jit3A_638 = arith.constant 0.000000e+00 : f32
      %broadcast_in_dim3A_639 = vector.broadcast %jit3A_638 : f32 to vector<16xf32>
      %select_n3A_640 = arith.select %eq3A_637, %get3A_13, %broadcast_in_dim3A_639 : vector<16xi1>, vector<16xf32>
      %reduce_sum3A_641 = arith.constant true
      %reduce_sum3A_642 = vector.broadcast %reduce_sum3A_641 : i1 to vector<16xi1>
      %reduce_sum3A_643 = tpu.scan <sum>, %select_n3A_640 masked %reduce_sum3A_642 : vector<16xf32>, vector<16xi1> -> vector<16xf32>
      %reduce_sum3A_644 = vector.extract %reduce_sum3A_643[15] : f32 from vector<16xf32>
      %eq3A_645 = arith.constant 10 : i32
      %eq3A_646 = vector.broadcast %eq3A_645 : i32 to vector<16xi32>
      %eq3A_647 = arith.cmpi eq, %iota3A, %eq3A_646 : vector<16xi32>
      %jit3A_648 = arith.constant 0.000000e+00 : f32
      %broadcast_in_dim3A_649 = vector.broadcast %jit3A_648 : f32 to vector<16xf32>
      %select_n3A_650 = arith.select %eq3A_647, %get3A_15, %broadcast_in_dim3A_649 : vector<16xi1>, vector<16xf32>
      %reduce_sum3A_651 = arith.constant true
      %reduce_sum3A_652 = vector.broadcast %reduce_sum3A_651 : i1 to vector<16xi1>
      %reduce_sum3A_653 = tpu.scan <sum>, %select_n3A_650 masked %reduce_sum3A_652 : vector<16xf32>, vector<16xi1> -> vector<16xf32>
      %reduce_sum3A_654 = vector.extract %reduce_sum3A_653[15] : f32 from vector<16xf32>
      %mul3A_655 = vector.broadcast %reduce_sum3A_624 : f32 to vector<16xf32>
      %mul3A_656 = arith.mulf %gather3A, %mul3A_655 : vector<16xf32>
      %mul3A_657 = vector.broadcast %reduce_sum3A_634 : f32 to vector<16xf32>
      %mul3A_658 = arith.mulf %gather3A_39, %mul3A_657 : vector<16xf32>
      %add3A_659 = arith.addf %mul3A_656, %mul3A_658 : vector<16xf32>
      %mul3A_660 = vector.broadcast %reduce_sum3A_644 : f32 to vector<16xf32>
      %mul3A_661 = arith.mulf %gather3A_47, %mul3A_660 : vector<16xf32>
      %add3A_662 = arith.addf %add3A_659, %mul3A_661 : vector<16xf32>
      %add3A_663 = vector.broadcast %reduce_sum3A_654 : f32 to vector<16xf32>
      %add3A_664 = arith.addf %add3A_662, %add3A_663 : vector<16xf32>
      %mul3A_665 = arith.constant 16 : i32
      %mul3A_666 = vector.broadcast %mul3A_665 : i32 to vector<16xi32>
      %mul3A_667 = arith.muli %iota3A, %mul3A_666 : vector<16xi32>
      %add3A_668 = arith.constant 10 : i32
      %add3A_669 = arith.addi %mul3A_49, %add3A_668 : i32
      %add3A_670 = vector.broadcast %add3A_669 : i32 to vector<16xi32>
      %add3A_671 = arith.addi %mul3A_667, %add3A_670 : vector<16xi32>
      tpu.vector_store_idx %arg12[%add3A_671], %add3A_664 : memref<25088xf32, #tpu.memory_space<vmem>>[vector<16xi32>], vector<16xf32>,
      %eq3A_672 = arith.constant 11 : i32
      %eq3A_673 = vector.broadcast %eq3A_672 : i32 to vector<16xi32>
      %eq3A_674 = arith.cmpi eq, %iota3A, %eq3A_673 : vector<16xi32>
      %jit3A_675 = arith.constant 0.000000e+00 : f32
      %broadcast_in_dim3A_676 = vector.broadcast %jit3A_675 : f32 to vector<16xf32>
      %select_n3A_677 = arith.select %eq3A_674, %get3A_9, %broadcast_in_dim3A_676 : vector<16xi1>, vector<16xf32>
      %reduce_sum3A_678 = arith.constant true
      %reduce_sum3A_679 = vector.broadcast %reduce_sum3A_678 : i1 to vector<16xi1>
      %reduce_sum3A_680 = tpu.scan <sum>, %select_n3A_677 masked %reduce_sum3A_679 : vector<16xf32>, vector<16xi1> -> vector<16xf32>
      %reduce_sum3A_681 = vector.extract %reduce_sum3A_680[15] : f32 from vector<16xf32>
      %eq3A_682 = arith.constant 11 : i32
      %eq3A_683 = vector.broadcast %eq3A_682 : i32 to vector<16xi32>
      %eq3A_684 = arith.cmpi eq, %iota3A, %eq3A_683 : vector<16xi32>
      %jit3A_685 = arith.constant 0.000000e+00 : f32
      %broadcast_in_dim3A_686 = vector.broadcast %jit3A_685 : f32 to vector<16xf32>
      %select_n3A_687 = arith.select %eq3A_684, %get3A_11, %broadcast_in_dim3A_686 : vector<16xi1>, vector<16xf32>
      %reduce_sum3A_688 = arith.constant true
      %reduce_sum3A_689 = vector.broadcast %reduce_sum3A_688 : i1 to vector<16xi1>
      %reduce_sum3A_690 = tpu.scan <sum>, %select_n3A_687 masked %reduce_sum3A_689 : vector<16xf32>, vector<16xi1> -> vector<16xf32>
      %reduce_sum3A_691 = vector.extract %reduce_sum3A_690[15] : f32 from vector<16xf32>
      %eq3A_692 = arith.constant 11 : i32
      %eq3A_693 = vector.broadcast %eq3A_692 : i32 to vector<16xi32>
      %eq3A_694 = arith.cmpi eq, %iota3A, %eq3A_693 : vector<16xi32>
      %jit3A_695 = arith.constant 0.000000e+00 : f32
      %broadcast_in_dim3A_696 = vector.broadcast %jit3A_695 : f32 to vector<16xf32>
      %select_n3A_697 = arith.select %eq3A_694, %get3A_13, %broadcast_in_dim3A_696 : vector<16xi1>, vector<16xf32>
      %reduce_sum3A_698 = arith.constant true
      %reduce_sum3A_699 = vector.broadcast %reduce_sum3A_698 : i1 to vector<16xi1>
      %reduce_sum3A_700 = tpu.scan <sum>, %select_n3A_697 masked %reduce_sum3A_699 : vector<16xf32>, vector<16xi1> -> vector<16xf32>
      %reduce_sum3A_701 = vector.extract %reduce_sum3A_700[15] : f32 from vector<16xf32>
      %eq3A_702 = arith.constant 11 : i32
      %eq3A_703 = vector.broadcast %eq3A_702 : i32 to vector<16xi32>
      %eq3A_704 = arith.cmpi eq, %iota3A, %eq3A_703 : vector<16xi32>
      %jit3A_705 = arith.constant 0.000000e+00 : f32
      %broadcast_in_dim3A_706 = vector.broadcast %jit3A_705 : f32 to vector<16xf32>
      %select_n3A_707 = arith.select %eq3A_704, %get3A_15, %broadcast_in_dim3A_706 : vector<16xi1>, vector<16xf32>
      %reduce_sum3A_708 = arith.constant true
      %reduce_sum3A_709 = vector.broadcast %reduce_sum3A_708 : i1 to vector<16xi1>
      %reduce_sum3A_710 = tpu.scan <sum>, %select_n3A_707 masked %reduce_sum3A_709 : vector<16xf32>, vector<16xi1> -> vector<16xf32>
      %reduce_sum3A_711 = vector.extract %reduce_sum3A_710[15] : f32 from vector<16xf32>
      %mul3A_712 = vector.broadcast %reduce_sum3A_681 : f32 to vector<16xf32>
      %mul3A_713 = arith.mulf %gather3A, %mul3A_712 : vector<16xf32>
      %mul3A_714 = vector.broadcast %reduce_sum3A_691 : f32 to vector<16xf32>
      %mul3A_715 = arith.mulf %gather3A_39, %mul3A_714 : vector<16xf32>
      %add3A_716 = arith.addf %mul3A_713, %mul3A_715 : vector<16xf32>
      %mul3A_717 = vector.broadcast %reduce_sum3A_701 : f32 to vector<16xf32>
      %mul3A_718 = arith.mulf %gather3A_47, %mul3A_717 : vector<16xf32>
      %add3A_719 = arith.addf %add3A_716, %mul3A_718 : vector<16xf32>
      %add3A_720 = vector.broadcast %reduce_sum3A_711 : f32 to vector<16xf32>
      %add3A_721 = arith.addf %add3A_719, %add3A_720 : vector<16xf32>
      %mul3A_722 = arith.constant 16 : i32
      %mul3A_723 = vector.broadcast %mul3A_722 : i32 to vector<16xi32>
      %mul3A_724 = arith.muli %iota3A, %mul3A_723 : vector<16xi32>
      %add3A_725 = arith.constant 11 : i32
      %add3A_726 = arith.addi %mul3A_49, %add3A_725 : i32
      %add3A_727 = vector.broadcast %add3A_726 : i32 to vector<16xi32>
      %add3A_728 = arith.addi %mul3A_724, %add3A_727 : vector<16xi32>
      tpu.vector_store_idx %arg12[%add3A_728], %add3A_721 : memref<25088xf32, #tpu.memory_space<vmem>>[vector<16xi32>], vector<16xf32>,
      %eq3A_729 = arith.constant 12 : i32
      %eq3A_730 = vector.broadcast %eq3A_729 : i32 to vector<16xi32>
      %eq3A_731 = arith.cmpi eq, %iota3A, %eq3A_730 : vector<16xi32>
      %jit3A_732 = arith.constant 0.000000e+00 : f32
      %broadcast_in_dim3A_733 = vector.broadcast %jit3A_732 : f32 to vector<16xf32>
      %select_n3A_734 = arith.select %eq3A_731, %get3A_9, %broadcast_in_dim3A_733 : vector<16xi1>, vector<16xf32>
      %reduce_sum3A_735 = arith.constant true
      %reduce_sum3A_736 = vector.broadcast %reduce_sum3A_735 : i1 to vector<16xi1>
      %reduce_sum3A_737 = tpu.scan <sum>, %select_n3A_734 masked %reduce_sum3A_736 : vector<16xf32>, vector<16xi1> -> vector<16xf32>
      %reduce_sum3A_738 = vector.extract %reduce_sum3A_737[15] : f32 from vector<16xf32>
      %eq3A_739 = arith.constant 12 : i32
      %eq3A_740 = vector.broadcast %eq3A_739 : i32 to vector<16xi32>
      %eq3A_741 = arith.cmpi eq, %iota3A, %eq3A_740 : vector<16xi32>
      %jit3A_742 = arith.constant 0.000000e+00 : f32
      %broadcast_in_dim3A_743 = vector.broadcast %jit3A_742 : f32 to vector<16xf32>
      %select_n3A_744 = arith.select %eq3A_741, %get3A_11, %broadcast_in_dim3A_743 : vector<16xi1>, vector<16xf32>
      %reduce_sum3A_745 = arith.constant true
      %reduce_sum3A_746 = vector.broadcast %reduce_sum3A_745 : i1 to vector<16xi1>
      %reduce_sum3A_747 = tpu.scan <sum>, %select_n3A_744 masked %reduce_sum3A_746 : vector<16xf32>, vector<16xi1> -> vector<16xf32>
      %reduce_sum3A_748 = vector.extract %reduce_sum3A_747[15] : f32 from vector<16xf32>
      %eq3A_749 = arith.constant 12 : i32
      %eq3A_750 = vector.broadcast %eq3A_749 : i32 to vector<16xi32>
      %eq3A_751 = arith.cmpi eq, %iota3A, %eq3A_750 : vector<16xi32>
      %jit3A_752 = arith.constant 0.000000e+00 : f32
      %broadcast_in_dim3A_753 = vector.broadcast %jit3A_752 : f32 to vector<16xf32>
      %select_n3A_754 = arith.select %eq3A_751, %get3A_13, %broadcast_in_dim3A_753 : vector<16xi1>, vector<16xf32>
      %reduce_sum3A_755 = arith.constant true
      %reduce_sum3A_756 = vector.broadcast %reduce_sum3A_755 : i1 to vector<16xi1>
      %reduce_sum3A_757 = tpu.scan <sum>, %select_n3A_754 masked %reduce_sum3A_756 : vector<16xf32>, vector<16xi1> -> vector<16xf32>
      %reduce_sum3A_758 = vector.extract %reduce_sum3A_757[15] : f32 from vector<16xf32>
      %eq3A_759 = arith.constant 12 : i32
      %eq3A_760 = vector.broadcast %eq3A_759 : i32 to vector<16xi32>
      %eq3A_761 = arith.cmpi eq, %iota3A, %eq3A_760 : vector<16xi32>
      %jit3A_762 = arith.constant 0.000000e+00 : f32
      %broadcast_in_dim3A_763 = vector.broadcast %jit3A_762 : f32 to vector<16xf32>
      %select_n3A_764 = arith.select %eq3A_761, %get3A_15, %broadcast_in_dim3A_763 : vector<16xi1>, vector<16xf32>
      %reduce_sum3A_765 = arith.constant true
      %reduce_sum3A_766 = vector.broadcast %reduce_sum3A_765 : i1 to vector<16xi1>
      %reduce_sum3A_767 = tpu.scan <sum>, %select_n3A_764 masked %reduce_sum3A_766 : vector<16xf32>, vector<16xi1> -> vector<16xf32>
      %reduce_sum3A_768 = vector.extract %reduce_sum3A_767[15] : f32 from vector<16xf32>
      %mul3A_769 = vector.broadcast %reduce_sum3A_738 : f32 to vector<16xf32>
      %mul3A_770 = arith.mulf %gather3A, %mul3A_769 : vector<16xf32>
      %mul3A_771 = vector.broadcast %reduce_sum3A_748 : f32 to vector<16xf32>
      %mul3A_772 = arith.mulf %gather3A_39, %mul3A_771 : vector<16xf32>
      %add3A_773 = arith.addf %mul3A_770, %mul3A_772 : vector<16xf32>
      %mul3A_774 = vector.broadcast %reduce_sum3A_758 : f32 to vector<16xf32>
      %mul3A_775 = arith.mulf %gather3A_47, %mul3A_774 : vector<16xf32>
      %add3A_776 = arith.addf %add3A_773, %mul3A_775 : vector<16xf32>
      %add3A_777 = vector.broadcast %reduce_sum3A_768 : f32 to vector<16xf32>
      %add3A_778 = arith.addf %add3A_776, %add3A_777 : vector<16xf32>
      %mul3A_779 = arith.constant 16 : i32
      %mul3A_780 = vector.broadcast %mul3A_779 : i32 to vector<16xi32>
      %mul3A_781 = arith.muli %iota3A, %mul3A_780 : vector<16xi32>
      %add3A_782 = arith.constant 12 : i32
      %add3A_783 = arith.addi %mul3A_49, %add3A_782 : i32
      %add3A_784 = vector.broadcast %add3A_783 : i32 to vector<16xi32>
      %add3A_785 = arith.addi %mul3A_781, %add3A_784 : vector<16xi32>
      tpu.vector_store_idx %arg12[%add3A_785], %add3A_778 : memref<25088xf32, #tpu.memory_space<vmem>>[vector<16xi32>], vector<16xf32>,
      %eq3A_786 = arith.constant 13 : i32
      %eq3A_787 = vector.broadcast %eq3A_786 : i32 to vector<16xi32>
      %eq3A_788 = arith.cmpi eq, %iota3A, %eq3A_787 : vector<16xi32>
      %jit3A_789 = arith.constant 0.000000e+00 : f32
      %broadcast_in_dim3A_790 = vector.broadcast %jit3A_789 : f32 to vector<16xf32>
      %select_n3A_791 = arith.select %eq3A_788, %get3A_9, %broadcast_in_dim3A_790 : vector<16xi1>, vector<16xf32>
      %reduce_sum3A_792 = arith.constant true
      %reduce_sum3A_793 = vector.broadcast %reduce_sum3A_792 : i1 to vector<16xi1>
      %reduce_sum3A_794 = tpu.scan <sum>, %select_n3A_791 masked %reduce_sum3A_793 : vector<16xf32>, vector<16xi1> -> vector<16xf32>
      %reduce_sum3A_795 = vector.extract %reduce_sum3A_794[15] : f32 from vector<16xf32>
      %eq3A_796 = arith.constant 13 : i32
      %eq3A_797 = vector.broadcast %eq3A_796 : i32 to vector<16xi32>
      %eq3A_798 = arith.cmpi eq, %iota3A, %eq3A_797 : vector<16xi32>
      %jit3A_799 = arith.constant 0.000000e+00 : f32
      %broadcast_in_dim3A_800 = vector.broadcast %jit3A_799 : f32 to vector<16xf32>
      %select_n3A_801 = arith.select %eq3A_798, %get3A_11, %broadcast_in_dim3A_800 : vector<16xi1>, vector<16xf32>
      %reduce_sum3A_802 = arith.constant true
      %reduce_sum3A_803 = vector.broadcast %reduce_sum3A_802 : i1 to vector<16xi1>
      %reduce_sum3A_804 = tpu.scan <sum>, %select_n3A_801 masked %reduce_sum3A_803 : vector<16xf32>, vector<16xi1> -> vector<16xf32>
      %reduce_sum3A_805 = vector.extract %reduce_sum3A_804[15] : f32 from vector<16xf32>
      %eq3A_806 = arith.constant 13 : i32
      %eq3A_807 = vector.broadcast %eq3A_806 : i32 to vector<16xi32>
      %eq3A_808 = arith.cmpi eq, %iota3A, %eq3A_807 : vector<16xi32>
      %jit3A_809 = arith.constant 0.000000e+00 : f32
      %broadcast_in_dim3A_810 = vector.broadcast %jit3A_809 : f32 to vector<16xf32>
      %select_n3A_811 = arith.select %eq3A_808, %get3A_13, %broadcast_in_dim3A_810 : vector<16xi1>, vector<16xf32>
      %reduce_sum3A_812 = arith.constant true
      %reduce_sum3A_813 = vector.broadcast %reduce_sum3A_812 : i1 to vector<16xi1>
      %reduce_sum3A_814 = tpu.scan <sum>, %select_n3A_811 masked %reduce_sum3A_813 : vector<16xf32>, vector<16xi1> -> vector<16xf32>
      %reduce_sum3A_815 = vector.extract %reduce_sum3A_814[15] : f32 from vector<16xf32>
      %eq3A_816 = arith.constant 13 : i32
      %eq3A_817 = vector.broadcast %eq3A_816 : i32 to vector<16xi32>
      %eq3A_818 = arith.cmpi eq, %iota3A, %eq3A_817 : vector<16xi32>
      %jit3A_819 = arith.constant 0.000000e+00 : f32
      %broadcast_in_dim3A_820 = vector.broadcast %jit3A_819 : f32 to vector<16xf32>
      %select_n3A_821 = arith.select %eq3A_818, %get3A_15, %broadcast_in_dim3A_820 : vector<16xi1>, vector<16xf32>
      %reduce_sum3A_822 = arith.constant true
      %reduce_sum3A_823 = vector.broadcast %reduce_sum3A_822 : i1 to vector<16xi1>
      %reduce_sum3A_824 = tpu.scan <sum>, %select_n3A_821 masked %reduce_sum3A_823 : vector<16xf32>, vector<16xi1> -> vector<16xf32>
      %reduce_sum3A_825 = vector.extract %reduce_sum3A_824[15] : f32 from vector<16xf32>
      %mul3A_826 = vector.broadcast %reduce_sum3A_795 : f32 to vector<16xf32>
      %mul3A_827 = arith.mulf %gather3A, %mul3A_826 : vector<16xf32>
      %mul3A_828 = vector.broadcast %reduce_sum3A_805 : f32 to vector<16xf32>
      %mul3A_829 = arith.mulf %gather3A_39, %mul3A_828 : vector<16xf32>
      %add3A_830 = arith.addf %mul3A_827, %mul3A_829 : vector<16xf32>
      %mul3A_831 = vector.broadcast %reduce_sum3A_815 : f32 to vector<16xf32>
      %mul3A_832 = arith.mulf %gather3A_47, %mul3A_831 : vector<16xf32>
      %add3A_833 = arith.addf %add3A_830, %mul3A_832 : vector<16xf32>
      %add3A_834 = vector.broadcast %reduce_sum3A_825 : f32 to vector<16xf32>
      %add3A_835 = arith.addf %add3A_833, %add3A_834 : vector<16xf32>
      %mul3A_836 = arith.constant 16 : i32
      %mul3A_837 = vector.broadcast %mul3A_836 : i32 to vector<16xi32>
      %mul3A_838 = arith.muli %iota3A, %mul3A_837 : vector<16xi32>
      %add3A_839 = arith.constant 13 : i32
      %add3A_840 = arith.addi %mul3A_49, %add3A_839 : i32
      %add3A_841 = vector.broadcast %add3A_840 : i32 to vector<16xi32>
      %add3A_842 = arith.addi %mul3A_838, %add3A_841 : vector<16xi32>
      tpu.vector_store_idx %arg12[%add3A_842], %add3A_835 : memref<25088xf32, #tpu.memory_space<vmem>>[vector<16xi32>], vector<16xf32>,
      %eq3A_843 = arith.constant 14 : i32
      %eq3A_844 = vector.broadcast %eq3A_843 : i32 to vector<16xi32>
      %eq3A_845 = arith.cmpi eq, %iota3A, %eq3A_844 : vector<16xi32>
      %jit3A_846 = arith.constant 0.000000e+00 : f32
      %broadcast_in_dim3A_847 = vector.broadcast %jit3A_846 : f32 to vector<16xf32>
      %select_n3A_848 = arith.select %eq3A_845, %get3A_9, %broadcast_in_dim3A_847 : vector<16xi1>, vector<16xf32>
      %reduce_sum3A_849 = arith.constant true
      %reduce_sum3A_850 = vector.broadcast %reduce_sum3A_849 : i1 to vector<16xi1>
      %reduce_sum3A_851 = tpu.scan <sum>, %select_n3A_848 masked %reduce_sum3A_850 : vector<16xf32>, vector<16xi1> -> vector<16xf32>
      %reduce_sum3A_852 = vector.extract %reduce_sum3A_851[15] : f32 from vector<16xf32>
      %eq3A_853 = arith.constant 14 : i32
      %eq3A_854 = vector.broadcast %eq3A_853 : i32 to vector<16xi32>
      %eq3A_855 = arith.cmpi eq, %iota3A, %eq3A_854 : vector<16xi32>
      %jit3A_856 = arith.constant 0.000000e+00 : f32
      %broadcast_in_dim3A_857 = vector.broadcast %jit3A_856 : f32 to vector<16xf32>
      %select_n3A_858 = arith.select %eq3A_855, %get3A_11, %broadcast_in_dim3A_857 : vector<16xi1>, vector<16xf32>
      %reduce_sum3A_859 = arith.constant true
      %reduce_sum3A_860 = vector.broadcast %reduce_sum3A_859 : i1 to vector<16xi1>
      %reduce_sum3A_861 = tpu.scan <sum>, %select_n3A_858 masked %reduce_sum3A_860 : vector<16xf32>, vector<16xi1> -> vector<16xf32>
      %reduce_sum3A_862 = vector.extract %reduce_sum3A_861[15] : f32 from vector<16xf32>
      %eq3A_863 = arith.constant 14 : i32
      %eq3A_864 = vector.broadcast %eq3A_863 : i32 to vector<16xi32>
      %eq3A_865 = arith.cmpi eq, %iota3A, %eq3A_864 : vector<16xi32>
      %jit3A_866 = arith.constant 0.000000e+00 : f32
      %broadcast_in_dim3A_867 = vector.broadcast %jit3A_866 : f32 to vector<16xf32>
      %select_n3A_868 = arith.select %eq3A_865, %get3A_13, %broadcast_in_dim3A_867 : vector<16xi1>, vector<16xf32>
      %reduce_sum3A_869 = arith.constant true
      %reduce_sum3A_870 = vector.broadcast %reduce_sum3A_869 : i1 to vector<16xi1>
      %reduce_sum3A_871 = tpu.scan <sum>, %select_n3A_868 masked %reduce_sum3A_870 : vector<16xf32>, vector<16xi1> -> vector<16xf32>
      %reduce_sum3A_872 = vector.extract %reduce_sum3A_871[15] : f32 from vector<16xf32>
      %eq3A_873 = arith.constant 14 : i32
      %eq3A_874 = vector.broadcast %eq3A_873 : i32 to vector<16xi32>
      %eq3A_875 = arith.cmpi eq, %iota3A, %eq3A_874 : vector<16xi32>
      %jit3A_876 = arith.constant 0.000000e+00 : f32
      %broadcast_in_dim3A_877 = vector.broadcast %jit3A_876 : f32 to vector<16xf32>
      %select_n3A_878 = arith.select %eq3A_875, %get3A_15, %broadcast_in_dim3A_877 : vector<16xi1>, vector<16xf32>
      %reduce_sum3A_879 = arith.constant true
      %reduce_sum3A_880 = vector.broadcast %reduce_sum3A_879 : i1 to vector<16xi1>
      %reduce_sum3A_881 = tpu.scan <sum>, %select_n3A_878 masked %reduce_sum3A_880 : vector<16xf32>, vector<16xi1> -> vector<16xf32>
      %reduce_sum3A_882 = vector.extract %reduce_sum3A_881[15] : f32 from vector<16xf32>
      %mul3A_883 = vector.broadcast %reduce_sum3A_852 : f32 to vector<16xf32>
      %mul3A_884 = arith.mulf %gather3A, %mul3A_883 : vector<16xf32>
      %mul3A_885 = vector.broadcast %reduce_sum3A_862 : f32 to vector<16xf32>
      %mul3A_886 = arith.mulf %gather3A_39, %mul3A_885 : vector<16xf32>
      %add3A_887 = arith.addf %mul3A_884, %mul3A_886 : vector<16xf32>
      %mul3A_888 = vector.broadcast %reduce_sum3A_872 : f32 to vector<16xf32>
      %mul3A_889 = arith.mulf %gather3A_47, %mul3A_888 : vector<16xf32>
      %add3A_890 = arith.addf %add3A_887, %mul3A_889 : vector<16xf32>
      %add3A_891 = vector.broadcast %reduce_sum3A_882 : f32 to vector<16xf32>
      %add3A_892 = arith.addf %add3A_890, %add3A_891 : vector<16xf32>
      %mul3A_893 = arith.constant 16 : i32
      %mul3A_894 = vector.broadcast %mul3A_893 : i32 to vector<16xi32>
      %mul3A_895 = arith.muli %iota3A, %mul3A_894 : vector<16xi32>
      %add3A_896 = arith.constant 14 : i32
      %add3A_897 = arith.addi %mul3A_49, %add3A_896 : i32
      %add3A_898 = vector.broadcast %add3A_897 : i32 to vector<16xi32>
      %add3A_899 = arith.addi %mul3A_895, %add3A_898 : vector<16xi32>
      tpu.vector_store_idx %arg12[%add3A_899], %add3A_892 : memref<25088xf32, #tpu.memory_space<vmem>>[vector<16xi32>], vector<16xf32>,
      %eq3A_900 = arith.constant 15 : i32
      %eq3A_901 = vector.broadcast %eq3A_900 : i32 to vector<16xi32>
      %eq3A_902 = arith.cmpi eq, %iota3A, %eq3A_901 : vector<16xi32>
      %jit3A_903 = arith.constant 0.000000e+00 : f32
      %broadcast_in_dim3A_904 = vector.broadcast %jit3A_903 : f32 to vector<16xf32>
      %select_n3A_905 = arith.select %eq3A_902, %get3A_9, %broadcast_in_dim3A_904 : vector<16xi1>, vector<16xf32>
      %reduce_sum3A_906 = arith.constant true
      %reduce_sum3A_907 = vector.broadcast %reduce_sum3A_906 : i1 to vector<16xi1>
      %reduce_sum3A_908 = tpu.scan <sum>, %select_n3A_905 masked %reduce_sum3A_907 : vector<16xf32>, vector<16xi1> -> vector<16xf32>
      %reduce_sum3A_909 = vector.extract %reduce_sum3A_908[15] : f32 from vector<16xf32>
      %eq3A_910 = arith.constant 15 : i32
      %eq3A_911 = vector.broadcast %eq3A_910 : i32 to vector<16xi32>
      %eq3A_912 = arith.cmpi eq, %iota3A, %eq3A_911 : vector<16xi32>
      %jit3A_913 = arith.constant 0.000000e+00 : f32
      %broadcast_in_dim3A_914 = vector.broadcast %jit3A_913 : f32 to vector<16xf32>
      %select_n3A_915 = arith.select %eq3A_912, %get3A_11, %broadcast_in_dim3A_914 : vector<16xi1>, vector<16xf32>
      %reduce_sum3A_916 = arith.constant true
      %reduce_sum3A_917 = vector.broadcast %reduce_sum3A_916 : i1 to vector<16xi1>
      %reduce_sum3A_918 = tpu.scan <sum>, %select_n3A_915 masked %reduce_sum3A_917 : vector<16xf32>, vector<16xi1> -> vector<16xf32>
      %reduce_sum3A_919 = vector.extract %reduce_sum3A_918[15] : f32 from vector<16xf32>
      %eq3A_920 = arith.constant 15 : i32
      %eq3A_921 = vector.broadcast %eq3A_920 : i32 to vector<16xi32>
      %eq3A_922 = arith.cmpi eq, %iota3A, %eq3A_921 : vector<16xi32>
      %jit3A_923 = arith.constant 0.000000e+00 : f32
      %broadcast_in_dim3A_924 = vector.broadcast %jit3A_923 : f32 to vector<16xf32>
      %select_n3A_925 = arith.select %eq3A_922, %get3A_13, %broadcast_in_dim3A_924 : vector<16xi1>, vector<16xf32>
      %reduce_sum3A_926 = arith.constant true
      %reduce_sum3A_927 = vector.broadcast %reduce_sum3A_926 : i1 to vector<16xi1>
      %reduce_sum3A_928 = tpu.scan <sum>, %select_n3A_925 masked %reduce_sum3A_927 : vector<16xf32>, vector<16xi1> -> vector<16xf32>
      %reduce_sum3A_929 = vector.extract %reduce_sum3A_928[15] : f32 from vector<16xf32>
      %eq3A_930 = arith.constant 15 : i32
      %eq3A_931 = vector.broadcast %eq3A_930 : i32 to vector<16xi32>
      %eq3A_932 = arith.cmpi eq, %iota3A, %eq3A_931 : vector<16xi32>
      %jit3A_933 = arith.constant 0.000000e+00 : f32
      %broadcast_in_dim3A_934 = vector.broadcast %jit3A_933 : f32 to vector<16xf32>
      %select_n3A_935 = arith.select %eq3A_932, %get3A_15, %broadcast_in_dim3A_934 : vector<16xi1>, vector<16xf32>
      %reduce_sum3A_936 = arith.constant true
      %reduce_sum3A_937 = vector.broadcast %reduce_sum3A_936 : i1 to vector<16xi1>
      %reduce_sum3A_938 = tpu.scan <sum>, %select_n3A_935 masked %reduce_sum3A_937 : vector<16xf32>, vector<16xi1> -> vector<16xf32>
      %reduce_sum3A_939 = vector.extract %reduce_sum3A_938[15] : f32 from vector<16xf32>
      %mul3A_940 = vector.broadcast %reduce_sum3A_909 : f32 to vector<16xf32>
      %mul3A_941 = arith.mulf %gather3A, %mul3A_940 : vector<16xf32>
      %mul3A_942 = vector.broadcast %reduce_sum3A_919 : f32 to vector<16xf32>
      %mul3A_943 = arith.mulf %gather3A_39, %mul3A_942 : vector<16xf32>
      %add3A_944 = arith.addf %mul3A_941, %mul3A_943 : vector<16xf32>
      %mul3A_945 = vector.broadcast %reduce_sum3A_929 : f32 to vector<16xf32>
      %mul3A_946 = arith.mulf %gather3A_47, %mul3A_945 : vector<16xf32>
      %add3A_947 = arith.addf %add3A_944, %mul3A_946 : vector<16xf32>
      %add3A_948 = vector.broadcast %reduce_sum3A_939 : f32 to vector<16xf32>
      %add3A_949 = arith.addf %add3A_947, %add3A_948 : vector<16xf32>
      %mul3A_950 = arith.constant 16 : i32
      %mul3A_951 = vector.broadcast %mul3A_950 : i32 to vector<16xi32>
      %mul3A_952 = arith.muli %iota3A, %mul3A_951 : vector<16xi32>
      %add3A_953 = arith.constant 15 : i32
      %add3A_954 = arith.addi %mul3A_49, %add3A_953 : i32
      %add3A_955 = vector.broadcast %add3A_954 : i32 to vector<16xi32>
      %add3A_956 = arith.addi %mul3A_952, %add3A_955 : vector<16xi32>
      tpu.vector_store_idx %arg12[%add3A_956], %add3A_949 : memref<25088xf32, #tpu.memory_space<vmem>>[vector<16xi32>], vector<16xf32>,
    }
    %scan3A_21 = arith.constant 98 : i32
    %mul3A_22 = arith.constant 25088 : i32
    %mul3A_23 = arith.muli %add3A, %mul3A_22 : i32
    "tpu.region"() ({
      %run_scoped3A_24 = tpu.sem_alloc : memref<!tpu.dma_semaphore, #tpu.memory_space<semaphore_mem>>
      %dma_start3A = tpu.memref_slice %arg6[%mul3A_23] : memref<802816xf32, #tpu.memory_space<hbm>> -> memref<25088xf32, #tpu.memory_space<hbm>>
      %dma_start3A_25 = tpu.memref_slice %arg6[%mul3A_23] : memref<802816xf32, #tpu.memory_space<hbm>> -> memref<25088xf32, #tpu.memory_space<hbm>>
      tpu.enqueue_dma source(%arg12 : memref<25088xf32, #tpu.memory_space<vmem>>) target(%dma_start3A_25 : memref<25088xf32, #tpu.memory_space<hbm>>) target_semaphore(%run_scoped3A_24 : memref<!tpu.dma_semaphore, #tpu.memory_space<semaphore_mem>>)
      %dma_wait3A = tpu.memref_slice %arg6[%mul3A_23] : memref<802816xf32, #tpu.memory_space<hbm>> -> memref<25088xf32, #tpu.memory_space<hbm>>
      %dma_wait3A_26 = tpu.memref_slice %arg6[%mul3A_23] : memref<802816xf32, #tpu.memory_space<hbm>> -> memref<25088xf32, #tpu.memory_space<hbm>>
      tpu.wait_dma2 semaphore(%run_scoped3A_24 : memref<!tpu.dma_semaphore, #tpu.memory_space<semaphore_mem>>) src(%arg12 : memref<25088xf32, #tpu.memory_space<vmem>>) dst(%dma_wait3A_26 : memref<25088xf32, #tpu.memory_space<hbm>>)
      tpu.yield
    }) : () -> ()
    return
  }
}

module attributes {stable_mosaic.version = 14 : i64} {
  func.func @_tc_dis_body(%arg0: i32, %arg1: memref<1x392x128xf32, #tpu.memory_space<vmem>>, %arg2: memref<1x392x128xf32, #tpu.memory_space<vmem>>, %arg3: memref<392x128xf32, #tpu.memory_space<vmem>>) attributes {dimension_semantics = [#tpu.dimension_semantics<arbitrary>], iteration_bounds = array<i64: 1>, scalar_prefetch = 0 : i64, scratch_operands = 0 : i64, tpu.core_type = #tpu.core_type<tc>, window_params = [{transform_indices = @transform_0, window_bounds = array<i64: 1, 392, 128>}, {transform_indices = @transform_1, window_bounds = array<i64: 1, 392, 128>}, {pipeline_mode = #tpu.pipeline_mode<synchronous>, transform_indices = @transform_2, window_bounds = array<i64: 392, 128>}]} {
    %get3A = arith.constant 0 : index
    %get3A_0 = arith.constant 0 : index
    %get3A_1 = arith.constant 0 : index
    %get3A_2 = vector.load %arg1[%get3A, %get3A_0, %get3A_1] : memref<1x392x128xf32, #tpu.memory_space<vmem>>, vector<1x392x128xf32>
    %get3A_3 = vector.shape_cast %get3A_2 : vector<1x392x128xf32> to vector<392x128xf32>
    %get3A_4 = arith.constant 0 : index
    %get3A_5 = arith.constant 0 : index
    %get3A_6 = arith.constant 0 : index
    %get3A_7 = vector.load %arg2[%get3A_4, %get3A_5, %get3A_6] : memref<1x392x128xf32, #tpu.memory_space<vmem>>, vector<1x392x128xf32>
    %get3A_8 = vector.shape_cast %get3A_7 : vector<1x392x128xf32> to vector<392x128xf32>
    %add3A = arith.addf %get3A_3, %get3A_8 : vector<392x128xf32>
    %add3A_9 = arith.constant 1.000000e+00 : f32
    %add3A_10 = vector.broadcast %add3A_9 : f32 to vector<392x128xf32>
    %add3A_11 = arith.addf %add3A, %add3A_10 : vector<392x128xf32>
    %rsqrt3A = math.rsqrt %add3A_11 : vector<392x128xf32>
    %swap3A = arith.constant 0 : index
    %swap3A_12 = arith.constant 0 : index
    %swap3A_13 = vector.load %arg3[%swap3A, %swap3A_12] : memref<392x128xf32, #tpu.memory_space<vmem>>, vector<392x128xf32>
    tpu.vector_store %arg3[%swap3A, %swap3A_12], %rsqrt3A {strides = array<i32>} : memref<392x128xf32, #tpu.memory_space<vmem>>, vector<392x128xf32>,
    return
  }
  func.func @transform_0(%arg0: i32) -> (i32, i32, i32) {
    %c0_i32 = arith.constant 0 : i32
    %c0_i32_0 = arith.constant 0 : i32
    %c0_i32_1 = arith.constant 0 : i32
    %c0_i32_2 = arith.constant 0 : i32
    return %c0_i32, %c0_i32_0, %c0_i32_1 : i32, i32, i32
  }
  func.func @transform_1(%arg0: i32) -> (i32, i32, i32) {
    %c1_i32 = arith.constant 1 : i32
    %c0_i32 = arith.constant 0 : i32
    %c0_i32_0 = arith.constant 0 : i32
    %c0_i32_1 = arith.constant 0 : i32
    return %c1_i32, %c0_i32, %c0_i32_0 : i32, i32, i32
  }
  func.func @transform_2(%arg0: i32) -> (i32, i32) {
    %c0_i32 = arith.constant 0 : i32
    %c0_i32_0 = arith.constant 0 : i32
    %c0_i32_1 = arith.constant 0 : i32
    return %c0_i32, %c0_i32_0 : i32, i32
  }
}

module attributes {stable_mosaic.version = 14 : i64} {
  func.func @_tc_prep_body(%arg0: i32, %arg1: memref<1176x128xf32, #tpu.memory_space<vmem>>, %arg2: memref<1176x128xf32, #tpu.memory_space<vmem>>, %arg3: memref<1176x128xf32, #tpu.memory_space<vmem>>, %arg4: memref<1176x128xf32, #tpu.memory_space<vmem>>, %arg5: memref<1176x128xf32, #tpu.memory_space<vmem>>, %arg6: memref<1176x128xf32, #tpu.memory_space<vmem>>, %arg7: memref<3x3xf32, #tpu.memory_space<vmem>>, %arg8: memref<1176x128xf32, #tpu.memory_space<vmem>>) attributes {dimension_semantics = [#tpu.dimension_semantics<arbitrary>], iteration_bounds = array<i64: 1>, scalar_prefetch = 0 : i64, scratch_operands = 0 : i64, tpu.core_type = #tpu.core_type<tc>, window_params = [{pipeline_mode = #tpu.pipeline_mode<synchronous>, transform_indices = @transform_0, window_bounds = array<i64: 1176, 128>}, {pipeline_mode = #tpu.pipeline_mode<synchronous>, transform_indices = @transform_1, window_bounds = array<i64: 1176, 128>}, {pipeline_mode = #tpu.pipeline_mode<synchronous>, transform_indices = @transform_2, window_bounds = array<i64: 1176, 128>}, {pipeline_mode = #tpu.pipeline_mode<synchronous>, transform_indices = @transform_3, window_bounds = array<i64: 1176, 128>}, {pipeline_mode = #tpu.pipeline_mode<synchronous>, transform_indices = @transform_4, window_bounds = array<i64: 1176, 128>}, {pipeline_mode = #tpu.pipeline_mode<synchronous>, transform_indices = @transform_5, window_bounds = array<i64: 1176, 128>}, {pipeline_mode = #tpu.pipeline_mode<synchronous>, transform_indices = @transform_6, window_bounds = array<i64: 3, 3>}, {pipeline_mode = #tpu.pipeline_mode<synchronous>, transform_indices = @transform_7, window_bounds = array<i64: 1176, 128>}]} {
    %get3A = arith.constant 0 : index
    %get3A_0 = arith.constant 0 : index
    %get3A_1 = vector.load %arg1[%get3A, %get3A_0] : memref<1176x128xf32, #tpu.memory_space<vmem>>, vector<1176x128xf32>
    %iota3A = tpu.iota {dimensions = array<i32: 0>} : vector<1176x128xi32>
    %iota3A_2 = tpu.iota {dimensions = array<i32: 1>} : vector<1176x128xi32>
    %mul3A = arith.constant 128 : i32
    %mul3A_3 = vector.broadcast %mul3A : i32 to vector<1176x128xi32>
    %mul3A_4 = arith.muli %iota3A, %mul3A_3 : vector<1176x128xi32>
    %add3A = arith.addi %mul3A_4, %iota3A_2 : vector<1176x128xi32>
    %jit3A = arith.constant 3 : i32
    %eq3A = arith.constant 0 : i32
    %eq3A_5 = arith.cmpi eq, %jit3A, %eq3A : i32
    %jit3A_6 = arith.constant 1 : i32
    %select_n3A = arith.select %eq3A_5, %jit3A_6, %jit3A : i32
    %rem3A = vector.broadcast %select_n3A : i32 to vector<1176x128xi32>
    %rem3A_7 = arith.remsi %add3A, %rem3A : vector<1176x128xi32>
    %ne3A = arith.constant 0 : i32
    %ne3A_8 = vector.broadcast %ne3A : i32 to vector<1176x128xi32>
    %ne3A_9 = arith.cmpi ne, %rem3A_7, %ne3A_8 : vector<1176x128xi32>
    %lt3A = arith.constant 0 : i32
    %lt3A_10 = vector.broadcast %lt3A : i32 to vector<1176x128xi32>
    %lt3A_11 = arith.cmpi slt, %rem3A_7, %lt3A_10 : vector<1176x128xi32>
    %lt3A_12 = arith.constant 0 : i32
    %lt3A_13 = arith.cmpi slt, %select_n3A, %lt3A_12 : i32
    %ne3A_14 = vector.broadcast %lt3A_13 : i1 to vector<1176x128xi1>
    %ne3A_15 = vector.broadcast %ne3A_14 : vector<1176x128xi1> to vector<1176x128xi1>
    %ne3A_16 = arith.xori %lt3A_11, %ne3A_15 : vector<1176x128xi1>
    %and3A = arith.andi %ne3A_16, %ne3A_9 : vector<1176x128xi1>
    %add3A_17 = vector.broadcast %select_n3A : i32 to vector<1176x128xi32>
    %add3A_18 = arith.addi %rem3A_7, %add3A_17 : vector<1176x128xi32>
    %select_n3A_19 = arith.select %and3A, %add3A_18, %rem3A_7 : vector<1176x128xi1>, vector<1176x128xi32>
    %eq3A_20 = arith.constant 0 : i32
    %eq3A_21 = vector.broadcast %eq3A_20 : i32 to vector<1176x128xi32>
    %eq3A_22 = arith.cmpi eq, %select_n3A_19, %eq3A_21 : vector<1176x128xi32>
    %jit3A_23 = arith.constant 1.000000e+00 : f32
    %jit3A_24 = arith.constant 0.000000e+00 : f32
    %broadcast_in_dim3A = vector.broadcast %jit3A_23 : f32 to vector<1176x128xf32>
    %broadcast_in_dim3A_25 = vector.broadcast %jit3A_24 : f32 to vector<1176x128xf32>
    %select_n3A_26 = arith.select %eq3A_22, %broadcast_in_dim3A, %broadcast_in_dim3A_25 : vector<1176x128xi1>, vector<1176x128xf32>
    %eq3A_27 = arith.constant 1 : i32
    %eq3A_28 = vector.broadcast %eq3A_27 : i32 to vector<1176x128xi32>
    %eq3A_29 = arith.cmpi eq, %select_n3A_19, %eq3A_28 : vector<1176x128xi32>
    %jit3A_30 = arith.constant 1.000000e+00 : f32
    %jit3A_31 = arith.constant 0.000000e+00 : f32
    %broadcast_in_dim3A_32 = vector.broadcast %jit3A_30 : f32 to vector<1176x128xf32>
    %broadcast_in_dim3A_33 = vector.broadcast %jit3A_31 : f32 to vector<1176x128xf32>
    %select_n3A_34 = arith.select %eq3A_29, %broadcast_in_dim3A_32, %broadcast_in_dim3A_33 : vector<1176x128xi1>, vector<1176x128xf32>
    %eq3A_35 = arith.constant 2 : i32
    %eq3A_36 = vector.broadcast %eq3A_35 : i32 to vector<1176x128xi32>
    %eq3A_37 = arith.cmpi eq, %select_n3A_19, %eq3A_36 : vector<1176x128xi32>
    %jit3A_38 = arith.constant 1.000000e+00 : f32
    %jit3A_39 = arith.constant 0.000000e+00 : f32
    %broadcast_in_dim3A_40 = vector.broadcast %jit3A_38 : f32 to vector<1176x128xf32>
    %broadcast_in_dim3A_41 = vector.broadcast %jit3A_39 : f32 to vector<1176x128xf32>
    %select_n3A_42 = arith.select %eq3A_37, %broadcast_in_dim3A_40, %broadcast_in_dim3A_41 : vector<1176x128xi1>, vector<1176x128xf32>
    %get3A_43 = arith.constant 2 : index
    %get3A_44 = arith.constant 0 : index
    %get3A_45 = vector.load %arg7[%get3A_43, %get3A_44] : memref<3x3xf32, #tpu.memory_space<vmem>>, vector<1x1xf32>
    %get3A_46 = vector.extract %get3A_45[0, 0] : f32 from vector<1x1xf32>
    %mul3A_47 = vector.broadcast %get3A_46 : f32 to vector<1176x128xf32>
    %mul3A_48 = arith.mulf %select_n3A_42, %mul3A_47 : vector<1176x128xf32>
    %get3A_49 = arith.constant 0 : index
    %get3A_50 = arith.constant 0 : index
    %get3A_51 = vector.load %arg2[%get3A_49, %get3A_50] : memref<1176x128xf32, #tpu.memory_space<vmem>>, vector<1176x128xf32>
    %mul3A_52 = arith.mulf %mul3A_48, %get3A_51 : vector<1176x128xf32>
    %get3A_53 = arith.constant 1 : index
    %get3A_54 = arith.constant 0 : index
    %get3A_55 = vector.load %arg7[%get3A_53, %get3A_54] : memref<3x3xf32, #tpu.memory_space<vmem>>, vector<1x1xf32>
    %get3A_56 = vector.extract %get3A_55[0, 0] : f32 from vector<1x1xf32>
    %mul3A_57 = vector.broadcast %get3A_56 : f32 to vector<1176x128xf32>
    %mul3A_58 = arith.mulf %select_n3A_34, %mul3A_57 : vector<1176x128xf32>
    %get3A_59 = arith.constant 2 : index
    %get3A_60 = arith.constant 1 : index
    %get3A_61 = vector.load %arg7[%get3A_59, %get3A_60] : memref<3x3xf32, #tpu.memory_space<vmem>>, vector<1x1xf32>
    %get3A_62 = vector.extract %get3A_61[0, 0] : f32 from vector<1x1xf32>
    %mul3A_63 = vector.broadcast %get3A_62 : f32 to vector<1176x128xf32>
    %mul3A_64 = arith.mulf %select_n3A_42, %mul3A_63 : vector<1176x128xf32>
    %add3A_65 = arith.addf %mul3A_58, %mul3A_64 : vector<1176x128xf32>
    %get3A_66 = arith.constant 0 : index
    %get3A_67 = arith.constant 0 : index
    %get3A_68 = vector.load %arg3[%get3A_66, %get3A_67] : memref<1176x128xf32, #tpu.memory_space<vmem>>, vector<1176x128xf32>
    %mul3A_69 = arith.mulf %add3A_65, %get3A_68 : vector<1176x128xf32>
    %add3A_70 = arith.addf %mul3A_52, %mul3A_69 : vector<1176x128xf32>
    %get3A_71 = arith.constant 0 : index
    %get3A_72 = arith.constant 0 : index
    %get3A_73 = vector.load %arg7[%get3A_71, %get3A_72] : memref<3x3xf32, #tpu.memory_space<vmem>>, vector<1x1xf32>
    %get3A_74 = vector.extract %get3A_73[0, 0] : f32 from vector<1x1xf32>
    %mul3A_75 = vector.broadcast %get3A_74 : f32 to vector<1176x128xf32>
    %mul3A_76 = arith.mulf %select_n3A_26, %mul3A_75 : vector<1176x128xf32>
    %get3A_77 = arith.constant 1 : index
    %get3A_78 = arith.constant 1 : index
    %get3A_79 = vector.load %arg7[%get3A_77, %get3A_78] : memref<3x3xf32, #tpu.memory_space<vmem>>, vector<1x1xf32>
    %get3A_80 = vector.extract %get3A_79[0, 0] : f32 from vector<1x1xf32>
    %mul3A_81 = vector.broadcast %get3A_80 : f32 to vector<1176x128xf32>
    %mul3A_82 = arith.mulf %select_n3A_34, %mul3A_81 : vector<1176x128xf32>
    %add3A_83 = arith.addf %mul3A_76, %mul3A_82 : vector<1176x128xf32>
    %get3A_84 = arith.constant 2 : index
    %get3A_85 = arith.constant 2 : index
    %get3A_86 = vector.load %arg7[%get3A_84, %get3A_85] : memref<3x3xf32, #tpu.memory_space<vmem>>, vector<1x1xf32>
    %get3A_87 = vector.extract %get3A_86[0, 0] : f32 from vector<1x1xf32>
    %mul3A_88 = vector.broadcast %get3A_87 : f32 to vector<1176x128xf32>
    %mul3A_89 = arith.mulf %select_n3A_42, %mul3A_88 : vector<1176x128xf32>
    %add3A_90 = arith.addf %add3A_83, %mul3A_89 : vector<1176x128xf32>
    %get3A_91 = arith.constant 0 : index
    %get3A_92 = arith.constant 0 : index
    %get3A_93 = vector.load %arg4[%get3A_91, %get3A_92] : memref<1176x128xf32, #tpu.memory_space<vmem>>, vector<1176x128xf32>
    %mul3A_94 = arith.mulf %add3A_90, %get3A_93 : vector<1176x128xf32>
    %add3A_95 = arith.addf %add3A_70, %mul3A_94 : vector<1176x128xf32>
    %get3A_96 = arith.constant 0 : index
    %get3A_97 = arith.constant 1 : index
    %get3A_98 = vector.load %arg7[%get3A_96, %get3A_97] : memref<3x3xf32, #tpu.memory_space<vmem>>, vector<1x1xf32>
    %get3A_99 = vector.extract %get3A_98[0, 0] : f32 from vector<1x1xf32>
    %mul3A_100 = vector.broadcast %get3A_99 : f32 to vector<1176x128xf32>
    %mul3A_101 = arith.mulf %select_n3A_26, %mul3A_100 : vector<1176x128xf32>
    %get3A_102 = arith.constant 1 : index
    %get3A_103 = arith.constant 2 : index
    %get3A_104 = vector.load %arg7[%get3A_102, %get3A_103] : memref<3x3xf32, #tpu.memory_space<vmem>>, vector<1x1xf32>
    %get3A_105 = vector.extract %get3A_104[0, 0] : f32 from vector<1x1xf32>
    %mul3A_106 = vector.broadcast %get3A_105 : f32 to vector<1176x128xf32>
    %mul3A_107 = arith.mulf %select_n3A_34, %mul3A_106 : vector<1176x128xf32>
    %add3A_108 = arith.addf %mul3A_101, %mul3A_107 : vector<1176x128xf32>
    %get3A_109 = arith.constant 0 : index
    %get3A_110 = arith.constant 0 : index
    %get3A_111 = vector.load %arg5[%get3A_109, %get3A_110] : memref<1176x128xf32, #tpu.memory_space<vmem>>, vector<1176x128xf32>
    %mul3A_112 = arith.mulf %add3A_108, %get3A_111 : vector<1176x128xf32>
    %add3A_113 = arith.addf %add3A_95, %mul3A_112 : vector<1176x128xf32>
    %get3A_114 = arith.constant 0 : index
    %get3A_115 = arith.constant 2 : index
    %get3A_116 = vector.load %arg7[%get3A_114, %get3A_115] : memref<3x3xf32, #tpu.memory_space<vmem>>, vector<1x1xf32>
    %get3A_117 = vector.extract %get3A_116[0, 0] : f32 from vector<1x1xf32>
    %mul3A_118 = vector.broadcast %get3A_117 : f32 to vector<1176x128xf32>
    %mul3A_119 = arith.mulf %select_n3A_26, %mul3A_118 : vector<1176x128xf32>
    %get3A_120 = arith.constant 0 : index
    %get3A_121 = arith.constant 0 : index
    %get3A_122 = vector.load %arg6[%get3A_120, %get3A_121] : memref<1176x128xf32, #tpu.memory_space<vmem>>, vector<1176x128xf32>
    %mul3A_123 = arith.mulf %mul3A_119, %get3A_122 : vector<1176x128xf32>
    %add3A_124 = arith.addf %add3A_113, %mul3A_123 : vector<1176x128xf32>
    %mul3A_125 = arith.mulf %add3A_124, %get3A_1 : vector<1176x128xf32>
    %swap3A = arith.constant 0 : index
    %swap3A_126 = arith.constant 0 : index
    %swap3A_127 = vector.load %arg8[%swap3A, %swap3A_126] : memref<1176x128xf32, #tpu.memory_space<vmem>>, vector<1176x128xf32>
    tpu.vector_store %arg8[%swap3A, %swap3A_126], %mul3A_125 {strides = array<i32>} : memref<1176x128xf32, #tpu.memory_space<vmem>>, vector<1176x128xf32>,
    return
  }
  func.func @transform_0(%arg0: i32) -> (i32, i32) {
    %c0_i32 = arith.constant 0 : i32
    %c0_i32_0 = arith.constant 0 : i32
    %c0_i32_1 = arith.constant 0 : i32
    return %c0_i32, %c0_i32_0 : i32, i32
  }
  func.func @transform_1(%arg0: i32) -> (i32, i32) {
    %c0_i32 = arith.constant 0 : i32
    %c0_i32_0 = arith.constant 0 : i32
    %c0_i32_1 = arith.constant 0 : i32
    return %c0_i32, %c0_i32_0 : i32, i32
  }
  func.func @transform_2(%arg0: i32) -> (i32, i32) {
    %c0_i32 = arith.constant 0 : i32
    %c0_i32_0 = arith.constant 0 : i32
    %c0_i32_1 = arith.constant 0 : i32
    return %c0_i32, %c0_i32_0 : i32, i32
  }
  func.func @transform_3(%arg0: i32) -> (i32, i32) {
    %c0_i32 = arith.constant 0 : i32
    %c0_i32_0 = arith.constant 0 : i32
    %c0_i32_1 = arith.constant 0 : i32
    return %c0_i32, %c0_i32_0 : i32, i32
  }
  func.func @transform_4(%arg0: i32) -> (i32, i32) {
    %c0_i32 = arith.constant 0 : i32
    %c0_i32_0 = arith.constant 0 : i32
    %c0_i32_1 = arith.constant 0 : i32
    return %c0_i32, %c0_i32_0 : i32, i32
  }
  func.func @transform_5(%arg0: i32) -> (i32, i32) {
    %c0_i32 = arith.constant 0 : i32
    %c0_i32_0 = arith.constant 0 : i32
    %c0_i32_1 = arith.constant 0 : i32
    return %c0_i32, %c0_i32_0 : i32, i32
  }
  func.func @transform_6(%arg0: i32) -> (i32, i32) {
    %c0_i32 = arith.constant 0 : i32
    %c0_i32_0 = arith.constant 0 : i32
    %c0_i32_1 = arith.constant 0 : i32
    return %c0_i32, %c0_i32_0 : i32, i32
  }
  func.func @transform_7(%arg0: i32) -> (i32, i32) {
    %c0_i32 = arith.constant 0 : i32
    %c0_i32_0 = arith.constant 0 : i32
    %c0_i32_1 = arith.constant 0 : i32
    return %c0_i32, %c0_i32_0 : i32, i32
  }
}

module attributes {stable_mosaic.version = 14 : i64} {
  func.func @_tc_mid_body(%arg0: i32, %arg1: memref<1x1176x128xf32, #tpu.memory_space<vmem>>, %arg2: memref<1x1176x128xf32, #tpu.memory_space<vmem>>, %arg3: memref<1176x128xf32, #tpu.memory_space<vmem>>, %arg4: memref<1176x128xf32, #tpu.memory_space<vmem>>, %arg5: memref<1x3xf32, #tpu.memory_space<vmem>>, %arg6: memref<1176x128xf32, #tpu.memory_space<vmem>>) attributes {dimension_semantics = [#tpu.dimension_semantics<arbitrary>], iteration_bounds = array<i64: 1>, scalar_prefetch = 0 : i64, scratch_operands = 0 : i64, tpu.core_type = #tpu.core_type<tc>, window_params = [{transform_indices = @transform_0, window_bounds = array<i64: 1, 1176, 128>}, {transform_indices = @transform_1, window_bounds = array<i64: 1, 1176, 128>}, {pipeline_mode = #tpu.pipeline_mode<synchronous>, transform_indices = @transform_2, window_bounds = array<i64: 1176, 128>}, {pipeline_mode = #tpu.pipeline_mode<synchronous>, transform_indices = @transform_3, window_bounds = array<i64: 1176, 128>}, {pipeline_mode = #tpu.pipeline_mode<synchronous>, transform_indices = @transform_4, window_bounds = array<i64: 1, 3>}, {pipeline_mode = #tpu.pipeline_mode<synchronous>, transform_indices = @transform_5, window_bounds = array<i64: 1176, 128>}]} {
    %iota3A = tpu.iota {dimensions = array<i32: 0>} : vector<1176x128xi32>
    %iota3A_0 = tpu.iota {dimensions = array<i32: 1>} : vector<1176x128xi32>
    %mul3A = arith.constant 128 : i32
    %mul3A_1 = vector.broadcast %mul3A : i32 to vector<1176x128xi32>
    %mul3A_2 = arith.muli %iota3A, %mul3A_1 : vector<1176x128xi32>
    %add3A = arith.addi %mul3A_2, %iota3A_0 : vector<1176x128xi32>
    %jit3A = arith.constant 3 : i32
    %eq3A = arith.constant 0 : i32
    %eq3A_3 = arith.cmpi eq, %jit3A, %eq3A : i32
    %jit3A_4 = arith.constant 1 : i32
    %select_n3A = arith.select %eq3A_3, %jit3A_4, %jit3A : i32
    %rem3A = vector.broadcast %select_n3A : i32 to vector<1176x128xi32>
    %rem3A_5 = arith.remsi %add3A, %rem3A : vector<1176x128xi32>
    %ne3A = arith.constant 0 : i32
    %ne3A_6 = vector.broadcast %ne3A : i32 to vector<1176x128xi32>
    %ne3A_7 = arith.cmpi ne, %rem3A_5, %ne3A_6 : vector<1176x128xi32>
    %lt3A = arith.constant 0 : i32
    %lt3A_8 = vector.broadcast %lt3A : i32 to vector<1176x128xi32>
    %lt3A_9 = arith.cmpi slt, %rem3A_5, %lt3A_8 : vector<1176x128xi32>
    %lt3A_10 = arith.constant 0 : i32
    %lt3A_11 = arith.cmpi slt, %select_n3A, %lt3A_10 : i32
    %ne3A_12 = vector.broadcast %lt3A_11 : i1 to vector<1176x128xi1>
    %ne3A_13 = vector.broadcast %ne3A_12 : vector<1176x128xi1> to vector<1176x128xi1>
    %ne3A_14 = arith.xori %lt3A_9, %ne3A_13 : vector<1176x128xi1>
    %and3A = arith.andi %ne3A_14, %ne3A_7 : vector<1176x128xi1>
    %add3A_15 = vector.broadcast %select_n3A : i32 to vector<1176x128xi32>
    %add3A_16 = arith.addi %rem3A_5, %add3A_15 : vector<1176x128xi32>
    %select_n3A_17 = arith.select %and3A, %add3A_16, %rem3A_5 : vector<1176x128xi1>, vector<1176x128xi32>
    %eq3A_18 = arith.constant 0 : i32
    %eq3A_19 = vector.broadcast %eq3A_18 : i32 to vector<1176x128xi32>
    %eq3A_20 = arith.cmpi eq, %select_n3A_17, %eq3A_19 : vector<1176x128xi32>
    %get3A = arith.constant 0 : index
    %get3A_21 = arith.constant 0 : index
    %get3A_22 = vector.load %arg5[%get3A, %get3A_21] : memref<1x3xf32, #tpu.memory_space<vmem>>, vector<1x1xf32>
    %get3A_23 = vector.extract %get3A_22[0, 0] : f32 from vector<1x1xf32>
    %jit3A_24 = arith.constant 0.000000e+00 : f32
    %broadcast_in_dim3A = vector.broadcast %get3A_23 : f32 to vector<1176x128xf32>
    %broadcast_in_dim3A_25 = vector.broadcast %jit3A_24 : f32 to vector<1176x128xf32>
    %select_n3A_26 = arith.select %eq3A_20, %broadcast_in_dim3A, %broadcast_in_dim3A_25 : vector<1176x128xi1>, vector<1176x128xf32>
    %eq3A_27 = arith.constant 1 : i32
    %eq3A_28 = vector.broadcast %eq3A_27 : i32 to vector<1176x128xi32>
    %eq3A_29 = arith.cmpi eq, %select_n3A_17, %eq3A_28 : vector<1176x128xi32>
    %get3A_30 = arith.constant 0 : index
    %get3A_31 = arith.constant 1 : index
    %get3A_32 = vector.load %arg5[%get3A_30, %get3A_31] : memref<1x3xf32, #tpu.memory_space<vmem>>, vector<1x1xf32>
    %get3A_33 = vector.extract %get3A_32[0, 0] : f32 from vector<1x1xf32>
    %jit3A_34 = arith.constant 0.000000e+00 : f32
    %broadcast_in_dim3A_35 = vector.broadcast %get3A_33 : f32 to vector<1176x128xf32>
    %broadcast_in_dim3A_36 = vector.broadcast %jit3A_34 : f32 to vector<1176x128xf32>
    %select_n3A_37 = arith.select %eq3A_29, %broadcast_in_dim3A_35, %broadcast_in_dim3A_36 : vector<1176x128xi1>, vector<1176x128xf32>
    %add3A_38 = arith.addf %select_n3A_26, %select_n3A_37 : vector<1176x128xf32>
    %eq3A_39 = arith.constant 2 : i32
    %eq3A_40 = vector.broadcast %eq3A_39 : i32 to vector<1176x128xi32>
    %eq3A_41 = arith.cmpi eq, %select_n3A_17, %eq3A_40 : vector<1176x128xi32>
    %get3A_42 = arith.constant 0 : index
    %get3A_43 = arith.constant 2 : index
    %get3A_44 = vector.load %arg5[%get3A_42, %get3A_43] : memref<1x3xf32, #tpu.memory_space<vmem>>, vector<1x1xf32>
    %get3A_45 = vector.extract %get3A_44[0, 0] : f32 from vector<1x1xf32>
    %jit3A_46 = arith.constant 0.000000e+00 : f32
    %broadcast_in_dim3A_47 = vector.broadcast %get3A_45 : f32 to vector<1176x128xf32>
    %broadcast_in_dim3A_48 = vector.broadcast %jit3A_46 : f32 to vector<1176x128xf32>
    %select_n3A_49 = arith.select %eq3A_41, %broadcast_in_dim3A_47, %broadcast_in_dim3A_48 : vector<1176x128xi1>, vector<1176x128xf32>
    %add3A_50 = arith.addf %add3A_38, %select_n3A_49 : vector<1176x128xf32>
    %get3A_51 = arith.constant 0 : index
    %get3A_52 = arith.constant 0 : index
    %get3A_53 = vector.load %arg4[%get3A_51, %get3A_52] : memref<1176x128xf32, #tpu.memory_space<vmem>>, vector<1176x128xf32>
    %get3A_54 = arith.constant 0 : index
    %get3A_55 = arith.constant 0 : index
    %get3A_56 = arith.constant 0 : index
    %get3A_57 = vector.load %arg1[%get3A_54, %get3A_55, %get3A_56] : memref<1x1176x128xf32, #tpu.memory_space<vmem>>, vector<1x1176x128xf32>
    %get3A_58 = vector.shape_cast %get3A_57 : vector<1x1176x128xf32> to vector<1176x128xf32>
    %get3A_59 = arith.constant 0 : index
    %get3A_60 = arith.constant 0 : index
    %get3A_61 = arith.constant 0 : index
    %get3A_62 = vector.load %arg2[%get3A_59, %get3A_60, %get3A_61] : memref<1x1176x128xf32, #tpu.memory_space<vmem>>, vector<1x1176x128xf32>
    %get3A_63 = vector.shape_cast %get3A_62 : vector<1x1176x128xf32> to vector<1176x128xf32>
    %add3A_64 = arith.addf %get3A_58, %get3A_63 : vector<1176x128xf32>
    %get3A_65 = arith.constant 0 : index
    %get3A_66 = arith.constant 0 : index
    %get3A_67 = vector.load %arg3[%get3A_65, %get3A_66] : memref<1176x128xf32, #tpu.memory_space<vmem>>, vector<1176x128xf32>
    %add3A_68 = arith.addf %add3A_64, %get3A_67 : vector<1176x128xf32>
    %mul3A_69 = arith.mulf %get3A_53, %add3A_68 : vector<1176x128xf32>
    %add3A_70 = arith.addf %mul3A_69, %add3A_50 : vector<1176x128xf32>
    %ge3A = arith.constant 0.000000e+00 : f32
    %ge3A_71 = vector.broadcast %ge3A : f32 to vector<1176x128xf32>
    %ge3A_72 = arith.cmpf oge, %add3A_70, %ge3A_71 : vector<1176x128xf32>
    %mul3A_73 = arith.constant 1.000000e-01 : f32
    %mul3A_74 = vector.broadcast %mul3A_73 : f32 to vector<1176x128xf32>
    %mul3A_75 = arith.mulf %mul3A_74, %add3A_70 : vector<1176x128xf32>
    %select_n3A_76 = arith.select %ge3A_72, %add3A_70, %mul3A_75 : vector<1176x128xi1>, vector<1176x128xf32>
    %mul3A_77 = arith.mulf %select_n3A_76, %get3A_53 : vector<1176x128xf32>
    %swap3A = arith.constant 0 : index
    %swap3A_78 = arith.constant 0 : index
    %swap3A_79 = vector.load %arg6[%swap3A, %swap3A_78] : memref<1176x128xf32, #tpu.memory_space<vmem>>, vector<1176x128xf32>
    tpu.vector_store %arg6[%swap3A, %swap3A_78], %mul3A_77 {strides = array<i32>} : memref<1176x128xf32, #tpu.memory_space<vmem>>, vector<1176x128xf32>,
    return
  }
  func.func @transform_0(%arg0: i32) -> (i32, i32, i32) {
    %c0_i32 = arith.constant 0 : i32
    %c0_i32_0 = arith.constant 0 : i32
    %c0_i32_1 = arith.constant 0 : i32
    %c0_i32_2 = arith.constant 0 : i32
    return %c0_i32, %c0_i32_0, %c0_i32_1 : i32, i32, i32
  }
  func.func @transform_1(%arg0: i32) -> (i32, i32, i32) {
    %c1_i32 = arith.constant 1 : i32
    %c0_i32 = arith.constant 0 : i32
    %c0_i32_0 = arith.constant 0 : i32
    %c0_i32_1 = arith.constant 0 : i32
    return %c1_i32, %c0_i32, %c0_i32_0 : i32, i32, i32
  }
  func.func @transform_2(%arg0: i32) -> (i32, i32) {
    %c0_i32 = arith.constant 0 : i32
    %c0_i32_0 = arith.constant 0 : i32
    %c0_i32_1 = arith.constant 0 : i32
    return %c0_i32, %c0_i32_0 : i32, i32
  }
  func.func @transform_3(%arg0: i32) -> (i32, i32) {
    %c0_i32 = arith.constant 0 : i32
    %c0_i32_0 = arith.constant 0 : i32
    %c0_i32_1 = arith.constant 0 : i32
    return %c0_i32, %c0_i32_0 : i32, i32
  }
  func.func @transform_4(%arg0: i32) -> (i32, i32) {
    %c0_i32 = arith.constant 0 : i32
    %c0_i32_0 = arith.constant 0 : i32
    %c0_i32_1 = arith.constant 0 : i32
    return %c0_i32, %c0_i32_0 : i32, i32
  }
  func.func @transform_5(%arg0: i32) -> (i32, i32) {
    %c0_i32 = arith.constant 0 : i32
    %c0_i32_0 = arith.constant 0 : i32
    %c0_i32_1 = arith.constant 0 : i32
    return %c0_i32, %c0_i32_0 : i32, i32
  }
}

module attributes {stable_mosaic.version = 14 : i64} {
  func.func @_tc_final_body(%arg0: memref<50x16000xf32, #tpu.memory_space<vmem>>, %arg1: memref<128x16000xf32, #tpu.memory_space<vmem>>, %arg2: memref<1x128xf32, #tpu.memory_space<vmem>>, %arg3: memref<50x128xf32, #tpu.memory_space<vmem>>) attributes {dimension_semantics = [], scalar_prefetch = 0 : i64, scratch_operands = 0 : i64, tpu.core_type = #tpu.core_type<tc>} {
    %get3A = arith.constant 0 : index
    %get3A_0 = arith.constant 0 : index
    %get3A_1 = vector.load %arg0[%get3A, %get3A_0] : memref<50x16000xf32, #tpu.memory_space<vmem>>, vector<50x16000xf32>
    %get3A_2 = arith.constant 0 : index
    %get3A_3 = arith.constant 0 : index
    %get3A_4 = vector.load %arg1[%get3A_2, %get3A_3] : memref<128x16000xf32, #tpu.memory_space<vmem>>, vector<128x16000xf32>
    %dot_general3A = arith.constant dense<0.000000e+00> : vector<50x128xf32>
    %dot_general3A_5 = tpu.matmul %get3A_1, %get3A_4, %dot_general3A {dimension_numbers = #tpu.dot_dimension_numbers<[1], [1], [0], [0], [0, 0, 1, 0], [], []>, transpose_lhs_hint = false} : vector<50x16000xf32>, vector<128x16000xf32>, vector<50x128xf32> -> vector<50x128xf32>
    %get3A_6 = arith.constant 0 : index
    %get3A_7 = arith.constant 0 : index
    %get3A_8 = vector.load %arg2[%get3A_6, %get3A_7] : memref<1x128xf32, #tpu.memory_space<vmem>>, vector<1x128xf32>
    %add3A = vector.broadcast %get3A_8 : vector<1x128xf32> to vector<50x128xf32>
    %add3A_9 = arith.addf %dot_general3A_5, %add3A : vector<50x128xf32>
    %swap3A = arith.constant 0 : index
    %swap3A_10 = arith.constant 0 : index
    %swap3A_11 = vector.load %arg3[%swap3A, %swap3A_10] : memref<50x128xf32, #tpu.memory_space<vmem>>, vector<50x128xf32>
    tpu.vector_store %arg3[%swap3A, %swap3A_10], %add3A_9 {strides = array<i32>} : memref<50x128xf32, #tpu.memory_space<vmem>>, vector<50x128xf32>,
    return
  }
}

</mosaic_0001>

<sc_bundles>
// kernel: kernel.10.cloned.1.call-start
scs
__scs_entry_jumppad:
0x0: {  	(pc) =	sbr.rel $0x88, $3  }
0x1: {  	(tag) =	ssettag $0x0;
	lr =	simm.s32 $0x1  }
0x2: {  	[smem:$0x3F99] =	sst lr;
	_ =	strace $0xD0000000  }
0x3: {  	_ = 	snop  }
0x4: {  	_ = 	snop  }
0x5: {  	_ = 	snop  }
0x6: {  	_ = 	snop  }
0x7: {  	_ = 	snop  }
__scs_overlays_trampoline_lowered:
0x8: {  	[smem:$0x3FA8] =	sst s0  }
0x9: {  	[smem:$0x3FA9] =	sst s1  }
0xa: {  	[smem:$0x3FAA] =	sst s2  }
0xb: {  	[smem:$0x3FAB] =	sst s3  }
0xc: {  	[smem:$0x3FAC] =	sst s4  }
0xd: {  	[smem:$0x3FAD] =	sst s5  }
0xe: {  	[smem:$0x3FAE] =	sst s6  }
0xf: {  	[smem:$0x3FAF] =	sst s7  }
0x10: {  	[smem:$0x3FB0] =	sst s8  }
0x11: {  	[smem:$0x3FB1] =	sst s9;
	s0 =	simm.s32 @!p0 $0x0  }
0x12: {  	s1 =	sld [smem:$0x3F97];
	s0 =	simm.s32 @p0 $0x1  }
0x13: {  	[smem:$0x3FB2] =	sst s0;
	s0 =	simm.s32 @!p1 $0x0  }
0x14: {  	s2 =	sld [smem:$0x3F96];
	s0 =	simm.s32 @p1 $0x1  }
0x15: {  	[smem:$0x3FB3] =	sst s0;
	s0 =	simm.s32 @!p2 $0x0  }
0x16: {  	s3 =	sld [smem:$0x3FDB];
	s0 =	simm.s32 @p2 $0x1  }
0x17: {  	s4 =	simm.s32 $0x1BF5;
	[smem:$0x3FB5] =	sst s0  }
0x18: {  	s0 =	sld [smem:$0x3F98];
	_ =	swait.ge [sflag:s4], $0x0  }
0x19: {  	s7 =	sld [smem:$0x3F99]  }
0x1a: {  	s8 =	sadd.s32 $0xFFFFE003, lr  }
0x1b: {  	s9 =	sadd.s32 $0xFFFFFEF7, lr;
	s5 =	simm.s32 $0xFFFFFFFF;
	p2 =	slt.u32 s8, $0xFFFFF086  }
0x1c: {  	p1 =	slt.u32 s9, $0xF7A;
	s5 =	simm.s32 @!p2 $0x0  }
0x1d: {  	s5 =	simm.s32 @p1 $0x1;
	p0 =	seq.s32 s7, s2  }
0x1e: {  	s7 =	smul.u32 @!p0 $0xF7A, s2;
	p2 =	seq.s32 @!p0 s5, $0x0  }
0x1f: {  	s9 =	smul.u32 $0xF7A, s1;
	s8 =	simm.s32 @!p0 $0x1BF5;
	p2 =	por !p2, p0  }
0x20: {  	[sflag:s8] =	ssyncset.s32 @!p0 $0xFFFFF086;
	s6 =	sadd.s32 @!p0 s3, s7;
	s7 =	simm.s32 @!p0 $0x108  }
0x21: {  	s3 =	sadd.s32 s3, s9;
	s6 =	sadd.s32 @!p0 $0x88, s6;
	s7 =	simm.s32 @p2 $0x1082  }
0x22: {  	[simem:s7], [sflag:s8] =	dma.local @!p0 [hbm:s6], $0xF7A  }
0x23: {  	s9 =	sor.u32 $0xD0000000, s2;
	s6 =	simm.s32 $0x108;
	_ =	swait.ge @!p0 [sflag:s8], $0x0  }
0x24: {  	s3 =	sadd.s32 $0x88, s3;
	s6 =	simm.s32 @!p1 $0x1082;
	[sflag:s4] =	ssyncset.s32 $0xFFFFF086  }
0x25: {  	[simem:s6], [sflag:s4] =	dma.local [hbm:s3], $0xF7A  }
0x26: {  	[smem:$0x3F99] =	sst s1;
	(tag) =	ssettag s2;
	_ =	strace s9  }
0x27: {  	s1 =	sld [smem:$0x3FA9]  }
0x28: {  	s2 =	sld [smem:$0x3FAA]  }
0x29: {  	s4 =	sld [smem:$0x3FAC]  }
0x2a: {  	p0 =	seq.s32 s5, $0x0;
	s5 =	sld [smem:$0x3FAD]  }
0x2b: {  	s6 =	sld [smem:$0x3FAE]  }
0x2c: {  	s7 =	sld [smem:$0x3FAF]  }
0x2d: {  	s3 =	simm.s32 $0x108;
	s8 =	sld [smem:$0x3FB0]  }
0x2e: {  	s3 =	simm.s32 @!p0 $0x1082;
	s9 =	sld [smem:$0x3FB1]  }
0x2f: {  	lr =	sadd.s32 s0, s3;
	s0 =	sld [smem:$0x3FA8]  }
0x30: {  	s3 =	sld [smem:$0x3FAB]  }
0x31: {  	[smem:$0x3FB4] =	sst s10  }
0x32: {  	s10 =	sld [smem:$0x3FB2];
	_ =	sdelay $0x3  }
0x33: {  	p0 =	seq.s32 s10, $0x1;
	s10 =	sld [smem:$0x3FB4];
	_ =	sdelay $0x3  }
0x34: {  	[smem:$0x3FB4] =	sst s10  }
0x35: {  	s10 =	sld [smem:$0x3FB3];
	_ =	sdelay $0x3  }
0x36: {  	p1 =	seq.s32 s10, $0x1;
	s10 =	sld [smem:$0x3FB4];
	_ =	sdelay $0x3  }
0x37: {  	[smem:$0x3FB4] =	sst s10  }
0x38: {  	s10 =	sld [smem:$0x3FB5]  }
0x39: {  	_ = 	snop;
	(pc) =	sbr.ind lr, $3  }
0x3a: {  	_ = 	snop  }
0x3b: {  	_ = 	snop  }
0x3c: {  	p2 =	seq.s32 s10, $0x1;
	s10 =	sld [smem:$0x3FB4]  }
0x3d: {  	_ =	shalt  }
0x3e: {  	_ =	shalt  }
0x3f: {  	_ =	shalt  }
0x40: {  	_ =	shalt  }
0x41: {  	_ =	shalt  }
0x42: {  	_ =	shalt  }
0x43: {  	_ =	shalt  }
0x44: {  	_ =	shalt  }
0x45: {  	_ =	shalt  }
0x46: {  	_ =	shalt  }
0x47: {  	_ =	shalt  }
0x48: {  	_ =	shalt  }
0x49: {  	_ =	shalt  }
0x4a: {  	_ =	shalt  }
0x4b: {  	_ =	shalt  }
0x4c: {  	_ =	shalt  }
0x4d: {  	_ =	shalt  }
0x4e: {  	_ =	shalt  }
0x4f: {  	_ =	shalt  }
0x50: {  	_ =	shalt  }
0x51: {  	_ =	shalt  }
0x52: {  	_ =	shalt  }
0x53: {  	_ =	shalt  }
0x54: {  	_ =	shalt  }
0x55: {  	_ =	shalt  }
0x56: {  	_ =	shalt  }
0x57: {  	_ =	shalt  }
0x58: {  	_ =	shalt  }
0x59: {  	_ =	shalt  }
0x5a: {  	_ =	shalt  }
0x5b: {  	_ =	shalt  }
0x5c: {  	_ =	shalt  }
0x5d: {  	_ =	shalt  }
0x5e: {  	_ =	shalt  }
0x5f: {  	_ =	shalt  }
0x60: {  	_ =	shalt  }
0x61: {  	_ =	shalt  }
0x62: {  	_ =	shalt  }
0x63: {  	_ =	shalt  }
0x64: {  	_ =	shalt  }
0x65: {  	_ =	shalt  }
0x66: {  	_ =	shalt  }
0x67: {  	_ =	shalt  }
0x68: {  	_ =	shalt  }
0x69: {  	_ =	shalt  }
0x6a: {  	_ =	shalt  }
0x6b: {  	_ =	shalt  }
0x6c: {  	_ =	shalt  }
0x6d: {  	_ =	shalt  }
0x6e: {  	_ =	shalt  }
0x6f: {  	_ =	shalt  }
0x70: {  	_ =	shalt  }
0x71: {  	_ =	shalt  }
0x72: {  	_ =	shalt  }
0x73: {  	_ =	shalt  }
0x74: {  	_ =	shalt  }
0x75: {  	_ =	shalt  }
0x76: {  	_ =	shalt  }
0x77: {  	_ =	shalt  }
0x78: {  	_ =	shalt  }
0x79: {  	_ =	shalt  }
0x7a: {  	_ =	shalt  }
0x7b: {  	_ =	shalt  }
0x7c: {  	_ =	shalt  }
0x7d: {  	_ =	shalt  }
0x7e: {  	_ =	shalt  }
0x7f: {  	_ =	shalt  }
0x80: {  	_ =	shalt  }
0x81: {  	_ =	shalt  }
0x82: {  	_ =	shalt  }
0x83: {  	_ =	shalt  }
0x84: {  	_ =	shalt  }
0x85: {  	_ =	shalt  }
0x86: {  	_ =	shalt  }
0x87: {  	_ =	shalt  }
.Lfunc_end0:
.L_simem_size_0:
called_computation_lowered:
.L_overlay_start_0:
0x88: {  	s2 =	sld [smem:$0x3FD9]  }
0x89: {  	s3 =	sld [smem:$0x3FFE];
	_ =	sdelay $0x1  }
0x8a: {  	s1 =	srdreg.scid  }
0x8b: {  	s0 =	sand.u32 $0x1, s1  }
0x8c: {  	s16 =	sshll.u32 s0, $0xA;
	s2 =	sadd.s32 s3, s2  }
0x8d: {  	s2 =	sadd.s32 s2, s16  }
0x8e: {  	[smem:$0x3FC0] =	sst s2  }
0x8f: {  	_ = 	snop  }
0x90: {  	(tm) =	ssettm $0x1  }
0x91: {  	s17 =	sld [smem:$0x3FFB];
	_ =	sdelay $0x3  }
0x92: {  	_ =	strace s17  }
0x93: {  	s2 =	sld [smem:$0x3FFC];
	_ =	sdelay $0x3  }
0x94: {  	_ =	strace s2  }
0x95: {  	s2 =	sld [smem:$0x3FFD];
	_ =	sdelay $0x3  }
0x96: {  	_ =	strace s2  }
0x97: {  	_ =	strace $0x8FFFFFFF  }
0x98: {  	s18 =	sld [smem:$0x3FDB];
	_ =	sdelay $0x1  }
0x99: {  	s19 =	simm.s32 $_scs_section_size  }
0x9a: {  	s4 =	simm.s32 $_size__tile_overlayer_lowered;
	s5 =	simm.s32 $_tile_overlayer_lowered  }
0x9b: {  	s22 =	simm.s32 $0x1BFF;
	s21 =	sshll.u32 s5, $0x1;
	s2 =	sadd.s32 s19, s18  }
0x9c: {  	s6 =	simm.s32 $0x0;
	s20 =	sshll.u32 s4, $0x1;
	s4 =	sadd.s32 s21, s2  }
0x9d: {  	[timem:s6], [sflag:s22] =	dma.local [hbm:s4], s20  }
0x9e: {  	_ =	swait.ge [sflag:s22], s20  }
0x9f: {  	s3 =	ssub.s32 $0x0, s20;
	[sflag:s22] =	ssyncset.done $0x0  }
0xa0: {  	[sflag:s22] =	ssyncadd.s32 s3;
	_ =	sdelay $0x1  }
0xa1: {  	s23 =	simm.s32 $0x1B8B  }
0xa2: {  	_ =	swait.ge [sflag:s23], $0x1  }
0xa3: {  	[sflag:s23] =	ssyncset.done $0x0  }
0xa4: {  	s25 =	simm.s32 $0x1B8E;
	s24 =	sld [smem:$0x3FFE];
	[sflag:s23] =	ssyncadd.s32 $0xFFFFFFFF  }
0xa5: {  	s26 =	simm.s32 $execute0_lowered;
	[smem:$0x3FD2] =	sst s25  }
0xa6: {  	s4 =	sshll.u32 s26, $0x1;
	_ =	strace $0x80000046;
	[dreg:$0x1] =	wrdreg $0xFFFFFFFF  }
0xa7: {  	s28 =	simm.s32 $_size_execute0_lowered;
	s2 =	sadd.s32 s2, s4;
	[dreg:$0x0] =	wrdreg $0x0  }
0xa8: {  	s4 =	sshll.u32 s28, $0x1;
	[dreg:$0x2] =	wrdreg s2  }
0xa9: {  	[dreg:$0x3] =	wrdreg s4  }
0xaa: {  	[dreg:$0x4] =	wrdreg $0xC0  }
0xab: {  	_ =	task [dreg:s6], $0x5FFFF  }
0xac: {  	[dreg:$0x1] =	wrdreg $0xFFFFFFFF  }
0xad: {  	[dreg:$0x0] =	wrdreg $0x60  }
0xae: {  	[dreg:$0x2] =	wrdreg s24  }
0xaf: {  	[dreg:$0x3] =	wrdreg $0xA8500  }
0xb0: {  	[dreg:$0x4] =	wrdreg $0x9  }
0xb1: {  	_ =	task.clear_ibuf [dreg:s6], $0x5FFFF;
	_ =	strace $0x90000046  }
0xb2: {  	s29 =	simm.s32 $0x9;
	_ =	strace $0x80000048  }
0xb3: {  	_ =	swait.ge [sflag:s29], $0x1  }
0xb4: {  	[sflag:s29] =	ssyncadd.s32 $0xFFFFFFFF  }
0xb5: {  	_ =	strace $0x90000048  }
0xb6: {  	_ =	sfence  }
0xb7: {  	s30 =	sld [smem:$0x0];
	_ =	sdelay $0x2  }
0xb8: {  	s31 =	sshll.u32 s1, $0xD;
	s1 =	sshrl.u32 s1, $0x2  }
0xb9: {  	s3 =	sand.u32 $0x4000, s31;
	s1 =	sadd.s32 s1, s30  }
0xba: {  	s0 =	sor.u32 s3, s0;
	s1 =	sshll.u32 s1, $0x11  }
0xbb: {  	s0 =	sor.u32 s1, s0  }
0xbc: {  	s0 =	sadd.s32 $0x8F2B, s0  }
0xbd: {  	[sflag:s0] =	ssyncadd.remote.s32 $0x1  }
0xbe: {  	_ =	sfence.sel $0xFFFF  }
0xbf: {  	[dreg:$0x0] =	wrdreg $0xFFFFFFFF;
	(pc) =	sbr.abs _section_cstart, $3  }
0xc0: {  	[dreg:$0x1] =	wrdreg $0xFFFFFFFF  }
0xc1: {  	_ =	task.clear_ibuf [dreg:s6], $0x2FFFF;
	_ =	strace $0x9FFFFFFF  }
0xc2: {  	(tm) =	ssettm $0x7FFFFFFF  }
0xc3: {  	_ =	shalt  }
tec
execute0_lowered:
.L_overlay_start_1:
0x0: {  	(tag) =	ssettag $0x1  }
0x1: {  	s6 =	rddreg [dreg:$0x0]  }
0x2: {  	s0 =	srdreg.scid;
	s2 =	rddreg [dreg:$0x1]  }
0x3: {  	s1 =	rddreg [dreg:$0x2];
	s5 =	sand.u32 $0x1, s0  }
0x4: {  	s3 =	simm.s32 $0x0;
	s0 =	stileid.u32;
	s4 =	smul.u32 $0xC3500, s5  }
0x5: {  	s11 =	simm.s32 $0x1;
	s12 =	simm.s32 $0x7D0;
	s7 =	smul.u32 $0xC350, s0  }
0x6: {  	s13 =	simm.s32 $0x0;
	[smem:$0x7FF] =	sst s3;
	s8 =	smul.u32 $0x6200, s0  }
0x7: {  	s30 =	smul.u32 $0x62000, s5;
	_ =	strace $0x80000047;
	s10 =	ssub.s32 $0x2, s5  }
0x8: {  	s5 =	sadd.s32 $0x2400, s6;
	s31 =	sshrl.u32 s10, $0x1;
	s4 =	sadd.s32 s7, s4  }
0x9: {  	s7 =	sadd.s32 s8, s30;
	s10 =	ssub.s32 s10, s31;
	s4 =	sshrl.u32 s4, $0x3  }
0xa: {  	s7 =	sshrl.u32 s7, $0x3;
	s9 =	sadd.s32 s4, s6;
	s4 =	sadd.s32 $0x1C00, s6  }
0xb: {  	s7 =	sadd.s32 s7, s6;
	s6 =	sadd.s32 s8, s2;
	s8 =	smax.u32 s10, $0x1  }
0xc: {  	s10 =	simm.s32 $0x4650;
	s7 =	sadd.s32 $0x64E00, s7;
	s9 =	sadd.s32 $0x34000, s9  }
.LBB2_1:
0xd: {  	[tilespmem:s10], [sflag:$0x1] =	stream.linear.gather [hbm4b:s5+s3], $0x6200, $0x38;
	[tilespmem:$0xB490] =	vst v63  }
0xe: {  	_ =	swait.ge [sflag:s11], $0x6200  }
0xf: {  	[sflag:s11] =	ssyncset.done $0x0  }
0x10: {  	[sflag:s11] =	ssyncadd.s32 $0xFFFF9E00  }
0x11: {  	[spmem:s6] =	stream.linear.scatter [tilespmem:s10], [sflag:$0x1], $0x6200, $0x38;
	[tilespmem:$0xB490] =	vst v63  }
0x12: {  	_ =	swait.ge [sflag:s11], $0x6200  }
0x13: {  	[sflag:s11] =	ssyncset.done $0x0  }
0x14: {  	[sflag:s11] =	ssyncadd.s32 $0xFFFF9E00  }
0x15: {  	[tilespmem:s12], [sflag:$0x1] =	stream.linear.gather [hbm4b:s4+s3], $0x3E80, $0x38;
	[tilespmem:$0xB490] =	vst v63  }
0x16: {  	_ =	swait.ge [sflag:s11], $0x3E80  }
0x17: {  	[sflag:s11] =	ssyncset.done $0x0  }
0x18: {  	[sflag:s11] =	ssyncadd.s32 $0xFFFFC180  }
0x19: {  	s14 =	sadd.s32 $0x0, s9;
	[bflag:$0x0] =	sbarrier.arrive $0xFFFF  }
0x1a: {  	[tilespmem:s3], [sflag:$0x1] =	stream.linear.gather [hbm4b:s14+s3], $0x7D0, $0x38;
	[tilespmem:$0xB490] =	vst v63  }
0x1b: {  	_ =	swait.ge [sflag:s11], $0x7D0  }
0x1c: {  	[sflag:s11] =	ssyncset.done $0x0  }
0x1d: {  	[sflag:s11] =	ssyncadd.s32 $0xFFFFF830  }
0x1e: {  	[spmem:s2] =	stream.indirect.scatter.add.f32 [tilespmem:s12], [sflag:$0x1], $0x1, s3, s12, $0xb8;
	[tilespmem:$0xB490] =	vst v63  }
0x1f: {  	_ =	swait.ge [sflag:s11], $0x7D0  }
0x20: {  	s15 =	simm.s32 $0x1F4;
	s14 =	simm.s32 $0xFA;
	[sflag:s11] =	ssyncset.done $0x0  }
.LBB2_2:
0x21: {  	s16 =	sadd.s32 s14, s9  }
0x22: {  	[sflag:s11] =	ssyncadd.s32 $0xFFFFF830;
	s14 =	smov.u32 s15;
	s17 =	sadd.s32 $0xFA, s15  }
0x23: {  	[tilespmem:s3], [sflag:$0x1] =	stream.linear.gather [hbm4b:s16+s3], $0x7D0, $0x38;
	[tilespmem:$0xB490] =	vst v63  }
0x24: {  	p0 =	sne.s32 s15, $0x1770;
	_ =	swait.ge [sflag:s11], $0x7D0  }
.Ltmp0:
0x25: {  	[sflag:s11] =	ssyncset.done $0x0;
	(pc) =	sbr.rel @p0 .LBB2_2-.Ltmp0, $4  }
0x26: {  	[sflag:s11] =	ssyncadd.s32 $0xFFFFF830  }
0x27: {  	[spmem:s2] =	stream.indirect.scatter.add.f32 [tilespmem:s12], [sflag:$0x1], $0x1, s3, s12, $0xb8;
	[tilespmem:$0xB490] =	vst v63  }
0x28: {  	_ =	swait.ge [sflag:s11], $0x7D0  }
0x29: {  	s15 =	smov.u32 s17;
	[sflag:s11] =	ssyncset.done $0x0  }
0x2a: {  	s14 =	sadd.s32 s14, s9;
	[sflag:s11] =	ssyncadd.s32 $0xFFFFF830  }
0x2b: {  	[tilespmem:s3], [sflag:$0x1] =	stream.linear.gather [hbm4b:s14+s3], $0x7D0, $0x38;
	[tilespmem:$0xB490] =	vst v63  }
0x2c: {  	_ =	swait.ge [sflag:s11], $0x7D0  }
0x2d: {  	[sflag:s11] =	ssyncset.done $0x0  }
0x2e: {  	[sflag:s11] =	ssyncadd.s32 $0xFFFFF830  }
0x2f: {  	[spmem:s2] =	stream.indirect.scatter.add.f32 [tilespmem:s12], [sflag:$0x1], $0x1, s3, s12, $0xb8;
	[tilespmem:$0xB490] =	vst v63  }
0x30: {  	_ =	swait.ge [sflag:s11], $0x7D0  }
0x31: {  	[sflag:s11] =	ssyncset.done $0x0  }
0x32: {  	[sflag:s11] =	ssyncadd.s32 $0xFFFFF830  }
0x33: {  	[bflag:$0x0] =	sbarrier.arrive $0xFFFF  }
0x34: {  	[tilespmem:s10], [sflag:$0x1] =	stream.linear.gather [spmem:s6], $0x6200, $0x38;
	[tilespmem:$0xB490] =	vst v63  }
0x35: {  	s13 =	sadd.s32 $0x1, s13;
	_ =	swait.ge [sflag:s11], $0x6200  }
0x36: {  	p0 =	sne.s32 s13, s8;
	[sflag:s11] =	ssyncset.done $0x0  }
.Ltmp1:
0x37: {  	[sflag:s11] =	ssyncadd.s32 $0xFFFF9E00;
	(pc) =	sbr.rel @p0 .LBB2_1-.Ltmp1, $4  }
0x38: {  	[hbm4b:s7+s3] =	stream.linear.scatter [tilespmem:s10], [sflag:$0x1], $0x6200, $0x38;
	[tilespmem:$0xB490] =	vst v63  }
0x39: {  	_ =	swait.ge [sflag:s11], $0x6200  }
0x3a: {  	[sflag:s11] =	ssyncset.done $0x0  }
0x3b: {  	[sflag:s11] =	ssyncadd.s32 $0xFFFF9E00  }
0x3c: {  	_ =	sfence.sel $0x180000  }
0x3d: {  	[bflag:$0x0] =	sbarrier.arrive $0xFFFF  }
0x3e: {  	p0 =	sne.s32 s0, $0x0;
	_ =	strace $0x90000047  }
0x3f: {  	s0 =	sadd.s32 @!p0 $0x100000, s1;
	[bflag:$0x2] =	sbarrier.arrive $0xFFFF  }
0x40: {  	[sflag:s0] =	ssyncadd.tile.s32 @!p0 $0x1;
	_ =	shalt  }
.Lfunc_end2:
_tile_overlayer_lowered:
.L_overlay_start_2:
0x41: {  	(tag) =	ssettag $0x2  }
0x42: {  	s0 =	rddreg [dreg:$0x0];
	s2 =	stileid.u32  }
0x43: {  	s1 =	rddreg [dreg:$0x1];
	p0 =	sne.s32 s2, $0x0  }
0x44: {  	s3 =	rddreg [dreg:$0x2];
	[bflag:$0x3] =	sbarrier.arrive $0xFFFF;
	s2 =	simm.s32 @!p0 $0x1C01  }
0x45: {  	[timem:s3], [sflag:s2] =	dma.local @!p0 [hbm:s0], s1  }
0x46: {  	s0 =	simm.s32 @!p0 $0x1  }
0x47: {  	_ =	swait.ge @!p0 [sflag:s0], s1  }
0x48: {  	s1 =	ssub.s32 @!p0 $0x0, s1;
	[sflag:s0] =	ssyncset.done @!p0 $0x0  }
0x49: {  	[sflag:s0] =	ssyncadd.s32 @!p0 s1  }
0x4a: {  	[bflag:$0x3] =	sbarrier.arrive $0xFFFF  }
0x4b: {  	_ =	shalt  }

// kernel: kernel.13.cloned.1.call-start
scs
__scs_entry_jumppad:
0x0: {  	(pc) =	sbr.rel $0x88, $3  }
0x1: {  	(tag) =	ssettag $0x0;
	lr =	simm.s32 $0x1  }
0x2: {  	[smem:$0x3F99] =	sst lr;
	_ =	strace $0xD0000000  }
0x3: {  	_ = 	snop  }
0x4: {  	_ = 	snop  }
0x5: {  	_ = 	snop  }
0x6: {  	_ = 	snop  }
0x7: {  	_ = 	snop  }
__scs_overlays_trampoline_lowered:
0x8: {  	[smem:$0x3FA8] =	sst s0  }
0x9: {  	[smem:$0x3FA9] =	sst s1  }
0xa: {  	[smem:$0x3FAA] =	sst s2  }
0xb: {  	[smem:$0x3FAB] =	sst s3  }
0xc: {  	[smem:$0x3FAC] =	sst s4  }
0xd: {  	[smem:$0x3FAD] =	sst s5  }
0xe: {  	[smem:$0x3FAE] =	sst s6  }
0xf: {  	[smem:$0x3FAF] =	sst s7  }
0x10: {  	[smem:$0x3FB0] =	sst s8  }
0x11: {  	[smem:$0x3FB1] =	sst s9;
	s0 =	simm.s32 @!p0 $0x0  }
0x12: {  	s1 =	sld [smem:$0x3F97];
	s0 =	simm.s32 @p0 $0x1  }
0x13: {  	[smem:$0x3FB2] =	sst s0;
	s0 =	simm.s32 @!p1 $0x0  }
0x14: {  	s2 =	sld [smem:$0x3F96];
	s0 =	simm.s32 @p1 $0x1  }
0x15: {  	[smem:$0x3FB3] =	sst s0;
	s0 =	simm.s32 @!p2 $0x0  }
0x16: {  	s3 =	sld [smem:$0x3FDB];
	s0 =	simm.s32 @p2 $0x1  }
0x17: {  	s4 =	simm.s32 $0x1BF5;
	[smem:$0x3FB5] =	sst s0  }
0x18: {  	s0 =	sld [smem:$0x3F98];
	_ =	swait.ge [sflag:s4], $0x0  }
0x19: {  	s7 =	sld [smem:$0x3F99]  }
0x1a: {  	s8 =	sadd.s32 $0xFFFFE003, lr  }
0x1b: {  	s9 =	sadd.s32 $0xFFFFFEF7, lr;
	s5 =	simm.s32 $0xFFFFFFFF;
	p2 =	slt.u32 s8, $0xFFFFF086  }
0x1c: {  	p1 =	slt.u32 s9, $0xF7A;
	s5 =	simm.s32 @!p2 $0x0  }
0x1d: {  	s5 =	simm.s32 @p1 $0x1;
	p0 =	seq.s32 s7, s2  }
0x1e: {  	s7 =	smul.u32 @!p0 $0xF7A, s2;
	p2 =	seq.s32 @!p0 s5, $0x0  }
0x1f: {  	s9 =	smul.u32 $0xF7A, s1;
	s8 =	simm.s32 @!p0 $0x1BF5;
	p2 =	por !p2, p0  }
0x20: {  	[sflag:s8] =	ssyncset.s32 @!p0 $0xFFFFF086;
	s6 =	sadd.s32 @!p0 s3, s7;
	s7 =	simm.s32 @!p0 $0x108  }
0x21: {  	s3 =	sadd.s32 s3, s9;
	s6 =	sadd.s32 @!p0 $0x88, s6;
	s7 =	simm.s32 @p2 $0x1082  }
0x22: {  	[simem:s7], [sflag:s8] =	dma.local @!p0 [hbm:s6], $0xF7A  }
0x23: {  	s9 =	sor.u32 $0xD0000000, s2;
	s6 =	simm.s32 $0x108;
	_ =	swait.ge @!p0 [sflag:s8], $0x0  }
0x24: {  	s3 =	sadd.s32 $0x88, s3;
	s6 =	simm.s32 @!p1 $0x1082;
	[sflag:s4] =	ssyncset.s32 $0xFFFFF086  }
0x25: {  	[simem:s6], [sflag:s4] =	dma.local [hbm:s3], $0xF7A  }
0x26: {  	[smem:$0x3F99] =	sst s1;
	(tag) =	ssettag s2;
	_ =	strace s9  }
0x27: {  	s1 =	sld [smem:$0x3FA9]  }
0x28: {  	s2 =	sld [smem:$0x3FAA]  }
0x29: {  	s4 =	sld [smem:$0x3FAC]  }
0x2a: {  	p0 =	seq.s32 s5, $0x0;
	s5 =	sld [smem:$0x3FAD]  }
0x2b: {  	s6 =	sld [smem:$0x3FAE]  }
0x2c: {  	s7 =	sld [smem:$0x3FAF]  }
0x2d: {  	s3 =	simm.s32 $0x108;
	s8 =	sld [smem:$0x3FB0]  }
0x2e: {  	s3 =	simm.s32 @!p0 $0x1082;
	s9 =	sld [smem:$0x3FB1]  }
0x2f: {  	lr =	sadd.s32 s0, s3;
	s0 =	sld [smem:$0x3FA8]  }
0x30: {  	s3 =	sld [smem:$0x3FAB]  }
0x31: {  	[smem:$0x3FB4] =	sst s10  }
0x32: {  	s10 =	sld [smem:$0x3FB2];
	_ =	sdelay $0x3  }
0x33: {  	p0 =	seq.s32 s10, $0x1;
	s10 =	sld [smem:$0x3FB4];
	_ =	sdelay $0x3  }
0x34: {  	[smem:$0x3FB4] =	sst s10  }
0x35: {  	s10 =	sld [smem:$0x3FB3];
	_ =	sdelay $0x3  }
0x36: {  	p1 =	seq.s32 s10, $0x1;
	s10 =	sld [smem:$0x3FB4];
	_ =	sdelay $0x3  }
0x37: {  	[smem:$0x3FB4] =	sst s10  }
0x38: {  	s10 =	sld [smem:$0x3FB5]  }
0x39: {  	_ = 	snop;
	(pc) =	sbr.ind lr, $3  }
0x3a: {  	_ = 	snop  }
0x3b: {  	_ = 	snop  }
0x3c: {  	p2 =	seq.s32 s10, $0x1;
	s10 =	sld [smem:$0x3FB4]  }
0x3d: {  	_ =	shalt  }
0x3e: {  	_ =	shalt  }
0x3f: {  	_ =	shalt  }
0x40: {  	_ =	shalt  }
0x41: {  	_ =	shalt  }
0x42: {  	_ =	shalt  }
0x43: {  	_ =	shalt  }
0x44: {  	_ =	shalt  }
0x45: {  	_ =	shalt  }
0x46: {  	_ =	shalt  }
0x47: {  	_ =	shalt  }
0x48: {  	_ =	shalt  }
0x49: {  	_ =	shalt  }
0x4a: {  	_ =	shalt  }
0x4b: {  	_ =	shalt  }
0x4c: {  	_ =	shalt  }
0x4d: {  	_ =	shalt  }
0x4e: {  	_ =	shalt  }
0x4f: {  	_ =	shalt  }
0x50: {  	_ =	shalt  }
0x51: {  	_ =	shalt  }
0x52: {  	_ =	shalt  }
0x53: {  	_ =	shalt  }
0x54: {  	_ =	shalt  }
0x55: {  	_ =	shalt  }
0x56: {  	_ =	shalt  }
0x57: {  	_ =	shalt  }
0x58: {  	_ =	shalt  }
0x59: {  	_ =	shalt  }
0x5a: {  	_ =	shalt  }
0x5b: {  	_ =	shalt  }
0x5c: {  	_ =	shalt  }
0x5d: {  	_ =	shalt  }
0x5e: {  	_ =	shalt  }
0x5f: {  	_ =	shalt  }
0x60: {  	_ =	shalt  }
0x61: {  	_ =	shalt  }
0x62: {  	_ =	shalt  }
0x63: {  	_ =	shalt  }
0x64: {  	_ =	shalt  }
0x65: {  	_ =	shalt  }
0x66: {  	_ =	shalt  }
0x67: {  	_ =	shalt  }
0x68: {  	_ =	shalt  }
0x69: {  	_ =	shalt  }
0x6a: {  	_ =	shalt  }
0x6b: {  	_ =	shalt  }
0x6c: {  	_ =	shalt  }
0x6d: {  	_ =	shalt  }
0x6e: {  	_ =	shalt  }
0x6f: {  	_ =	shalt  }
0x70: {  	_ =	shalt  }
0x71: {  	_ =	shalt  }
0x72: {  	_ =	shalt  }
0x73: {  	_ =	shalt  }
0x74: {  	_ =	shalt  }
0x75: {  	_ =	shalt  }
0x76: {  	_ =	shalt  }
0x77: {  	_ =	shalt  }
0x78: {  	_ =	shalt  }
0x79: {  	_ =	shalt  }
0x7a: {  	_ =	shalt  }
0x7b: {  	_ =	shalt  }
0x7c: {  	_ =	shalt  }
0x7d: {  	_ =	shalt  }
0x7e: {  	_ =	shalt  }
0x7f: {  	_ =	shalt  }
0x80: {  	_ =	shalt  }
0x81: {  	_ =	shalt  }
0x82: {  	_ =	shalt  }
0x83: {  	_ =	shalt  }
0x84: {  	_ =	shalt  }
0x85: {  	_ =	shalt  }
0x86: {  	_ =	shalt  }
0x87: {  	_ =	shalt  }
.Lfunc_end0:
.L_simem_size_0:
called_computation.1_lowered:
.L_overlay_start_0:
0x88: {  	s2 =	sld [smem:$0x3FD9]  }
0x89: {  	s3 =	sld [smem:$0x3FFE];
	_ =	sdelay $0x1  }
0x8a: {  	s1 =	srdreg.scid  }
0x8b: {  	s0 =	sand.u32 $0x1, s1  }
0x8c: {  	s16 =	sshll.u32 s0, $0xA;
	s2 =	sadd.s32 s3, s2  }
0x8d: {  	s2 =	sadd.s32 s2, s16  }
0x8e: {  	[smem:$0x3FC0] =	sst s2  }
0x8f: {  	_ = 	snop  }
0x90: {  	(tm) =	ssettm $0x1  }
0x91: {  	s17 =	sld [smem:$0x3FFB];
	_ =	sdelay $0x3  }
0x92: {  	_ =	strace s17  }
0x93: {  	s2 =	sld [smem:$0x3FFC];
	_ =	sdelay $0x3  }
0x94: {  	_ =	strace s2  }
0x95: {  	s2 =	sld [smem:$0x3FFD];
	_ =	sdelay $0x3  }
0x96: {  	_ =	strace s2  }
0x97: {  	_ =	strace $0x8FFFFFFF  }
0x98: {  	s18 =	sld [smem:$0x3FDB];
	_ =	sdelay $0x1  }
0x99: {  	s19 =	simm.s32 $_scs_section_size  }
0x9a: {  	s4 =	simm.s32 $_size__tile_overlayer_lowered;
	s5 =	simm.s32 $_tile_overlayer_lowered  }
0x9b: {  	s22 =	simm.s32 $0x1BFF;
	s21 =	sshll.u32 s5, $0x1;
	s2 =	sadd.s32 s19, s18  }
0x9c: {  	s6 =	simm.s32 $0x0;
	s20 =	sshll.u32 s4, $0x1;
	s4 =	sadd.s32 s21, s2  }
0x9d: {  	[timem:s6], [sflag:s22] =	dma.local [hbm:s4], s20  }
0x9e: {  	_ =	swait.ge [sflag:s22], s20  }
0x9f: {  	s3 =	ssub.s32 $0x0, s20;
	[sflag:s22] =	ssyncset.done $0x0  }
0xa0: {  	[sflag:s22] =	ssyncadd.s32 s3;
	_ =	sdelay $0x1  }
0xa1: {  	s23 =	simm.s32 $0x1B8B  }
0xa2: {  	_ =	swait.ge [sflag:s23], $0x1  }
0xa3: {  	[sflag:s23] =	ssyncset.done $0x0  }
0xa4: {  	s25 =	simm.s32 $0x1B8E;
	s24 =	sld [smem:$0x3FFE];
	[sflag:s23] =	ssyncadd.s32 $0xFFFFFFFF  }
0xa5: {  	s26 =	simm.s32 $execute0_lowered;
	[smem:$0x3FD2] =	sst s25  }
0xa6: {  	s4 =	sshll.u32 s26, $0x1;
	_ =	strace $0x80000049;
	[dreg:$0x1] =	wrdreg $0xFFFFFFFF  }
0xa7: {  	s28 =	simm.s32 $_size_execute0_lowered;
	s2 =	sadd.s32 s2, s4;
	[dreg:$0x0] =	wrdreg $0x0  }
0xa8: {  	s4 =	sshll.u32 s28, $0x1;
	[dreg:$0x2] =	wrdreg s2  }
0xa9: {  	[dreg:$0x3] =	wrdreg s4  }
0xaa: {  	[dreg:$0x4] =	wrdreg $0xC0  }
0xab: {  	_ =	task [dreg:s6], $0x5FFFF  }
0xac: {  	[dreg:$0x1] =	wrdreg $0xFFFFFFFF  }
0xad: {  	[dreg:$0x0] =	wrdreg $0x60  }
0xae: {  	[dreg:$0x2] =	wrdreg s24  }
0xaf: {  	[dreg:$0x3] =	wrdreg $0xB0200  }
0xb0: {  	[dreg:$0x4] =	wrdreg $0x9  }
0xb1: {  	_ =	task.clear_ibuf [dreg:s6], $0x5FFFF;
	_ =	strace $0x90000049  }
0xb2: {  	s29 =	simm.s32 $0x9;
	_ =	strace $0x8000004B  }
0xb3: {  	_ =	swait.ge [sflag:s29], $0x1  }
0xb4: {  	[sflag:s29] =	ssyncadd.s32 $0xFFFFFFFF  }
0xb5: {  	_ =	strace $0x9000004B  }
0xb6: {  	_ =	sfence  }
0xb7: {  	s30 =	sld [smem:$0x0];
	_ =	sdelay $0x2  }
0xb8: {  	s31 =	sshll.u32 s1, $0xD;
	s1 =	sshrl.u32 s1, $0x2  }
0xb9: {  	s3 =	sand.u32 $0x4000, s31;
	s1 =	sadd.s32 s1, s30  }
0xba: {  	s0 =	sor.u32 s3, s0;
	s1 =	sshll.u32 s1, $0x11  }
0xbb: {  	s0 =	sor.u32 s1, s0  }
0xbc: {  	s0 =	sadd.s32 $0x8F2B, s0  }
0xbd: {  	[sflag:s0] =	ssyncadd.remote.s32 $0x1  }
0xbe: {  	_ =	sfence.sel $0xFFFF  }
0xbf: {  	[dreg:$0x0] =	wrdreg $0xFFFFFFFF;
	(pc) =	sbr.abs _section_cstart, $3  }
0xc0: {  	[dreg:$0x1] =	wrdreg $0xFFFFFFFF  }
0xc1: {  	_ =	task.clear_ibuf [dreg:s6], $0x2FFFF;
	_ =	strace $0x9FFFFFFF  }
0xc2: {  	(tm) =	ssettm $0x7FFFFFFF  }
0xc3: {  	_ =	shalt  }
tec
execute0_lowered:
.L_overlay_start_1:
0x0: {  	(tag) =	ssettag $0x1  }
0x1: {  	s6 =	rddreg [dreg:$0x0]  }
0x2: {  	s2 =	rddreg [dreg:$0x1]  }
0x3: {  	s0 =	srdreg.scid;
	s1 =	rddreg [dreg:$0x2];
	s3 =	simm.s32 $0x0  }
0x4: {  	s11 =	simm.s32 $0x4E20;
	s12 =	simm.s32 $0x2;
	s5 =	sand.u32 $0x1, s0  }
0x5: {  	s13 =	simm.s32 $0x7D0;
	s0 =	stileid.u32;
	s4 =	smul.u32 $0xC3500, s5  }
0x6: {  	s14 =	simm.s32 $0xFA0;
	s15 =	simm.s32 $0x1;
	s7 =	smul.u32 $0xC350, s0  }
0x7: {  	s16 =	simm.s32 $0x0;
	[smem:$0x7FF] =	sst s3;
	s8 =	smul.u32 $0x6200, s0  }
0x8: {  	s9 =	smul.u32 $0x62000, s5;
	_ =	strace $0x8000004A;
	s30 =	ssub.s32 $0x2, s5  }
0x9: {  	s5 =	sadd.s32 $0x7D600, s6;
	s31 =	sshrl.u32 s30, $0x1;
	s7 =	sadd.s32 s7, s4  }
0xa: {  	s4 =	sadd.s32 $0x64E00, s6;
	s9 =	sadd.s32 s8, s9;
	s7 =	sshrl.u32 s7, $0x3  }
0xb: {  	s29 =	sshrl.u32 s9, $0x3;
	s9 =	ssub.s32 s30, s31;
	s10 =	sadd.s32 s7, s6  }
0xc: {  	s7 =	sadd.s32 s29, s6;
	s6 =	sadd.s32 s8, s2;
	s8 =	smax.u32 s9, $0x1  }
0xd: {  	s7 =	sadd.s32 $0x7E400, s7;
	s9 =	sadd.s32 $0x34000, s10;
	s10 =	sadd.s32 $0x3200, s10  }
.LBB2_1:
0xe: {  	[tilespmem:s11], [sflag:$0x2] =	stream.linear.gather [hbm4b:s5+s3], $0x6200, $0x38;
	[tilespmem:$0xD4E0] =	vst v63  }
0xf: {  	_ =	swait.ge [sflag:s12], $0x6200  }
0x10: {  	[sflag:s12] =	ssyncset.done $0x0  }
0x11: {  	[sflag:s12] =	ssyncadd.s32 $0xFFFF9E00  }
0x12: {  	[spmem:s6] =	stream.linear.scatter [tilespmem:s11], [sflag:$0x2], $0x6200, $0x38;
	[tilespmem:$0xD4E0] =	vst v63  }
0x13: {  	_ =	swait.ge [sflag:s12], $0x6200  }
0x14: {  	[sflag:s12] =	ssyncset.done $0x0  }
0x15: {  	[sflag:s12] =	ssyncadd.s32 $0xFFFF9E00  }
0x16: {  	s17 =	sadd.s32 $0x0, s10;
	[bflag:$0x0] =	sbarrier.arrive $0xFFFF  }
0x17: {  	[tilespmem:s3], [sflag:$0x2] =	stream.linear.gather [hbm4b:s17+s3], $0x7D0, $0x38;
	[tilespmem:$0xD4E0] =	vst v63  }
0x18: {  	_ =	swait.ge [sflag:s12], $0x7D0  }
0x19: {  	[sflag:s12] =	ssyncset.done $0x0  }
0x1a: {  	[sflag:s12] =	ssyncadd.s32 $0xFFFFF830  }
0x1b: {  	[tilespmem:s14], [sflag:$0x1] =	stream.indirect.gather [hbm4b:s4+s13], $0x3, s3, s13, $0xb8;
	[tilespmem:$0xD4E0] =	vst v63  }
0x1c: {  	_ =	swait.ge [sflag:s15], $0x1770  }
0x1d: {  	[sflag:s15] =	ssyncset.done $0x0  }
0x1e: {  	s31 =	sadd.s32 $0x0, s9;
	[sflag:s15] =	ssyncadd.s32 $0xFFFFE890  }
0x1f: {  	[tilespmem:s13], [sflag:$0x2] =	stream.linear.gather [hbm4b:s31+s3], $0x7D0, $0x38;
	[tilespmem:$0xD4E0] =	vst v63  }
0x20: {  	_ =	swait.ge [sflag:s12], $0x7D0  }
0x21: {  	[sflag:s12] =	ssyncset.done $0x0  }
0x22: {  	[sflag:s12] =	ssyncadd.s32 $0xFFFFF830  }
0x23: {  	[spmem:s2] =	stream.indirect.scatter.add.f32 [tilespmem:s14], [sflag:$0x2], $0x3, s13, s13, $0xb8;
	[tilespmem:$0xD4E0] =	vst v63  }
0x24: {  	_ =	swait.ge [sflag:s12], $0x1770  }
0x25: {  	s18 =	simm.s32 $0x1F4;
	s17 =	simm.s32 $0xFA;
	[sflag:s12] =	ssyncset.done $0x0  }
.LBB2_2:
0x26: {  	s19 =	sadd.s32 s17, s10  }
0x27: {  	[sflag:s12] =	ssyncadd.s32 $0xFFFFE890;
	s20 =	smov.u32 s18;
	s21 =	sadd.s32 $0xFA, s18  }
0x28: {  	[tilespmem:s3], [sflag:$0x2] =	stream.linear.gather [hbm4b:s19+s3], $0x7D0, $0x38;
	[tilespmem:$0xD4E0] =	vst v63  }
0x29: {  	p0 =	sne.s32 s18, $0x1770;
	_ =	swait.ge [sflag:s12], $0x7D0  }
0x2a: {  	[sflag:s12] =	ssyncset.done $0x0  }
0x2b: {  	[sflag:s12] =	ssyncadd.s32 $0xFFFFF830  }
0x2c: {  	[tilespmem:s14], [sflag:$0x1] =	stream.indirect.gather [hbm4b:s4+s13], $0x3, s3, s13, $0xb8;
	[tilespmem:$0xD4E0] =	vst v63  }
0x2d: {  	_ =	swait.ge [sflag:s15], $0x1770  }
0x2e: {  	[sflag:s15] =	ssyncset.done $0x0  }
0x2f: {  	s18 =	sadd.s32 s17, s9;
	s17 =	smov.u32 s20;
	[sflag:s15] =	ssyncadd.s32 $0xFFFFE890  }
0x30: {  	[tilespmem:s13], [sflag:$0x2] =	stream.linear.gather [hbm4b:s18+s3], $0x7D0, $0x38;
	[tilespmem:$0xD4E0] =	vst v63  }
0x31: {  	_ =	swait.ge [sflag:s12], $0x7D0  }
.Ltmp0:
0x32: {  	[sflag:s12] =	ssyncset.done $0x0;
	(pc) =	sbr.rel @p0 .LBB2_2-.Ltmp0, $4  }
0x33: {  	[sflag:s12] =	ssyncadd.s32 $0xFFFFF830  }
0x34: {  	[spmem:s2] =	stream.indirect.scatter.add.f32 [tilespmem:s14], [sflag:$0x2], $0x3, s13, s13, $0xb8;
	[tilespmem:$0xD4E0] =	vst v63  }
0x35: {  	_ =	swait.ge [sflag:s12], $0x1770  }
0x36: {  	s18 =	smov.u32 s21;
	[sflag:s12] =	ssyncset.done $0x0  }
0x37: {  	s18 =	sadd.s32 s17, s10;
	[sflag:s12] =	ssyncadd.s32 $0xFFFFE890  }
0x38: {  	[tilespmem:s3], [sflag:$0x2] =	stream.linear.gather [hbm4b:s18+s3], $0x7D0, $0x38;
	[tilespmem:$0xD4E0] =	vst v63  }
0x39: {  	_ =	swait.ge [sflag:s12], $0x7D0  }
0x3a: {  	[sflag:s12] =	ssyncset.done $0x0  }
0x3b: {  	[sflag:s12] =	ssyncadd.s32 $0xFFFFF830  }
0x3c: {  	[tilespmem:s14], [sflag:$0x1] =	stream.indirect.gather [hbm4b:s4+s13], $0x3, s3, s13, $0xb8;
	[tilespmem:$0xD4E0] =	vst v63  }
0x3d: {  	_ =	swait.ge [sflag:s15], $0x1770  }
0x3e: {  	[sflag:s15] =	ssyncset.done $0x0  }
0x3f: {  	s31 =	sadd.s32 s17, s9;
	[sflag:s15] =	ssyncadd.s32 $0xFFFFE890  }
0x40: {  	[tilespmem:s13], [sflag:$0x2] =	stream.linear.gather [hbm4b:s31+s3], $0x7D0, $0x38;
	[tilespmem:$0xD4E0] =	vst v63  }
0x41: {  	_ =	swait.ge [sflag:s12], $0x7D0  }
0x42: {  	[sflag:s12] =	ssyncset.done $0x0  }
0x43: {  	[sflag:s12] =	ssyncadd.s32 $0xFFFFF830  }
0x44: {  	[spmem:s2] =	stream.indirect.scatter.add.f32 [tilespmem:s14], [sflag:$0x2], $0x3, s13, s13, $0xb8;
	[tilespmem:$0xD4E0] =	vst v63  }
0x45: {  	_ =	swait.ge [sflag:s12], $0x1770  }
0x46: {  	[sflag:s12] =	ssyncset.done $0x0  }
0x47: {  	[sflag:s12] =	ssyncadd.s32 $0xFFFFE890  }
0x48: {  	[bflag:$0x0] =	sbarrier.arrive $0xFFFF  }
0x49: {  	[tilespmem:s11], [sflag:$0x2] =	stream.linear.gather [spmem:s6], $0x6200, $0x38;
	[tilespmem:$0xD4E0] =	vst v63  }
0x4a: {  	s16 =	sadd.s32 $0x1, s16;
	_ =	swait.ge [sflag:s12], $0x6200  }
0x4b: {  	p0 =	sne.s32 s16, s8;
	[sflag:s12] =	ssyncset.done $0x0  }
.Ltmp1:
0x4c: {  	[sflag:s12] =	ssyncadd.s32 $0xFFFF9E00;
	(pc) =	sbr.rel @p0 .LBB2_1-.Ltmp1, $4  }
0x4d: {  	[hbm4b:s7+s3] =	stream.linear.scatter [tilespmem:s11], [sflag:$0x2], $0x6200, $0x38;
	[tilespmem:$0xD4E0] =	vst v63  }
0x4e: {  	_ =	swait.ge [sflag:s12], $0x6200  }
0x4f: {  	[sflag:s12] =	ssyncset.done $0x0  }
0x50: {  	[sflag:s12] =	ssyncadd.s32 $0xFFFF9E00  }
0x51: {  	_ =	sfence.sel $0x180000  }
0x52: {  	[bflag:$0x0] =	sbarrier.arrive $0xFFFF  }
0x53: {  	p0 =	sne.s32 s0, $0x0;
	_ =	strace $0x9000004A  }
0x54: {  	s0 =	sadd.s32 @!p0 $0x100000, s1;
	[bflag:$0x2] =	sbarrier.arrive $0xFFFF  }
0x55: {  	[sflag:s0] =	ssyncadd.tile.s32 @!p0 $0x1;
	_ =	shalt  }
.Lfunc_end2:
_tile_overlayer_lowered:
.L_overlay_start_2:
0x56: {  	(tag) =	ssettag $0x2  }
0x57: {  	s0 =	rddreg [dreg:$0x0];
	s2 =	stileid.u32  }
0x58: {  	s1 =	rddreg [dreg:$0x1];
	p0 =	sne.s32 s2, $0x0  }
0x59: {  	s3 =	rddreg [dreg:$0x2];
	[bflag:$0x3] =	sbarrier.arrive $0xFFFF;
	s2 =	simm.s32 @!p0 $0x1C02  }
0x5a: {  	[timem:s3], [sflag:s2] =	dma.local @!p0 [hbm:s0], s1  }
0x5b: {  	s0 =	simm.s32 @!p0 $0x2  }
0x5c: {  	_ =	swait.ge @!p0 [sflag:s0], s1  }
0x5d: {  	s1 =	ssub.s32 @!p0 $0x0, s1;
	[sflag:s0] =	ssyncset.done @!p0 $0x0  }
0x5e: {  	[sflag:s0] =	ssyncadd.s32 @!p0 s1  }
0x5f: {  	[bflag:$0x3] =	sbarrier.arrive $0xFFFF  }
0x60: {  	_ =	shalt  }

// kernel: kernel.16.cloned.1.call-start
scs
__scs_entry_jumppad:
0x0: {  	(pc) =	sbr.rel $0x88, $3  }
0x1: {  	(tag) =	ssettag $0x0;
	lr =	simm.s32 $0x1  }
0x2: {  	[smem:$0x3F99] =	sst lr;
	_ =	strace $0xD0000000  }
0x3: {  	_ = 	snop  }
0x4: {  	_ = 	snop  }
0x5: {  	_ = 	snop  }
0x6: {  	_ = 	snop  }
0x7: {  	_ = 	snop  }
__scs_overlays_trampoline_lowered:
0x8: {  	[smem:$0x3FA8] =	sst s0  }
0x9: {  	[smem:$0x3FA9] =	sst s1  }
0xa: {  	[smem:$0x3FAA] =	sst s2  }
0xb: {  	[smem:$0x3FAB] =	sst s3  }
0xc: {  	[smem:$0x3FAC] =	sst s4  }
0xd: {  	[smem:$0x3FAD] =	sst s5  }
0xe: {  	[smem:$0x3FAE] =	sst s6  }
0xf: {  	[smem:$0x3FAF] =	sst s7  }
0x10: {  	[smem:$0x3FB0] =	sst s8  }
0x11: {  	[smem:$0x3FB1] =	sst s9;
	s0 =	simm.s32 @!p0 $0x0  }
0x12: {  	s1 =	sld [smem:$0x3F97];
	s0 =	simm.s32 @p0 $0x1  }
0x13: {  	[smem:$0x3FB2] =	sst s0;
	s0 =	simm.s32 @!p1 $0x0  }
0x14: {  	s2 =	sld [smem:$0x3F96];
	s0 =	simm.s32 @p1 $0x1  }
0x15: {  	[smem:$0x3FB3] =	sst s0;
	s0 =	simm.s32 @!p2 $0x0  }
0x16: {  	s3 =	sld [smem:$0x3FDB];
	s0 =	simm.s32 @p2 $0x1  }
0x17: {  	s4 =	simm.s32 $0x1BF5;
	[smem:$0x3FB5] =	sst s0  }
0x18: {  	s0 =	sld [smem:$0x3F98];
	_ =	swait.ge [sflag:s4], $0x0  }
0x19: {  	s7 =	sld [smem:$0x3F99]  }
0x1a: {  	s8 =	sadd.s32 $0xFFFFE003, lr  }
0x1b: {  	s9 =	sadd.s32 $0xFFFFFEF7, lr;
	s5 =	simm.s32 $0xFFFFFFFF;
	p2 =	slt.u32 s8, $0xFFFFF086  }
0x1c: {  	p1 =	slt.u32 s9, $0xF7A;
	s5 =	simm.s32 @!p2 $0x0  }
0x1d: {  	s5 =	simm.s32 @p1 $0x1;
	p0 =	seq.s32 s7, s2  }
0x1e: {  	s7 =	smul.u32 @!p0 $0xF7A, s2;
	p2 =	seq.s32 @!p0 s5, $0x0  }
0x1f: {  	s9 =	smul.u32 $0xF7A, s1;
	s8 =	simm.s32 @!p0 $0x1BF5;
	p2 =	por !p2, p0  }
0x20: {  	[sflag:s8] =	ssyncset.s32 @!p0 $0xFFFFF086;
	s6 =	sadd.s32 @!p0 s3, s7;
	s7 =	simm.s32 @!p0 $0x108  }
0x21: {  	s3 =	sadd.s32 s3, s9;
	s6 =	sadd.s32 @!p0 $0x88, s6;
	s7 =	simm.s32 @p2 $0x1082  }
0x22: {  	[simem:s7], [sflag:s8] =	dma.local @!p0 [hbm:s6], $0xF7A  }
0x23: {  	s9 =	sor.u32 $0xD0000000, s2;
	s6 =	simm.s32 $0x108;
	_ =	swait.ge @!p0 [sflag:s8], $0x0  }
0x24: {  	s3 =	sadd.s32 $0x88, s3;
	s6 =	simm.s32 @!p1 $0x1082;
	[sflag:s4] =	ssyncset.s32 $0xFFFFF086  }
0x25: {  	[simem:s6], [sflag:s4] =	dma.local [hbm:s3], $0xF7A  }
0x26: {  	[smem:$0x3F99] =	sst s1;
	(tag) =	ssettag s2;
	_ =	strace s9  }
0x27: {  	s1 =	sld [smem:$0x3FA9]  }
0x28: {  	s2 =	sld [smem:$0x3FAA]  }
0x29: {  	s4 =	sld [smem:$0x3FAC]  }
0x2a: {  	p0 =	seq.s32 s5, $0x0;
	s5 =	sld [smem:$0x3FAD]  }
0x2b: {  	s6 =	sld [smem:$0x3FAE]  }
0x2c: {  	s7 =	sld [smem:$0x3FAF]  }
0x2d: {  	s3 =	simm.s32 $0x108;
	s8 =	sld [smem:$0x3FB0]  }
0x2e: {  	s3 =	simm.s32 @!p0 $0x1082;
	s9 =	sld [smem:$0x3FB1]  }
0x2f: {  	lr =	sadd.s32 s0, s3;
	s0 =	sld [smem:$0x3FA8]  }
0x30: {  	s3 =	sld [smem:$0x3FAB]  }
0x31: {  	[smem:$0x3FB4] =	sst s10  }
0x32: {  	s10 =	sld [smem:$0x3FB2];
	_ =	sdelay $0x3  }
0x33: {  	p0 =	seq.s32 s10, $0x1;
	s10 =	sld [smem:$0x3FB4];
	_ =	sdelay $0x3  }
0x34: {  	[smem:$0x3FB4] =	sst s10  }
0x35: {  	s10 =	sld [smem:$0x3FB3];
	_ =	sdelay $0x3  }
0x36: {  	p1 =	seq.s32 s10, $0x1;
	s10 =	sld [smem:$0x3FB4];
	_ =	sdelay $0x3  }
0x37: {  	[smem:$0x3FB4] =	sst s10  }
0x38: {  	s10 =	sld [smem:$0x3FB5]  }
0x39: {  	_ = 	snop;
	(pc) =	sbr.ind lr, $3  }
0x3a: {  	_ = 	snop  }
0x3b: {  	_ = 	snop  }
0x3c: {  	p2 =	seq.s32 s10, $0x1;
	s10 =	sld [smem:$0x3FB4]  }
0x3d: {  	_ =	shalt  }
0x3e: {  	_ =	shalt  }
0x3f: {  	_ =	shalt  }
0x40: {  	_ =	shalt  }
0x41: {  	_ =	shalt  }
0x42: {  	_ =	shalt  }
0x43: {  	_ =	shalt  }
0x44: {  	_ =	shalt  }
0x45: {  	_ =	shalt  }
0x46: {  	_ =	shalt  }
0x47: {  	_ =	shalt  }
0x48: {  	_ =	shalt  }
0x49: {  	_ =	shalt  }
0x4a: {  	_ =	shalt  }
0x4b: {  	_ =	shalt  }
0x4c: {  	_ =	shalt  }
0x4d: {  	_ =	shalt  }
0x4e: {  	_ =	shalt  }
0x4f: {  	_ =	shalt  }
0x50: {  	_ =	shalt  }
0x51: {  	_ =	shalt  }
0x52: {  	_ =	shalt  }
0x53: {  	_ =	shalt  }
0x54: {  	_ =	shalt  }
0x55: {  	_ =	shalt  }
0x56: {  	_ =	shalt  }
0x57: {  	_ =	shalt  }
0x58: {  	_ =	shalt  }
0x59: {  	_ =	shalt  }
0x5a: {  	_ =	shalt  }
0x5b: {  	_ =	shalt  }
0x5c: {  	_ =	shalt  }
0x5d: {  	_ =	shalt  }
0x5e: {  	_ =	shalt  }
0x5f: {  	_ =	shalt  }
0x60: {  	_ =	shalt  }
0x61: {  	_ =	shalt  }
0x62: {  	_ =	shalt  }
0x63: {  	_ =	shalt  }
0x64: {  	_ =	shalt  }
0x65: {  	_ =	shalt  }
0x66: {  	_ =	shalt  }
0x67: {  	_ =	shalt  }
0x68: {  	_ =	shalt  }
0x69: {  	_ =	shalt  }
0x6a: {  	_ =	shalt  }
0x6b: {  	_ =	shalt  }
0x6c: {  	_ =	shalt  }
0x6d: {  	_ =	shalt  }
0x6e: {  	_ =	shalt  }
0x6f: {  	_ =	shalt  }
0x70: {  	_ =	shalt  }
0x71: {  	_ =	shalt  }
0x72: {  	_ =	shalt  }
0x73: {  	_ =	shalt  }
0x74: {  	_ =	shalt  }
0x75: {  	_ =	shalt  }
0x76: {  	_ =	shalt  }
0x77: {  	_ =	shalt  }
0x78: {  	_ =	shalt  }
0x79: {  	_ =	shalt  }
0x7a: {  	_ =	shalt  }
0x7b: {  	_ =	shalt  }
0x7c: {  	_ =	shalt  }
0x7d: {  	_ =	shalt  }
0x7e: {  	_ =	shalt  }
0x7f: {  	_ =	shalt  }
0x80: {  	_ =	shalt  }
0x81: {  	_ =	shalt  }
0x82: {  	_ =	shalt  }
0x83: {  	_ =	shalt  }
0x84: {  	_ =	shalt  }
0x85: {  	_ =	shalt  }
0x86: {  	_ =	shalt  }
0x87: {  	_ =	shalt  }
.Lfunc_end0:
.L_simem_size_0:
called_computation.2_lowered:
.L_overlay_start_0:
0x88: {  	s2 =	sld [smem:$0x3FD9]  }
0x89: {  	s3 =	sld [smem:$0x3FFE];
	_ =	sdelay $0x1  }
0x8a: {  	s1 =	srdreg.scid  }
0x8b: {  	s0 =	sand.u32 $0x1, s1  }
0x8c: {  	s16 =	sshll.u32 s0, $0xA;
	s2 =	sadd.s32 s3, s2  }
0x8d: {  	s2 =	sadd.s32 s2, s16  }
0x8e: {  	[smem:$0x3FC0] =	sst s2  }
0x8f: {  	_ = 	snop  }
0x90: {  	(tm) =	ssettm $0x1  }
0x91: {  	s17 =	sld [smem:$0x3FFB];
	_ =	sdelay $0x3  }
0x92: {  	_ =	strace s17  }
0x93: {  	s2 =	sld [smem:$0x3FFC];
	_ =	sdelay $0x3  }
0x94: {  	_ =	strace s2  }
0x95: {  	s2 =	sld [smem:$0x3FFD];
	_ =	sdelay $0x3  }
0x96: {  	_ =	strace s2  }
0x97: {  	_ =	strace $0x8FFFFFFF  }
0x98: {  	s18 =	sld [smem:$0x3FDB];
	_ =	sdelay $0x1  }
0x99: {  	s19 =	simm.s32 $_scs_section_size  }
0x9a: {  	s4 =	simm.s32 $_size__tile_overlayer_lowered;
	s5 =	simm.s32 $_tile_overlayer_lowered  }
0x9b: {  	s22 =	simm.s32 $0x1BFF;
	s21 =	sshll.u32 s5, $0x1;
	s2 =	sadd.s32 s19, s18  }
0x9c: {  	s6 =	simm.s32 $0x0;
	s20 =	sshll.u32 s4, $0x1;
	s4 =	sadd.s32 s21, s2  }
0x9d: {  	[timem:s6], [sflag:s22] =	dma.local [hbm:s4], s20  }
0x9e: {  	_ =	swait.ge [sflag:s22], s20  }
0x9f: {  	s3 =	ssub.s32 $0x0, s20;
	[sflag:s22] =	ssyncset.done $0x0  }
0xa0: {  	[sflag:s22] =	ssyncadd.s32 s3;
	_ =	sdelay $0x1  }
0xa1: {  	s23 =	simm.s32 $0x1B8B  }
0xa2: {  	_ =	swait.ge [sflag:s23], $0x1  }
0xa3: {  	[sflag:s23] =	ssyncset.done $0x0  }
0xa4: {  	s25 =	simm.s32 $0x1B8E;
	s24 =	sld [smem:$0x3FFE];
	[sflag:s23] =	ssyncadd.s32 $0xFFFFFFFF  }
0xa5: {  	s26 =	simm.s32 $execute0_lowered;
	[smem:$0x3FD2] =	sst s25  }
0xa6: {  	s4 =	sshll.u32 s26, $0x1;
	_ =	strace $0x8000004C;
	[dreg:$0x1] =	wrdreg $0xFFFFFFFF  }
0xa7: {  	s28 =	simm.s32 $_size_execute0_lowered;
	s2 =	sadd.s32 s2, s4;
	[dreg:$0x0] =	wrdreg $0x0  }
0xa8: {  	s4 =	sshll.u32 s28, $0x1;
	[dreg:$0x2] =	wrdreg s2  }
0xa9: {  	[dreg:$0x3] =	wrdreg s4  }
0xaa: {  	[dreg:$0x4] =	wrdreg $0xC0  }
0xab: {  	_ =	task [dreg:s6], $0x5FFFF  }
0xac: {  	[dreg:$0x1] =	wrdreg $0xFFFFFFFF  }
0xad: {  	[dreg:$0x0] =	wrdreg $0x60  }
0xae: {  	[dreg:$0x2] =	wrdreg s24  }
0xaf: {  	[dreg:$0x3] =	wrdreg $0xB0200  }
0xb0: {  	[dreg:$0x4] =	wrdreg $0x9  }
0xb1: {  	_ =	task.clear_ibuf [dreg:s6], $0x5FFFF;
	_ =	strace $0x9000004C  }
0xb2: {  	s29 =	simm.s32 $0x9;
	_ =	strace $0x8000004E  }
0xb3: {  	_ =	swait.ge [sflag:s29], $0x1  }
0xb4: {  	[sflag:s29] =	ssyncadd.s32 $0xFFFFFFFF  }
0xb5: {  	_ =	strace $0x9000004E  }
0xb6: {  	_ =	sfence  }
0xb7: {  	s30 =	sld [smem:$0x0];
	_ =	sdelay $0x2  }
0xb8: {  	s31 =	sshll.u32 s1, $0xD;
	s1 =	sshrl.u32 s1, $0x2  }
0xb9: {  	s3 =	sand.u32 $0x4000, s31;
	s1 =	sadd.s32 s1, s30  }
0xba: {  	s0 =	sor.u32 s3, s0;
	s1 =	sshll.u32 s1, $0x11  }
0xbb: {  	s0 =	sor.u32 s1, s0  }
0xbc: {  	s0 =	sadd.s32 $0x8F2B, s0  }
0xbd: {  	[sflag:s0] =	ssyncadd.remote.s32 $0x1  }
0xbe: {  	_ =	sfence.sel $0xFFFF  }
0xbf: {  	[dreg:$0x0] =	wrdreg $0xFFFFFFFF;
	(pc) =	sbr.abs _section_cstart, $3  }
0xc0: {  	[dreg:$0x1] =	wrdreg $0xFFFFFFFF  }
0xc1: {  	_ =	task.clear_ibuf [dreg:s6], $0x2FFFF;
	_ =	strace $0x9FFFFFFF  }
0xc2: {  	(tm) =	ssettm $0x7FFFFFFF  }
0xc3: {  	_ =	shalt  }
tec
execute0_lowered:
.L_overlay_start_1:
0x0: {  	(tag) =	ssettag $0x1  }
0x1: {  	s6 =	rddreg [dreg:$0x0]  }
0x2: {  	s2 =	rddreg [dreg:$0x1]  }
0x3: {  	s0 =	srdreg.scid;
	s1 =	rddreg [dreg:$0x2];
	s3 =	simm.s32 $0x0  }
0x4: {  	s11 =	simm.s32 $0x4E20;
	s12 =	simm.s32 $0x2;
	s5 =	sand.u32 $0x1, s0  }
0x5: {  	s13 =	simm.s32 $0x7D0;
	s0 =	stileid.u32;
	s4 =	smul.u32 $0xC3500, s5  }
0x6: {  	s14 =	simm.s32 $0xFA0;
	s15 =	simm.s32 $0x1;
	s7 =	smul.u32 $0xC350, s0  }
0x7: {  	s16 =	simm.s32 $0x0;
	[smem:$0x7FF] =	sst s3;
	s8 =	smul.u32 $0x6200, s0  }
0x8: {  	s9 =	smul.u32 $0x62000, s5;
	_ =	strace $0x8000004D;
	s30 =	ssub.s32 $0x2, s5  }
0x9: {  	s5 =	sadd.s32 $0x7D600, s6;
	s31 =	sshrl.u32 s30, $0x1;
	s7 =	sadd.s32 s7, s4  }
0xa: {  	s4 =	sadd.s32 $0x69800, s6;
	s9 =	sadd.s32 s8, s9;
	s7 =	sshrl.u32 s7, $0x3  }
0xb: {  	s29 =	sshrl.u32 s9, $0x3;
	s9 =	ssub.s32 s30, s31;
	s10 =	sadd.s32 s7, s6  }
0xc: {  	s7 =	sadd.s32 s29, s6;
	s6 =	sadd.s32 s8, s2;
	s8 =	smax.u32 s9, $0x1  }
0xd: {  	s7 =	sadd.s32 $0x7E400, s7;
	s9 =	sadd.s32 $0x34000, s10;
	s10 =	sadd.s32 $0x3200, s10  }
.LBB2_1:
0xe: {  	[tilespmem:s11], [sflag:$0x2] =	stream.linear.gather [hbm4b:s5+s3], $0x6200, $0x38;
	[tilespmem:$0xD4E0] =	vst v63  }
0xf: {  	_ =	swait.ge [sflag:s12], $0x6200  }
0x10: {  	[sflag:s12] =	ssyncset.done $0x0  }
0x11: {  	[sflag:s12] =	ssyncadd.s32 $0xFFFF9E00  }
0x12: {  	[spmem:s6] =	stream.linear.scatter [tilespmem:s11], [sflag:$0x2], $0x6200, $0x38;
	[tilespmem:$0xD4E0] =	vst v63  }
0x13: {  	_ =	swait.ge [sflag:s12], $0x6200  }
0x14: {  	[sflag:s12] =	ssyncset.done $0x0  }
0x15: {  	[sflag:s12] =	ssyncadd.s32 $0xFFFF9E00  }
0x16: {  	s17 =	sadd.s32 $0x0, s10;
	[bflag:$0x0] =	sbarrier.arrive $0xFFFF  }
0x17: {  	[tilespmem:s3], [sflag:$0x2] =	stream.linear.gather [hbm4b:s17+s3], $0x7D0, $0x38;
	[tilespmem:$0xD4E0] =	vst v63  }
0x18: {  	_ =	swait.ge [sflag:s12], $0x7D0  }
0x19: {  	[sflag:s12] =	ssyncset.done $0x0  }
0x1a: {  	[sflag:s12] =	ssyncadd.s32 $0xFFFFF830  }
0x1b: {  	[tilespmem:s14], [sflag:$0x1] =	stream.indirect.gather [hbm4b:s4+s13], $0x3, s3, s13, $0xb8;
	[tilespmem:$0xD4E0] =	vst v63  }
0x1c: {  	_ =	swait.ge [sflag:s15], $0x1770  }
0x1d: {  	[sflag:s15] =	ssyncset.done $0x0  }
0x1e: {  	s31 =	sadd.s32 $0x0, s9;
	[sflag:s15] =	ssyncadd.s32 $0xFFFFE890  }
0x1f: {  	[tilespmem:s13], [sflag:$0x2] =	stream.linear.gather [hbm4b:s31+s3], $0x7D0, $0x38;
	[tilespmem:$0xD4E0] =	vst v63  }
0x20: {  	_ =	swait.ge [sflag:s12], $0x7D0  }
0x21: {  	[sflag:s12] =	ssyncset.done $0x0  }
0x22: {  	[sflag:s12] =	ssyncadd.s32 $0xFFFFF830  }
0x23: {  	[spmem:s2] =	stream.indirect.scatter.add.f32 [tilespmem:s14], [sflag:$0x2], $0x3, s13, s13, $0xb8;
	[tilespmem:$0xD4E0] =	vst v63  }
0x24: {  	_ =	swait.ge [sflag:s12], $0x1770  }
0x25: {  	s18 =	simm.s32 $0x1F4;
	s17 =	simm.s32 $0xFA;
	[sflag:s12] =	ssyncset.done $0x0  }
.LBB2_2:
0x26: {  	s19 =	sadd.s32 s17, s10  }
0x27: {  	[sflag:s12] =	ssyncadd.s32 $0xFFFFE890;
	s20 =	smov.u32 s18;
	s21 =	sadd.s32 $0xFA, s18  }
0x28: {  	[tilespmem:s3], [sflag:$0x2] =	stream.linear.gather [hbm4b:s19+s3], $0x7D0, $0x38;
	[tilespmem:$0xD4E0] =	vst v63  }
0x29: {  	p0 =	sne.s32 s18, $0x1770;
	_ =	swait.ge [sflag:s12], $0x7D0  }
0x2a: {  	[sflag:s12] =	ssyncset.done $0x0  }
0x2b: {  	[sflag:s12] =	ssyncadd.s32 $0xFFFFF830  }
0x2c: {  	[tilespmem:s14], [sflag:$0x1] =	stream.indirect.gather [hbm4b:s4+s13], $0x3, s3, s13, $0xb8;
	[tilespmem:$0xD4E0] =	vst v63  }
0x2d: {  	_ =	swait.ge [sflag:s15], $0x1770  }
0x2e: {  	[sflag:s15] =	ssyncset.done $0x0  }
0x2f: {  	s18 =	sadd.s32 s17, s9;
	s17 =	smov.u32 s20;
	[sflag:s15] =	ssyncadd.s32 $0xFFFFE890  }
0x30: {  	[tilespmem:s13], [sflag:$0x2] =	stream.linear.gather [hbm4b:s18+s3], $0x7D0, $0x38;
	[tilespmem:$0xD4E0] =	vst v63  }
0x31: {  	_ =	swait.ge [sflag:s12], $0x7D0  }
.Ltmp0:
0x32: {  	[sflag:s12] =	ssyncset.done $0x0;
	(pc) =	sbr.rel @p0 .LBB2_2-.Ltmp0, $4  }
0x33: {  	[sflag:s12] =	ssyncadd.s32 $0xFFFFF830  }
0x34: {  	[spmem:s2] =	stream.indirect.scatter.add.f32 [tilespmem:s14], [sflag:$0x2], $0x3, s13, s13, $0xb8;
	[tilespmem:$0xD4E0] =	vst v63  }
0x35: {  	_ =	swait.ge [sflag:s12], $0x1770  }
0x36: {  	s18 =	smov.u32 s21;
	[sflag:s12] =	ssyncset.done $0x0  }
0x37: {  	s18 =	sadd.s32 s17, s10;
	[sflag:s12] =	ssyncadd.s32 $0xFFFFE890  }
0x38: {  	[tilespmem:s3], [sflag:$0x2] =	stream.linear.gather [hbm4b:s18+s3], $0x7D0, $0x38;
	[tilespmem:$0xD4E0] =	vst v63  }
0x39: {  	_ =	swait.ge [sflag:s12], $0x7D0  }
0x3a: {  	[sflag:s12] =	ssyncset.done $0x0  }
0x3b: {  	[sflag:s12] =	ssyncadd.s32 $0xFFFFF830  }
0x3c: {  	[tilespmem:s14], [sflag:$0x1] =	stream.indirect.gather [hbm4b:s4+s13], $0x3, s3, s13, $0xb8;
	[tilespmem:$0xD4E0] =	vst v63  }
0x3d: {  	_ =	swait.ge [sflag:s15], $0x1770  }
0x3e: {  	[sflag:s15] =	ssyncset.done $0x0  }
0x3f: {  	s31 =	sadd.s32 s17, s9;
	[sflag:s15] =	ssyncadd.s32 $0xFFFFE890  }
0x40: {  	[tilespmem:s13], [sflag:$0x2] =	stream.linear.gather [hbm4b:s31+s3], $0x7D0, $0x38;
	[tilespmem:$0xD4E0] =	vst v63  }
0x41: {  	_ =	swait.ge [sflag:s12], $0x7D0  }
0x42: {  	[sflag:s12] =	ssyncset.done $0x0  }
0x43: {  	[sflag:s12] =	ssyncadd.s32 $0xFFFFF830  }
0x44: {  	[spmem:s2] =	stream.indirect.scatter.add.f32 [tilespmem:s14], [sflag:$0x2], $0x3, s13, s13, $0xb8;
	[tilespmem:$0xD4E0] =	vst v63  }
0x45: {  	_ =	swait.ge [sflag:s12], $0x1770  }
0x46: {  	[sflag:s12] =	ssyncset.done $0x0  }
0x47: {  	[sflag:s12] =	ssyncadd.s32 $0xFFFFE890  }
0x48: {  	[bflag:$0x0] =	sbarrier.arrive $0xFFFF  }
0x49: {  	[tilespmem:s11], [sflag:$0x2] =	stream.linear.gather [spmem:s6], $0x6200, $0x38;
	[tilespmem:$0xD4E0] =	vst v63  }
0x4a: {  	s16 =	sadd.s32 $0x1, s16;
	_ =	swait.ge [sflag:s12], $0x6200  }
0x4b: {  	p0 =	sne.s32 s16, s8;
	[sflag:s12] =	ssyncset.done $0x0  }
.Ltmp1:
0x4c: {  	[sflag:s12] =	ssyncadd.s32 $0xFFFF9E00;
	(pc) =	sbr.rel @p0 .LBB2_1-.Ltmp1, $4  }
0x4d: {  	[hbm4b:s7+s3] =	stream.linear.scatter [tilespmem:s11], [sflag:$0x2], $0x6200, $0x38;
	[tilespmem:$0xD4E0] =	vst v63  }
0x4e: {  	_ =	swait.ge [sflag:s12], $0x6200  }
0x4f: {  	[sflag:s12] =	ssyncset.done $0x0  }
0x50: {  	[sflag:s12] =	ssyncadd.s32 $0xFFFF9E00  }
0x51: {  	_ =	sfence.sel $0x180000  }
0x52: {  	[bflag:$0x0] =	sbarrier.arrive $0xFFFF  }
0x53: {  	p0 =	sne.s32 s0, $0x0;
	_ =	strace $0x9000004D  }
0x54: {  	s0 =	sadd.s32 @!p0 $0x100000, s1;
	[bflag:$0x2] =	sbarrier.arrive $0xFFFF  }
0x55: {  	[sflag:s0] =	ssyncadd.tile.s32 @!p0 $0x1;
	_ =	shalt  }
.Lfunc_end2:
_tile_overlayer_lowered:
.L_overlay_start_2:
0x56: {  	(tag) =	ssettag $0x2  }
0x57: {  	s0 =	rddreg [dreg:$0x0];
	s2 =	stileid.u32  }
0x58: {  	s1 =	rddreg [dreg:$0x1];
	p0 =	sne.s32 s2, $0x0  }
0x59: {  	s3 =	rddreg [dreg:$0x2];
	[bflag:$0x3] =	sbarrier.arrive $0xFFFF;
	s2 =	simm.s32 @!p0 $0x1C02  }
0x5a: {  	[timem:s3], [sflag:s2] =	dma.local @!p0 [hbm:s0], s1  }
0x5b: {  	s0 =	simm.s32 @!p0 $0x2  }
0x5c: {  	_ =	swait.ge @!p0 [sflag:s0], s1  }
0x5d: {  	s1 =	ssub.s32 @!p0 $0x0, s1;
	[sflag:s0] =	ssyncset.done @!p0 $0x0  }
0x5e: {  	[sflag:s0] =	ssyncadd.s32 @!p0 s1  }
0x5f: {  	[bflag:$0x3] =	sbarrier.arrive $0xFFFF  }
0x60: {  	_ =	shalt  }

// kernel: kernel.19.cloned.1.call-start
scs
__scs_entry_jumppad:
0x0: {  	(pc) =	sbr.rel $0x88, $3  }
0x1: {  	(tag) =	ssettag $0x0;
	lr =	simm.s32 $0x1  }
0x2: {  	[smem:$0x3F99] =	sst lr;
	_ =	strace $0xD0000000  }
0x3: {  	_ = 	snop  }
0x4: {  	_ = 	snop  }
0x5: {  	_ = 	snop  }
0x6: {  	_ = 	snop  }
0x7: {  	_ = 	snop  }
__scs_overlays_trampoline_lowered:
0x8: {  	[smem:$0x3FA8] =	sst s0  }
0x9: {  	[smem:$0x3FA9] =	sst s1  }
0xa: {  	[smem:$0x3FAA] =	sst s2  }
0xb: {  	[smem:$0x3FAB] =	sst s3  }
0xc: {  	[smem:$0x3FAC] =	sst s4  }
0xd: {  	[smem:$0x3FAD] =	sst s5  }
0xe: {  	[smem:$0x3FAE] =	sst s6  }
0xf: {  	[smem:$0x3FAF] =	sst s7  }
0x10: {  	[smem:$0x3FB0] =	sst s8  }
0x11: {  	[smem:$0x3FB1] =	sst s9;
	s0 =	simm.s32 @!p0 $0x0  }
0x12: {  	s1 =	sld [smem:$0x3F97];
	s0 =	simm.s32 @p0 $0x1  }
0x13: {  	[smem:$0x3FB2] =	sst s0;
	s0 =	simm.s32 @!p1 $0x0  }
0x14: {  	s2 =	sld [smem:$0x3F96];
	s0 =	simm.s32 @p1 $0x1  }
0x15: {  	[smem:$0x3FB3] =	sst s0;
	s0 =	simm.s32 @!p2 $0x0  }
0x16: {  	s3 =	sld [smem:$0x3FDB];
	s0 =	simm.s32 @p2 $0x1  }
0x17: {  	s4 =	simm.s32 $0x1BF5;
	[smem:$0x3FB5] =	sst s0  }
0x18: {  	s0 =	sld [smem:$0x3F98];
	_ =	swait.ge [sflag:s4], $0x0  }
0x19: {  	s7 =	sld [smem:$0x3F99]  }
0x1a: {  	s8 =	sadd.s32 $0xFFFFE003, lr  }
0x1b: {  	s9 =	sadd.s32 $0xFFFFFEF7, lr;
	s5 =	simm.s32 $0xFFFFFFFF;
	p2 =	slt.u32 s8, $0xFFFFF086  }
0x1c: {  	p1 =	slt.u32 s9, $0xF7A;
	s5 =	simm.s32 @!p2 $0x0  }
0x1d: {  	s5 =	simm.s32 @p1 $0x1;
	p0 =	seq.s32 s7, s2  }
0x1e: {  	s7 =	smul.u32 @!p0 $0xF7A, s2;
	p2 =	seq.s32 @!p0 s5, $0x0  }
0x1f: {  	s9 =	smul.u32 $0xF7A, s1;
	s8 =	simm.s32 @!p0 $0x1BF5;
	p2 =	por !p2, p0  }
0x20: {  	[sflag:s8] =	ssyncset.s32 @!p0 $0xFFFFF086;
	s6 =	sadd.s32 @!p0 s3, s7;
	s7 =	simm.s32 @!p0 $0x108  }
0x21: {  	s3 =	sadd.s32 s3, s9;
	s6 =	sadd.s32 @!p0 $0x88, s6;
	s7 =	simm.s32 @p2 $0x1082  }
0x22: {  	[simem:s7], [sflag:s8] =	dma.local @!p0 [hbm:s6], $0xF7A  }
0x23: {  	s9 =	sor.u32 $0xD0000000, s2;
	s6 =	simm.s32 $0x108;
	_ =	swait.ge @!p0 [sflag:s8], $0x0  }
0x24: {  	s3 =	sadd.s32 $0x88, s3;
	s6 =	simm.s32 @!p1 $0x1082;
	[sflag:s4] =	ssyncset.s32 $0xFFFFF086  }
0x25: {  	[simem:s6], [sflag:s4] =	dma.local [hbm:s3], $0xF7A  }
0x26: {  	[smem:$0x3F99] =	sst s1;
	(tag) =	ssettag s2;
	_ =	strace s9  }
0x27: {  	s1 =	sld [smem:$0x3FA9]  }
0x28: {  	s2 =	sld [smem:$0x3FAA]  }
0x29: {  	s4 =	sld [smem:$0x3FAC]  }
0x2a: {  	p0 =	seq.s32 s5, $0x0;
	s5 =	sld [smem:$0x3FAD]  }
0x2b: {  	s6 =	sld [smem:$0x3FAE]  }
0x2c: {  	s7 =	sld [smem:$0x3FAF]  }
0x2d: {  	s3 =	simm.s32 $0x108;
	s8 =	sld [smem:$0x3FB0]  }
0x2e: {  	s3 =	simm.s32 @!p0 $0x1082;
	s9 =	sld [smem:$0x3FB1]  }
0x2f: {  	lr =	sadd.s32 s0, s3;
	s0 =	sld [smem:$0x3FA8]  }
0x30: {  	s3 =	sld [smem:$0x3FAB]  }
0x31: {  	[smem:$0x3FB4] =	sst s10  }
0x32: {  	s10 =	sld [smem:$0x3FB2];
	_ =	sdelay $0x3  }
0x33: {  	p0 =	seq.s32 s10, $0x1;
	s10 =	sld [smem:$0x3FB4];
	_ =	sdelay $0x3  }
0x34: {  	[smem:$0x3FB4] =	sst s10  }
0x35: {  	s10 =	sld [smem:$0x3FB3];
	_ =	sdelay $0x3  }
0x36: {  	p1 =	seq.s32 s10, $0x1;
	s10 =	sld [smem:$0x3FB4];
	_ =	sdelay $0x3  }
0x37: {  	[smem:$0x3FB4] =	sst s10  }
0x38: {  	s10 =	sld [smem:$0x3FB5]  }
0x39: {  	_ = 	snop;
	(pc) =	sbr.ind lr, $3  }
0x3a: {  	_ = 	snop  }
0x3b: {  	_ = 	snop  }
0x3c: {  	p2 =	seq.s32 s10, $0x1;
	s10 =	sld [smem:$0x3FB4]  }
0x3d: {  	_ =	shalt  }
0x3e: {  	_ =	shalt  }
0x3f: {  	_ =	shalt  }
0x40: {  	_ =	shalt  }
0x41: {  	_ =	shalt  }
0x42: {  	_ =	shalt  }
0x43: {  	_ =	shalt  }
0x44: {  	_ =	shalt  }
0x45: {  	_ =	shalt  }
0x46: {  	_ =	shalt  }
0x47: {  	_ =	shalt  }
0x48: {  	_ =	shalt  }
0x49: {  	_ =	shalt  }
0x4a: {  	_ =	shalt  }
0x4b: {  	_ =	shalt  }
0x4c: {  	_ =	shalt  }
0x4d: {  	_ =	shalt  }
0x4e: {  	_ =	shalt  }
0x4f: {  	_ =	shalt  }
0x50: {  	_ =	shalt  }
0x51: {  	_ =	shalt  }
0x52: {  	_ =	shalt  }
0x53: {  	_ =	shalt  }
0x54: {  	_ =	shalt  }
0x55: {  	_ =	shalt  }
0x56: {  	_ =	shalt  }
0x57: {  	_ =	shalt  }
0x58: {  	_ =	shalt  }
0x59: {  	_ =	shalt  }
0x5a: {  	_ =	shalt  }
0x5b: {  	_ =	shalt  }
0x5c: {  	_ =	shalt  }
0x5d: {  	_ =	shalt  }
0x5e: {  	_ =	shalt  }
0x5f: {  	_ =	shalt  }
0x60: {  	_ =	shalt  }
0x61: {  	_ =	shalt  }
0x62: {  	_ =	shalt  }
0x63: {  	_ =	shalt  }
0x64: {  	_ =	shalt  }
0x65: {  	_ =	shalt  }
0x66: {  	_ =	shalt  }
0x67: {  	_ =	shalt  }
0x68: {  	_ =	shalt  }
0x69: {  	_ =	shalt  }
0x6a: {  	_ =	shalt  }
0x6b: {  	_ =	shalt  }
0x6c: {  	_ =	shalt  }
0x6d: {  	_ =	shalt  }
0x6e: {  	_ =	shalt  }
0x6f: {  	_ =	shalt  }
0x70: {  	_ =	shalt  }
0x71: {  	_ =	shalt  }
0x72: {  	_ =	shalt  }
0x73: {  	_ =	shalt  }
0x74: {  	_ =	shalt  }
0x75: {  	_ =	shalt  }
0x76: {  	_ =	shalt  }
0x77: {  	_ =	shalt  }
0x78: {  	_ =	shalt  }
0x79: {  	_ =	shalt  }
0x7a: {  	_ =	shalt  }
0x7b: {  	_ =	shalt  }
0x7c: {  	_ =	shalt  }
0x7d: {  	_ =	shalt  }
0x7e: {  	_ =	shalt  }
0x7f: {  	_ =	shalt  }
0x80: {  	_ =	shalt  }
0x81: {  	_ =	shalt  }
0x82: {  	_ =	shalt  }
0x83: {  	_ =	shalt  }
0x84: {  	_ =	shalt  }
0x85: {  	_ =	shalt  }
0x86: {  	_ =	shalt  }
0x87: {  	_ =	shalt  }
.Lfunc_end0:
.L_simem_size_0:
called_computation.3_lowered:
.L_overlay_start_0:
0x88: {  	s2 =	sld [smem:$0x3FD9]  }
0x89: {  	s3 =	sld [smem:$0x3FFE];
	_ =	sdelay $0x1  }
0x8a: {  	s1 =	srdreg.scid  }
0x8b: {  	s0 =	sand.u32 $0x1, s1  }
0x8c: {  	s17 =	sshll.u32 s0, $0xA;
	s2 =	sadd.s32 s3, s2  }
0x8d: {  	s2 =	sadd.s32 s2, s17  }
0x8e: {  	[smem:$0x3FC0] =	sst s2  }
0x8f: {  	_ = 	snop  }
0x90: {  	s2 =	sld [smem:$0x3FD0];
	(tm) =	ssettm $0x1  }
0x91: {  	s18 =	sld [smem:$0x3FFB];
	_ =	sdelay $0x3  }
0x92: {  	_ =	strace s18  }
0x93: {  	s3 =	sld [smem:$0x3FFC];
	_ =	sdelay $0x3  }
0x94: {  	_ =	strace s3  }
0x95: {  	s3 =	sld [smem:$0x3FFD];
	_ =	sdelay $0x3  }
0x96: {  	_ =	strace s3  }
0x97: {  	_ =	strace $0x8FFFFFFF  }
0x98: {  	s19 =	sld [smem:$0x3FDB];
	_ =	sdelay $0x1  }
0x99: {  	s4 =	simm.s32 $_scs_section_size  }
0x9a: {  	s5 =	simm.s32 $_size__tile_overlayer_lowered;
	s6 =	simm.s32 $_tile_overlayer_lowered  }
0x9b: {  	s22 =	simm.s32 $0x1BFF;
	s21 =	sshll.u32 s6, $0x1;
	s3 =	sadd.s32 s4, s19  }
0x9c: {  	s7 =	simm.s32 $0x0;
	s20 =	sshll.u32 s5, $0x1;
	s5 =	sadd.s32 s21, s3  }
0x9d: {  	[timem:s7], [sflag:s22] =	dma.local [hbm:s5], s20  }
0x9e: {  	_ =	swait.ge [sflag:s22], s20  }
0x9f: {  	s4 =	ssub.s32 $0x0, s20;
	[sflag:s22] =	ssyncset.done $0x0  }
0xa0: {  	[sflag:s22] =	ssyncadd.s32 s4;
	_ =	sdelay $0x1  }
0xa1: {  	s23 =	simm.s32 $0x1B8B  }
0xa2: {  	_ =	swait.ge [sflag:s23], $0x1  }
0xa3: {  	[sflag:s23] =	ssyncset.done $0x0  }
0xa4: {  	s25 =	simm.s32 $0x1B8E;
	s24 =	sld [smem:$0x3FFE];
	[sflag:s23] =	ssyncadd.s32 $0xFFFFFFFF  }
0xa5: {  	s26 =	simm.s32 $execute0_lowered;
	[smem:$0x3FD2] =	sst s25  }
0xa6: {  	s5 =	sshll.u32 s26, $0x1;
	_ =	strace $0x8000004F;
	[dreg:$0x1] =	wrdreg $0xFFFFFFFF  }
0xa7: {  	s28 =	simm.s32 $_size_execute0_lowered;
	s3 =	sadd.s32 s3, s5;
	[dreg:$0x0] =	wrdreg $0x0  }
0xa8: {  	s5 =	sshll.u32 s28, $0x1;
	[dreg:$0x2] =	wrdreg s3  }
0xa9: {  	[dreg:$0x3] =	wrdreg s5  }
0xaa: {  	[dreg:$0x4] =	wrdreg $0xC0  }
0xab: {  	_ =	task [dreg:s7], $0x5FFFF  }
0xac: {  	[dreg:$0x1] =	wrdreg $0xFFFFFFFF  }
0xad: {  	[dreg:$0x0] =	wrdreg $0x60  }
0xae: {  	[dreg:$0x2] =	wrdreg s24  }
0xaf: {  	[dreg:$0x3] =	wrdreg s2  }
0xb0: {  	[dreg:$0x4] =	wrdreg $0x9  }
0xb1: {  	_ =	task.clear_ibuf [dreg:s7], $0x5FFFF;
	_ =	strace $0x9000004F  }
0xb2: {  	s29 =	simm.s32 $0x9;
	_ =	strace $0x80000051  }
0xb3: {  	_ =	swait.ge [sflag:s29], $0x1  }
0xb4: {  	[sflag:s29] =	ssyncadd.s32 $0xFFFFFFFF  }
0xb5: {  	_ =	strace $0x90000051  }
0xb6: {  	_ =	sfence  }
0xb7: {  	s30 =	sld [smem:$0x0];
	_ =	sdelay $0x2  }
0xb8: {  	s31 =	sshll.u32 s1, $0xD;
	s1 =	sshrl.u32 s1, $0x2  }
0xb9: {  	s3 =	sand.u32 $0x4000, s31;
	s1 =	sadd.s32 s1, s30  }
0xba: {  	s0 =	sor.u32 s3, s0;
	s1 =	sshll.u32 s1, $0x11  }
0xbb: {  	s0 =	sor.u32 s1, s0  }
0xbc: {  	s0 =	sadd.s32 $0x8F2B, s0  }
0xbd: {  	[sflag:s0] =	ssyncadd.remote.s32 $0x1  }
0xbe: {  	_ =	sfence.sel $0xFFFF  }
0xbf: {  	[dreg:$0x0] =	wrdreg $0xFFFFFFFF;
	(pc) =	sbr.abs _section_cstart, $3  }
0xc0: {  	[dreg:$0x1] =	wrdreg $0xFFFFFFFF  }
0xc1: {  	_ =	task.clear_ibuf [dreg:s7], $0x2FFFF;
	_ =	strace $0x9FFFFFFF  }
0xc2: {  	(tm) =	ssettm $0x7FFFFFFF  }
0xc3: {  	_ =	shalt  }
tec
execute0_lowered:
.L_overlay_start_1:
0x0: {  	(tag) =	ssettag $0x1  }
0x1: {  	s0 =	srdreg.scid;
	s5 =	rddreg [dreg:$0x0]  }
0x2: {  	s2 =	rddreg [dreg:$0x1];
	s3 =	simm.s32 $0x0;
	s10 =	simm.s32 $0x1  }
0x3: {  	s11 =	simm.s32 $0x1260;
	s12 =	simm.s32 $0x24C0;
	s4 =	sand.u32 $0x1, s0  }
0x4: {  	s13 =	simm.s32 $0x3720;
	s0 =	stileid.u32;
	s1 =	sshll.u32 s4, $0x4  }
0x5: {  	vm0 =	vmmov $0x1;
	s14 =	simm.s32 $0x4980;
	s15 =	simm.s32 $0x49C0;
	s6 =	sor.u32 s0, s1  }
0x6: {  	vm1 =	vcmask $0x308;
	vm2 =	vcmask $0x70C;
	vm3 =	vcmask $0xB10;
	s16 =	simm.s32 $0x0;
	[smem:$0x7FF] =	sst s3;
	s7 =	smul.u32 $0x1260, s6  }
0x7: {  	vm4 =	vcmask $0xF14;
	vm5 =	vcmask $0x1318;
	vm6 =	vcmask $0x171C;
	s31 =	ssub.s32 $0x2, s4;
	s1 =	rddreg [dreg:$0x2];
	s6 =	smul.u32 $0xC40, s6  }
0x8: {  	vm7 =	vcmask $0x1B20;
	vm8 =	vcmask $0x1F24;
	v0 =	vimm.s32 $0x52741630;
	_ =	strace $0x80000050;
	s9 =	sshrl.u32 s31, $0x1;
	s7 =	sshrl.u32 s7, $0x3  }
0x9: {  	vm9 =	vcmask $0x2328;
	vm10 =	vcmask $0x272C;
	v0 =	vunpack.c.l.s4.s8 v0;
	s9 =	ssub.s32 s31, s9;
	s8 =	sadd.s32 s6, s5;
	s7 =	sadd.s32 s7, s5  }
0xa: {  	vm11 =	vcmask $0x2B30;
	vm12 =	vcmask $0x2F34;
	vm13 =	vcmask $0x3338;
	s9 =	smax.u32 s9, $0x1;
	s8 =	sadd.s32 $0x1C00, s8;
	s4 =	sadd.s32 $0x69800, s7  }
0xb: {  	vm14 =	vcmask $0x373C;
	vm15 =	vmmov $0x7fff;
	v46 =	vunpack.c.0.s8.s32 v0;
	s5 =	sadd.s32 $0x6E180, s7;
	s6 =	sadd.s32 $0x64E00, s7;
	s7 =	sadd.s32 $0x75C00, s7  }
.LBB2_1:
0xc: {  	[tilespmem:s3], [sflag:$0x1] =	stream.linear.gather [hbm4b:s4+s3], $0x1260, $0x38;
	[tilespmem:$0xABC0] =	vst v63  }
0xd: {  	_ =	swait.ge [sflag:s10], $0x1260  }
0xe: {  	[sflag:s10] =	ssyncset.done $0x0  }
0xf: {  	[sflag:s10] =	ssyncadd.s32 $0xFFFFEDA0  }
0x10: {  	[tilespmem:s11], [sflag:$0x1] =	stream.linear.gather [hbm4b:s5+s3], $0x1260, $0x38;
	[tilespmem:$0xABC0] =	vst v63  }
0x11: {  	_ =	swait.ge [sflag:s10], $0x1260  }
0x12: {  	[sflag:s10] =	ssyncset.done $0x0  }
0x13: {  	[sflag:s10] =	ssyncadd.s32 $0xFFFFEDA0  }
0x14: {  	[tilespmem:s12], [sflag:$0x1] =	stream.linear.gather [hbm4b:s6+s3], $0x1260, $0x38;
	[tilespmem:$0xABC0] =	vst v63  }
0x15: {  	_ =	swait.ge [sflag:s10], $0x1260  }
0x16: {  	[sflag:s10] =	ssyncset.done $0x0  }
0x17: {  	[sflag:s10] =	ssyncadd.s32 $0xFFFFEDA0  }
0x18: {  	[tilespmem:s13], [sflag:$0x1] =	stream.linear.gather [hbm4b:s7+s3], $0x1260, $0x38;
	[tilespmem:$0xABC0] =	vst v63  }
0x19: {  	_ =	swait.ge [sflag:s10], $0x1260  }
0x1a: {  	[sflag:s10] =	ssyncset.done $0x0  }
0x1b: {  	[sflag:s10] =	ssyncadd.s32 $0xFFFFEDA0  }
0x1c: {  	[tilespmem:s14], [sflag:$0x1] =	stream.linear.gather [hbm4b:s2+s3], $0x40, $0x38;
	[tilespmem:$0xABC0] =	vst v63  }
0x1d: {  	_ =	swait.ge [sflag:s10], $0x40  }
0x1e: {  	[sflag:s10] =	ssyncset.done $0x0  }
0x1f: {  	s17 =	simm.s32 $0x0;
	[sflag:s10] =	ssyncadd.s32 $0xFFFFFFC0  }
0x20: {  	v0 =	vld [tilespmem:s17+$0x0]  }
0x21: {  	v1 =	vld [tilespmem:s17+$0x1260];
	_ =	sdelay $0x2  }
0x22: {  	v2 =	vld [tilespmem:s17+$0x24C0];
	_ =	sdelay $0x1  }
0x23: {  	v3 =	vadd.f32 v1, v0;
	v1 =	vld [tilespmem:s17+$0x3720];
	_ =	sdelay $0x1  }
0x24: {  	s18 =	simm.s32 $0x10  }
0x25: {  	s19 =	simm.s32 $0x80;
	v0 =	vld [tilespmem:s18+$0x0];
	v2 =	vadd.f32 v2, v3  }
.LBB2_2:
0x26: {  	p0 =	sne.s32 s19, $0x4940;
	v3 =	vld [tilespmem:s18+$0x1260]  }
0x27: {  	v1 =	vmul.f32 v2, v1  }
0x28: {  	v2 =	vld [tilespmem:s18+$0x24C0]  }
.Ltmp0:
0x29: {  	[tilespmem:s17+$0x3720] =	vst v1;
	s17 =	smov.u32 s18;
	(pc) =	sbr.rel @p0 .LBB2_2-.Ltmp0, $4  }
0x2a: {  	v1 =	vld [tilespmem:s17+$0x3720]  }
0x2b: {  	v3 =	vadd.f32 v3, v0  }
0x2c: {  	s18 =	sshra.s32 s19, $0x2  }
0x2d: {  	s19 =	sadd.s32 $0x40, s19;
	v0 =	vld [tilespmem:s18+$0x0];
	v2 =	vadd.f32 v2, v3  }
0x2e: {  	v3 =	vld [tilespmem:s18+$0x1260]  }
0x2f: {  	v1 =	vmul.f32 v2, v1  }
0x30: {  	v2 =	vld [tilespmem:s18+$0x24C0]  }
0x31: {  	[tilespmem:s17+$0x3720] =	vst v1  }
0x32: {  	v1 =	vld [tilespmem:s18+$0x3720]  }
0x33: {  	v0 =	vadd.f32 v3, v0;
	_ =	sdelay $0x1  }
0x34: {  	v0 =	vadd.f32 v2, v0;
	_ =	sdelay $0x1  }
0x35: {  	v0 =	vmul.f32 v0, v1;
	_ =	sdelay $0x1  }
0x36: {  	[tilespmem:s18+$0x3720] =	vst v0  }
0x37: {  	v3 =	vld [tilespmem:$0x4980]  }
0x38: {  	v2 =	vld [tilespmem:$0x4990]  }
0x39: {  	v1 =	vld [tilespmem:$0x49A0]  }
0x3a: {  	v0 =	vld [tilespmem:$0x49B0];
	_ =	sdelay $0x1  }
0x3b: {  	v4 =	vnsel vm0, $0x0, v3  }
0x3c: {  	(xrf2) =	vadd.scan.msk.f32 $0xffff, v4;
	v4 =	vnsel vm0, $0x0, v2  }
0x3d: {  	(xrf2) =	vadd.scan.msk.f32 $0xffff, v4;
	v4 =	vnsel vm0, $0x0, v1  }
0x3e: {  	(xrf2) =	vadd.scan.msk.f32 $0xffff, v4;
	v4 =	vnsel vm0, $0x0, v0  }
0x3f: {  	(xrf2) =	vadd.scan.msk.f32 $0xffff, v4;
	v4 =	vsel vm1, $0x0, v3  }
0x40: {  	(xrf2) =	vadd.scan.msk.f32 $0xffff, v4;
	v4 =	vsel vm1, $0x0, v2  }
0x41: {  	(xrf2) =	vadd.scan.msk.f32 $0xffff, v4;
	v4 =	vsel vm1, $0x0, v1  }
0x42: {  	(xrf2) =	vadd.scan.msk.f32 $0xffff, v4;
	v4 =	vsel vm1, $0x0, v0  }
0x43: {  	(xrf2) =	vadd.scan.msk.f32 $0xffff, v4;
	v4 =	vsel vm2, $0x0, v3  }
0x44: {  	(xrf2) =	vadd.scan.msk.f32 $0xffff, v4;
	v4 =	vsel vm2, $0x0, v2  }
0x45: {  	(xrf2) =	vadd.scan.msk.f32 $0xffff, v4;
	v4 =	vsel vm2, $0x0, v1  }
0x46: {  	v5, _, _ =	vpop (xrf2);
	(xrf2) =	vadd.scan.msk.f32 $0xffff, v4;
	v4 =	vsel vm2, $0x0, v0  }
0x47: {  	v6, _, _ =	vpop (xrf2);
	(xrf2) =	vadd.scan.msk.f32 $0xffff, v4;
	v4 =	vsel vm3, $0x0, v3  }
0x48: {  	v7, _, _ =	vpop (xrf2);
	(xrf2) =	vadd.scan.msk.f32 $0xffff, v4;
	v4 =	vsel vm3, $0x0, v2  }
0x49: {  	v8, _, _ =	vpop (xrf2);
	(xrf2) =	vadd.scan.msk.f32 $0xffff, v4;
	v4 =	vsel vm3, $0x0, v1  }
0x4a: {  	v9, _, _ =	vpop (xrf2);
	(xrf2) =	vadd.scan.msk.f32 $0xffff, v4;
	v4 =	vsel vm3, $0x0, v0  }
0x4b: {  	v10, _, _ =	vpop (xrf2);
	(xrf2) =	vadd.scan.msk.f32 $0xffff, v4;
	v4 =	vsel vm4, $0x0, v3  }
0x4c: {  	v11, _, _ =	vpop (xrf2);
	(xrf2) =	vadd.scan.msk.f32 $0xffff, v4;
	v4 =	vsel vm4, $0x0, v2  }
0x4d: {  	v12, _, _ =	vpop (xrf2);
	(xrf2) =	vadd.scan.msk.f32 $0xffff, v4;
	v4 =	vsel vm4, $0x0, v1  }
0x4e: {  	v13, _, _ =	vpop (xrf2);
	(xrf2) =	vadd.scan.msk.f32 $0xffff, v4;
	v4 =	vsel vm4, $0x0, v0  }
0x4f: {  	v14, _, _ =	vpop (xrf2);
	(xrf2) =	vadd.scan.msk.f32 $0xffff, v4;
	v4 =	vsel vm5, $0x0, v3  }
0x50: {  	v15, _, _ =	vpop (xrf2);
	(xrf2) =	vadd.scan.msk.f32 $0xffff, v4;
	v4 =	vsel vm5, $0x0, v2  }
0x51: {  	v16, _, _ =	vpop (xrf2);
	(xrf2) =	vadd.scan.msk.f32 $0xffff, v4;
	v4 =	vsel vm5, $0x0, v1  }
0x52: {  	v17, _, _ =	vpop (xrf2);
	(xrf2) =	vadd.scan.msk.f32 $0xffff, v4;
	v4 =	vsel vm5, $0x0, v0  }
0x53: {  	v18, _, _ =	vpop (xrf2);
	(xrf2) =	vadd.scan.msk.f32 $0xffff, v4;
	v4 =	vsel vm6, $0x0, v3  }
0x54: {  	v19, _, _ =	vpop (xrf2);
	(xrf2) =	vadd.scan.msk.f32 $0xffff, v4;
	v4 =	vsel vm6, $0x0, v2  }
0x55: {  	v20, _, _ =	vpop (xrf2);
	(xrf2) =	vadd.scan.msk.f32 $0xffff, v4;
	v4 =	vsel vm6, $0x0, v1  }
0x56: {  	v21, _, _ =	vpop (xrf2);
	(xrf2) =	vadd.scan.msk.f32 $0xffff, v4;
	v4 =	vsel vm6, $0x0, v0  }
0x57: {  	v22, _, _ =	vpop (xrf2);
	(xrf2) =	vadd.scan.msk.f32 $0xffff, v4;
	v4 =	vsel vm7, $0x0, v3  }
0x58: {  	v23, _, _ =	vpop (xrf2);
	(xrf2) =	vadd.scan.msk.f32 $0xffff, v4;
	v4 =	vsel vm7, $0x0, v2  }
0x59: {  	v25, _, _ =	vpop (xrf2);
	(xrf2) =	vadd.scan.msk.f32 $0xffff, v4;
	v4 =	vsel vm7, $0x0, v1  }
0x5a: {  	v26, _, _ =	vpop (xrf2);
	(xrf2) =	vadd.scan.msk.f32 $0xffff, v4;
	v4 =	vsel vm7, $0x0, v0  }
0x5b: {  	v27, _, _ =	vpop (xrf2);
	(xrf2) =	vadd.scan.msk.f32 $0xffff, v4;
	v4 =	vsel vm8, $0x0, v3  }
0x5c: {  	v55, _, _ =	vpop (xrf2);
	(xrf2) =	vadd.scan.msk.f32 $0xffff, v4;
	v4 =	vsel vm8, $0x0, v2  }
0x5d: {  	v50, _, _ =	vpop (xrf2);
	(xrf2) =	vadd.scan.msk.f32 $0xffff, v4;
	v4 =	vsel vm8, $0x0, v1  }
0x5e: {  	v30, _, _ =	vpop (xrf2);
	(xrf2) =	vadd.scan.msk.f32 $0xffff, v4;
	v4 =	vsel vm8, $0x0, v0  }
0x5f: {  	v31, _, _ =	vpop (xrf2);
	(xrf2) =	vadd.scan.msk.f32 $0xffff, v4;
	v4 =	vsel vm9, $0x0, v3  }
0x60: {  	v32, _, _ =	vpop (xrf2);
	(xrf2) =	vadd.scan.msk.f32 $0xffff, v4;
	v4 =	vsel vm9, $0x0, v2  }
0x61: {  	v33, _, _ =	vpop (xrf2);
	(xrf2) =	vadd.scan.msk.f32 $0xffff, v4;
	v4 =	vsel vm9, $0x0, v1  }
0x62: {  	v34, _, _ =	vpop (xrf2);
	(xrf2) =	vadd.scan.msk.f32 $0xffff, v4;
	v4 =	vsel vm9, $0x0, v0  }
0x63: {  	v35, _, _ =	vpop (xrf2);
	(xrf2) =	vadd.scan.msk.f32 $0xffff, v4;
	v4 =	vsel vm10, $0x0, v3  }
0x64: {  	v63 =	vlaneseq.u32;
	v36, _, _ =	vpop (xrf2);
	(xrf2) =	vadd.scan.msk.f32 $0xffff, v4;
	v4 =	vsel vm10, $0x0, v2  }
0x65: {  	v24 =	vmul.u32 $0x3, v63;
	v43 =	vbroadcast v5, $0xF;
	v37, _, _ =	vpop (xrf2);
	(xrf2) =	vadd.scan.msk.f32 $0xffff, v4;
	v4 =	vsel vm10, $0x0, v1  }
0x66: {  	v44 =	vbroadcast v6, $0xF;
	v59 =	vbroadcast v7, $0xF;
	v38, _, _ =	vpop (xrf2);
	(xrf2) =	vadd.scan.msk.f32 $0xffff, v4;
	v4 =	vsel vm10, $0x0, v0  }
0x67: {  	v49 =	vbroadcast v8, $0xF;
	v7 =	vbroadcast v9, $0xF;
	v39, _, _ =	vpop (xrf2);
	(xrf2) =	vadd.scan.msk.f32 $0xffff, v4;
	v4 =	vsel vm11, $0x0, v3  }
0x68: {  	v52 =	vbroadcast v10, $0xF;
	v9 =	vbroadcast v12, $0xF;
	v40, _, _ =	vpop (xrf2);
	(xrf2) =	vadd.scan.msk.f32 $0xffff, v4;
	v4 =	vsel vm11, $0x0, v2  }
0x69: {  	[tilespmem:$0x1FFE0] =	vst v7;
	v61 =	vbroadcast v11, $0xF;
	v41, _, _ =	vpop (xrf2);
	(xrf2) =	vadd.scan.msk.f32 $0xffff, v4;
	v4 =	vsel vm11, $0x0, v1  }
0x6a: {  	[tilespmem:$0x1FCF0] =	vst v9;
	v9 =	vbroadcast v16, $0xF;
	v5, _, _ =	vpop (xrf2);
	(xrf2) =	vadd.scan.msk.f32 $0xffff, v4;
	v4 =	vsel vm11, $0x0, v0  }
0x6b: {  	v51 =	vbroadcast v13, $0xF;
	v53 =	vbroadcast v14, $0xF;
	v6, _, _ =	vpop (xrf2);
	(xrf2) =	vadd.scan.msk.f32 $0xffff, v4;
	v4 =	vsel vm12, $0x0, v3  }
0x6c: {  	[tilespmem:$0x1FD00] =	vst v9;
	v9 =	vbroadcast v20, $0xF;
	v7, _, _ =	vpop (xrf2);
	(xrf2) =	vadd.scan.msk.f32 $0xffff, v4;
	v4 =	vsel vm12, $0x0, v2  }
0x6d: {  	v54 =	vbroadcast v15, $0xF;
	v29 =	vbroadcast v17, $0xF;
	v8, _, _ =	vpop (xrf2);
	(xrf2) =	vadd.scan.msk.f32 $0xffff, v4;
	v4 =	vsel vm12, $0x0, v1  }
0x6e: {  	[tilespmem:$0x1FD10] =	vst v9;
	v9 =	vbroadcast v21, $0xF;
	v10, _, _ =	vpop (xrf2);
	(xrf2) =	vadd.scan.msk.f32 $0xffff, v4;
	v4 =	vsel vm12, $0x0, v0  }
0x6f: {  	v28 =	vbroadcast v18, $0xF;
	v42 =	vbroadcast v19, $0xF;
	v11, _, _ =	vpop (xrf2);
	(xrf2) =	vadd.scan.msk.f32 $0xffff, v4;
	v4 =	vsel vm13, $0x0, v3  }
0x70: {  	[tilespmem:$0x1FFF0] =	vst v9;
	v9 =	vbroadcast v25, $0xF;
	v12, _, _ =	vpop (xrf2);
	(xrf2) =	vadd.scan.msk.f32 $0xffff, v4;
	v4 =	vsel vm13, $0x0, v2  }
0x71: {  	v60 =	vbroadcast v22, $0xF;
	v56 =	vbroadcast v23, $0xF;
	v13, _, _ =	vpop (xrf2);
	(xrf2) =	vadd.scan.msk.f32 $0xffff, v4;
	v4 =	vsel vm13, $0x0, v1  }
0x72: {  	s30 =	simm.s32 $0x1;
	v57 =	vbroadcast v26, $0xF;
	[tilespmem:$0x1FD20] =	vst v9;
	v14, _, _ =	vpop (xrf2);
	(xrf2) =	vadd.scan.msk.f32 $0xffff, v4;
	v4 =	vsel vm13, $0x0, v0  }
0x73: {  	v27 =	vbroadcast v27, $0xF;
	v9 =	vadd.s32 s30, v24;
	v15, _, _ =	vpop (xrf2);
	(xrf2) =	vadd.scan.msk.f32 $0xffff, v4;
	v4 =	vsel vm14, $0x0, v3  }
0x74: {  	v55 =	vbroadcast v55, $0xF;
	v50 =	vbroadcast v50, $0xF;
	v16, _, _ =	vpop (xrf2);
	(xrf2) =	vadd.scan.msk.f32 $0xffff, v4;
	v4 =	vsel vm14, $0x0, v2  }
0x75: {  	s29 =	simm.s32 $0x0;
	[tilespmem:$0x1FD80] =	vst v43;
	v58 =	vbroadcast v30, $0xF;
	v31 =	vbroadcast v31, $0xF;
	v17, _, _ =	vpop (xrf2);
	(xrf2) =	vadd.scan.msk.f32 $0xffff, v4  }
0x76: {  	[tilespmem:$0x1FD70] =	vst v44;
	v32 =	vbroadcast v32, $0xF;
	v22 =	vbroadcast v33, $0xF;
	v4 =	vadd.s32 s29, v24;
	v18, _, _ =	vpop (xrf2)  }
0x77: {  	[tilespmem:$0x1FE10] =	vst v59;
	v33 =	vbroadcast v34, $0xF;
	v23 =	vbroadcast v37, $0xF;
	v4 =	vand.u32 $0x3FF8, v4;
	v19, _, _ =	vpop (xrf2)  }
0x78: {  	[tilespmem:$0x1FF90] =	vst v49;
	v34 =	vbroadcast v35, $0xF;
	v35 =	vbroadcast v36, $0xF;
	v4 =	vor.u32 v46, v4;
	v20, _, _ =	vpop (xrf2)  }
0x79: {  	[tilespmem:$0x1FE80] =	vst v51;
	v26 =	vld.idx.msk [tilespmem:v9+s13+$0x0], $0xffff;
	v38 =	vbroadcast v38, $0xF;
	v36 =	vbroadcast v39, $0xF;
	v21, _, _ =	vpop (xrf2)  }
0x7a: {  	[tilespmem:$0x1FD30] =	vst v22;
	v30 =	vbroadcast v40, $0xF;
	v37 =	vbroadcast v5, $0xF;
	v22, _, _ =	vpop (xrf2)  }
0x7b: {  	[tilespmem:$0x1FD40] =	vst v23;
	v39 =	vbroadcast v6, $0xF;
	v6 =	vbroadcast v8, $0xF;
	v23, _, _ =	vpop (xrf2)  }
0x7c: {  	[tilespmem:$0x1FE90] =	vst v53;
	v48 =	vbroadcast v7, $0xF;
	v40 =	vbroadcast v10, $0xF;
	v25, _, _ =	vpop (xrf2)  }
0x7d: {  	[tilespmem:$0x1FEF0] =	vst v54;
	v47 =	vbroadcast v14, $0xF;
	v9 =	vld.idx.msk [tilespmem:v4+s13+$0x0], $0xffff;
	v4 =	vbroadcast v41, $0xF;
	v41, _, _ =	vpop (xrf2)  }
0x7e: {  	[tilespmem:$0x1FD60] =	vst v6;
	v45 =	vbroadcast v20, $0xF;
	v20 =	vmul.f32 v26, v36;
	v5, _, _ =	vpop (xrf2)  }
0x7f: {  	[tilespmem:$0x1FD50] =	vst v4;
	v4 =	vbroadcast v15, $0xF;
	v15 =	vbroadcast v19, $0xF;
	v6, _, _ =	vpop (xrf2)  }
0x80: {  	s17 =	simm.s32 $0x2;
	[tilespmem:$0x1FF00] =	vst v29;
	v10 =	vbroadcast v5, $0xF;
	v8 =	vbroadcast v6, $0xF  }
0x81: {  	[tilespmem:$0x1FF10] =	vst v28;
	v5 =	vadd.s32 s17, v24;
	v6 =	vmul.f32 v26, v44;
	v44 =	vbroadcast v12, $0xF  }
0x82: {  	[tilespmem:$0x1FFB0] =	vst v15;
	v15 =	vmul.f32 v26, v15;
	v7 =	vmul.f32 v9, v43  }
0x83: {  	[tilespmem:$0x1FDA0] =	vst v10;
	v10 =	vmul.f32 v9, v10;
	v43 =	vbroadcast v11, $0xF  }
0x84: {  	[tilespmem:$0x1FD90] =	vst v8;
	v8 =	vmul.f32 v26, v8;
	v6 =	vadd.f32 v6, v7;
	v7 =	vbroadcast v13, $0xF  }
0x85: {  	[tilespmem:$0x1FDF0] =	vst v57;
	v11 =	vmul.f32 v26, v28;
	v13 =	vbroadcast v22, $0xF  }
0x86: {  	v62 =	vadd.f32 v8, v10;
	v8 =	vld.idx.msk [tilespmem:v5+s13+$0x0], $0xffff;
	v5 =	vsel vm14, $0x0, v1;
	[tilespmem:$0x1FDB0] =	vst v7;
	v7 =	vbroadcast v16, $0xF  }
0x87: {  	[tilespmem:$0x1FE50] =	vst v37;
	(xrf2) =	vadd.scan.msk.f32 $0xffff, v5;
	v5 =	vbroadcast v17, $0xF;
	v17 =	vbroadcast v18, $0xF  }
0x88: {  	v10 =	vmul.f32 v9, v51;
	v18 =	vbroadcast v23, $0xF;
	[tilespmem:$0x1FDC0] =	vst v7  }
0x89: {  	[tilespmem:$0x1FDD0] =	vst v5;
	v5 =	vsel vm14, $0x0, v0;
	v7 =	vmul.f32 v26, v31;
	v51 =	vmovc v17;
	v17 =	vmul.f32 v9, v17  }
0x8a: {  	v3 =	vsel vm15, $0x0, v3;
	(xrf2) =	vadd.scan.msk.f32 $0xffff, v5;
	v5 =	vmul.f32 v9, v37;
	v37 =	vmul.f32 v26, v60  }
0x8b: {  	v2 =	vsel vm15, $0x0, v2;
	(xrf2) =	vadd.scan.msk.f32 $0xffff, v3;
	v3 =	vbroadcast v21, $0xF;
	v28 =	vmul.f32 v8, v61  }
0x8c: {  	[tilespmem:$0x1FE00] =	vst v27;
	v22 =	vmul.f32 v8, v45;
	(xrf2) =	vadd.scan.msk.f32 $0xffff, v2;
	v2 =	vmul.f32 v9, v57  }
0x8d: {  	v1 =	vsel vm15, $0x0, v1;
	v57 =	vmovc v30;
	v30 =	vmul.f32 v8, v30;
	[tilespmem:$0x1FDE0] =	vst v3;
	v3 =	vmul.f32 v26, v27  }
0x8e: {  	v0 =	vsel vm15, $0x0, v0;
	(xrf2) =	vadd.scan.msk.f32 $0xffff, v1;
	v1 =	vmul.f32 v8, v59;
	v27 =	vmul.f32 v8, v56  }
0x8f: {  	v59 =	vmovc v45;
	v45 =	vmul.f32 v9, v47;
	(xrf2) =	vadd.scan.msk.f32 $0xffff, v0;
	v0 =	vadd.f32 v3, v2;
	v2 =	vbroadcast v25, $0xF  }
0x90: {  	[tilespmem:$0x1FE70] =	vst v34;
	v3 =	vadd.f32 v1, v6;
	v1 =	vmul.f32 v26, v39;
	v6 =	vmul.f32 v26, v34  }
0x91: {  	v34 =	vmul.f32 v26, v43;
	[tilespmem:$0x1FE20] =	vst v2;
	v2 =	vmul.f32 v8, v55  }
0x92: {  	[tilespmem:$0x1FEB0] =	vst v31;
	v14 =	vadd.f32 v1, v5;
	v5 =	vmul.f32 v26, v53;
	v1 =	vbroadcast v41, $0xF  }
0x93: {  	[tilespmem:$0x1FFD0] =	vst v43;
	v43 =	vmul.f32 v26, v52;
	v0 =	vadd.f32 v2, v0;
	v2 =	vmul.f32 v9, v33  }
0x94: {  	[tilespmem:$0x1FE60] =	vst v33;
	v12 =	vadd.f32 v5, v10;
	v5 =	vmul.f32 v8, v35;
	v10 =	vmul.f32 v8, v54  }
0x95: {  	[tilespmem:$0x1FFC0] =	vst v4;
	v33 =	vmul.f32 v26, v4;
	v4 =	vmov v36;
	v36 =	vmul.f32 v8, v42  }
0x96: {  	[tilespmem:$0x1FEC0] =	vst v1;
	v2 =	vadd.f32 v6, v2;
	v6 =	vmul.f32 v9, v58;
	v1, _, _ =	vpop (xrf2);
	v31 =	vadd.f32 v10, v12  }
0x97: {  	[tilespmem:$0x1FE30] =	vst v55;
	v12 =	vmul.f32 v9, v13;
	v19 =	vadd.f32 v0, v50;
	v1 =	vbroadcast v1, $0xF  }
0x98: {  	[tilespmem:$0x1FEA0] =	vst v58;
	v6 =	vadd.f32 v7, v6;
	v7, _, _ =	vpop (xrf2);
	v16 =	vadd.f32 v5, v2;
	v5 =	vmul.f32 v9, v29  }
0x99: {  	v55 =	vmovc v50;
	v50 =	vmovc v56;
	v58 =	vmov v40;
	v40 =	vmul.f32 v9, v40;
	v0 =	vld [tilespmem:$0x1FFE0];
	[tilespmem:$0x1FEE0] =	vst v1;
	v1 =	vbroadcast v7, $0xF  }
0x9a: {  	[tilespmem:$0x1FF30] =	vst v32;
	v56 =	vmov v38;
	v29 =	vmul.f32 v9, v38;
	v38 =	vmul.f32 v8, v44;
	v2, _, _ =	vpop (xrf2)  }
0x9b: {  	v21 =	vadd.f32 v3, v49;
	v7 =	vmul.f32 v8, v32;
	[tilespmem:$0x1FF20] =	vst v1;
	v10, _, _ =	vpop (xrf2);
	v1 =	vbroadcast v2, $0xF  }
0x9c: {  	[tilespmem:$0x1FE40] =	vst v39;
	v32 =	vmul.f32 v8, v48;
	v39 =	vadd.f32 v11, v5;
	v11 =	vmul.f32 v26, v18;
	v5, _, _ =	vpop (xrf2)  }
0x9d: {  	v41 =	vadd.f32 v7, v6;
	v7 =	vmul.u32 $0x10, v63;
	v63 =	vmovc v60;
	v60 =	vmovc v42;
	[tilespmem:$0x1FF60] =	vst v1;
	v1 =	vbroadcast v5, $0xF  }
0x9e: {  	s31 =	simm.s32 $0x8;
	[tilespmem:$0x1FED0] =	vst v35;
	v42 =	vmul.f32 v9, v0;
	v6 =	vbroadcast v10, $0xF;
	v25 =	vadd.f32 v11, v12;
	v10 =	vld [tilespmem:$0x1FFF0];
	v2, _, _ =	vpop (xrf2)  }
0x9f: {  	v12 =	vor.u32 s31, v7;
	v5 =	vor.u32 $0x2, v7;
	[tilespmem:$0x1FF70] =	vst v1;
	v1 =	vbroadcast v2, $0xF  }
0xa0: {  	s20 =	simm.s32 $0x0;
	[tilespmem:$0x1FF50] =	vst v13;
	v53 =	vmovc v52;
	v52 =	vmovc v0;
	v3 =	vor.u32 $0x3, v7;
	v0 =	vor.u32 $0x7, v7;
	v11 =	vor.u32 $0x1, v7  }
0xa1: {  	[tilespmem:$0x1FF40] =	vst v18;
	v13 =	vmul.f32 v26, v6;
	v18 =	vor.u32 s20, v3;
	v26 =	vor.u32 s20, v7  }
0xa2: {  	v54 =	vmovc v61;
	[tilespmem:$0x1FFA0] =	vst v6;
	v23 =	vor.u32 s20, v5;
	v35 =	vor.u32 s20, v11;
	v2 =	vor.u32 $0x4, v7  }
0xa3: {  	s19 =	simm.s32 $0x10F;
	s18 =	simm.s32 $0xF;
	v6 =	vmovc v48;
	[tilespmem:$0x1FF80] =	vst v1;
	v61 =	vmovc v10;
	v1 =	vmov v44;
	v44 =	vmul.f32 v9, v10;
	v10 =	vmov v47  }
.LBB2_4:
0xa4: {  	v48 =	vld [tilespmem:$0x1FD30];
	_ =	sdelay $0x4  }
0xa5: {  	v36 =	vadd.f32 v36, v39;
	v39 =	vadd.f32 v41, v48;
	v48 =	vld [tilespmem:$0x1FF60];
	_ =	sdelay $0x4  }
0xa6: {  	v9 =	vmul.f32 v9, v48  }
0xa7: {  	v49 =	vld [tilespmem:$0x1FEE0]  }
0xa8: {  	v9 =	vadd.f32 v13, v9;
	v13 =	vld [tilespmem:$0x1FCF0]  }
0xa9: {  	v47 =	vld [tilespmem:$0x1FDC0];
	v42 =	vadd.f32 v43, v42  }
0xaa: {  	v37 =	vadd.f32 v37, v44;
	v44 =	vld [tilespmem:$0x1FF70]  }
0xab: {  	v33 =	vadd.f32 v33, v45;
	v45 =	vld [tilespmem:$0x1FE20];
	v28 =	vadd.f32 v28, v42;
	_ =	sdelay $0x1  }
0xac: {  	[tilespmem:v26+s15+$0x0] =	vst.idx.msk $0xffff, v21;
	v21 =	vld [tilespmem:$0x1FD00];
	v13 =	vadd.f32 v28, v13  }
0xad: {  	v41 =	vmul.f32 v8, v49;
	v49 =	vld [tilespmem:$0x1FD10]  }
0xae: {  	v43 =	vmul.f32 v8, v47;
	[tilespmem:v35+s15+$0x0] =	vst.idx.msk $0xffff, v13;
	v13 =	vld [tilespmem:$0x1FD20]  }
0xaf: {  	v34 =	vadd.f32 v34, v40;
	v40 =	vmul.f32 v8, v44;
	v8 =	vmul.f32 v8, v45  }
0xb0: {  	v27 =	vadd.f32 v27, v37;
	v47 =	vor.u32 s20, v2;
	v44 =	vor.u32 $0x5, v7  }
0xb1: {  	v21 =	vadd.f32 v31, v21;
	v8 =	vadd.f32 v8, v25;
	v25 =	vor.u32 s20, v44  }
0xb2: {  	v36 =	vadd.f32 v36, v49  }
0xb3: {  	[tilespmem:v23+s15+$0x0] =	vst.idx.msk $0xffff, v21;
	v13 =	vadd.f32 v27, v13  }
0xb4: {  	[tilespmem:v18+s15+$0x0] =	vst.idx.msk $0xffff, v36  }
0xb5: {  	[tilespmem:v47+s15+$0x0] =	vst.idx.msk $0xffff, v13  }
0xb6: {  	[tilespmem:v25+s15+$0x0] =	vst.idx.msk $0xffff, v19;
	v19 =	vld [tilespmem:$0x1FD50]  }
0xb7: {  	v20 =	vadd.f32 v20, v29;
	_ =	sdelay $0x1  }
0xb8: {  	v15 =	vadd.f32 v15, v17;
	v17 =	vld [tilespmem:$0x1FD40];
	v28 =	vor.u32 $0x6, v7;
	v13 =	vadd.f32 v30, v20  }
0xb9: {  	v27 =	vor.u32 s20, v28  }
0xba: {  	v26 =	vor.u32 s20, v0;
	v13 =	vadd.f32 v13, v19;
	v19 =	vld [tilespmem:$0x1FD60]  }
0xbb: {  	s24 =	sadd.s32 $0xFFFFFFFA, s18;
	v49 =	vld [tilespmem:$0x1FDB0]  }
0xbc: {  	s25 =	sadd.s32 $0xFFFFFFFB, s18;
	v21 =	vor.u32 s24, v11  }
0xbd: {  	v14 =	vadd.f32 v32, v14;
	v16 =	vadd.f32 v16, v17;
	v18 =	vor.u32 s25, v5  }
0xbe: {  	v34 =	vadd.f32 v38, v34;
	[tilespmem:v27+s15+$0x0] =	vst.idx.msk $0xffff, v39  }
0xbf: {  	v17 =	vld [tilespmem:$0x1FF20];
	[tilespmem:v26+s15+$0x0] =	vst.idx.msk $0xffff, v16;
	v14 =	vadd.f32 v14, v19  }
0xc0: {  	v48 =	vld [tilespmem:$0x1FDD0];
	v34 =	vadd.f32 v34, v49;
	[tilespmem:v12+s15+$0x0] =	vst.idx.msk $0xffff, v13  }
0xc1: {  	v13 =	vld [tilespmem:$0x1FF80];
	[tilespmem:v21+s15+$0x0] =	vst.idx.msk $0xffff, v14  }
0xc2: {  	s26 =	sadd.s32 $0xFFFFFFFC, s18;
	[tilespmem:v18+s15+$0x0] =	vst.idx.msk $0xffff, v34;
	v18 =	vld [tilespmem:$0x1FDE0]  }
0xc3: {  	s28 =	sadd.s32 $0xFFFFFFFD, s18;
	v31 =	vld [tilespmem:$0x1FEC0];
	v33 =	vadd.f32 v43, v33;
	v19 =	vor.u32 s26, v3  }
0xc4: {  	s22 =	sadd.s32 $0xFFFFFFFE, s18;
	v9 =	vadd.f32 v40, v9;
	v23 =	vadd.f32 v41, v62;
	v16 =	vor.u32 s28, v2  }
0xc5: {  	s17 =	sadd.s32 $0x30, s17;
	s23 =	sadd.s32 $0xFFFFFFFF, s18;
	v33 =	vadd.f32 v33, v48;
	v20 =	vor.u32 s22, v44;
	v12 =	vadd.f32 v22, v15  }
0xc6: {  	s29 =	sadd.s32 $0xFFFFFFFE, s17;
	v17 =	vadd.f32 v23, v17;
	v23 =	vor.u32 s23, v28;
	v9 =	vadd.f32 v9, v13  }
0xc7: {  	s30 =	sadd.s32 $0xFFFFFFFF, s17;
	v13 =	vor.u32 s18, v0;
	v14 =	vadd.s32 s29, v24;
	v12 =	vadd.f32 v12, v18  }
0xc8: {  	v8 =	vadd.f32 v8, v31;
	v15 =	vadd.s32 s30, v24;
	v14 =	vand.u32 $0x3FF8, v14;
	[tilespmem:v19+s15+$0x0] =	vst.idx.msk $0xffff, v33  }
0xc9: {  	v14 =	vor.u32 v46, v14;
	[tilespmem:v16+s15+$0x0] =	vst.idx.msk $0xffff, v12  }
0xca: {  	[tilespmem:v20+s15+$0x0] =	vst.idx.msk $0xffff, v8  }
0xcb: {  	[tilespmem:v23+s15+$0x0] =	vst.idx.msk $0xffff, v17  }
0xcc: {  	v12 =	vld [tilespmem:$0x1FD70];
	[tilespmem:v13+s15+$0x0] =	vst.idx.msk $0xffff, v9  }
0xcd: {  	v25 =	vld.idx.msk [tilespmem:v15+s13+$0x0], $0xffff  }
0xce: {  	v9 =	vld.idx.msk [tilespmem:v14+s13+$0x0], $0xffff  }
0xcf: {  	v14 =	vld [tilespmem:$0x1FD80];
	_ =	sdelay $0x4  }
0xd0: {  	v12 =	vmul.f32 v25, v12;
	v14 =	vmul.f32 v9, v14;
	_ =	sdelay $0x1  }
0xd1: {  	v14 =	vadd.f32 v12, v14;
	v12 =	vld [tilespmem:$0x1FF00];
	_ =	sdelay $0x3  }
0xd2: {  	v8 =	vadd.s32 s17, v24;
	v17 =	vld [tilespmem:$0x1FDA0]  }
0xd3: {  	v22 =	vmul.f32 v9, v12;
	v12 =	vld [tilespmem:$0x1FF40]  }
0xd4: {  	v15 =	vld [tilespmem:$0x1FD90];
	_ =	sdelay $0x2  }
0xd5: {  	v8 =	vld.idx.msk [tilespmem:v8+s13+$0x0], $0xffff  }
0xd6: {  	v49 =	vmul.f32 v25, v12;
	v12 =	vld [tilespmem:$0x1FE10]  }
0xd7: {  	v15 =	vmul.f32 v25, v15;
	v17 =	vmul.f32 v9, v17;
	_ =	sdelay $0x1  }
0xd8: {  	v62 =	vadd.f32 v15, v17;
	v17 =	vld [tilespmem:$0x1FFC0]  }
0xd9: {  	v20 =	vld [tilespmem:$0x1FF90]  }
0xda: {  	v19 =	vmul.f32 v8, v12;
	_ =	sdelay $0x1  }
0xdb: {  	v14 =	vadd.f32 v19, v14  }
0xdc: {  	v33 =	vmul.f32 v25, v17;
	v17 =	vld [tilespmem:$0x1FDF0]  }
0xdd: {  	v21 =	vadd.f32 v14, v20;
	v14 =	vld [tilespmem:$0x1FE00]  }
0xde: {  	v29 =	vld [tilespmem:$0x1FE60];
	_ =	sdelay $0x3  }
0xdf: {  	v19 =	vmul.f32 v9, v17;
	v14 =	vmul.f32 v25, v14  }
0xe0: {  	v30 =	vmul.f32 v9, v29;
	v29 =	vld [tilespmem:$0x1FE40]  }
0xe1: {  	v14 =	vadd.f32 v14, v19;
	v19 =	vld [tilespmem:$0x1FE30];
	_ =	sdelay $0x4  }
0xe2: {  	v45 =	vmul.f32 v25, v29;
	v29 =	vld [tilespmem:$0x1FED0];
	v19 =	vmul.f32 v8, v19;
	_ =	sdelay $0x1  }
0xe3: {  	v19 =	vadd.f32 v19, v14;
	v14 =	vld [tilespmem:$0x1FF30];
	_ =	sdelay $0x2  }
0xe4: {  	v39 =	vmul.f32 v8, v29;
	v29 =	vld [tilespmem:$0x1FE50];
	_ =	sdelay $0x1  }
0xe5: {  	v41 =	vmul.f32 v8, v14;
	v14 =	vld [tilespmem:$0x1FE70];
	_ =	sdelay $0x1  }
0xe6: {  	v44 =	vld [tilespmem:$0x1FE90]  }
0xe7: {  	v16 =	vld [tilespmem:$0x1FE80];
	v47 =	vmul.f32 v9, v29  }
0xe8: {  	v13 =	vld [tilespmem:$0x1FFA0]  }
0xe9: {  	v48 =	vmul.f32 v25, v14;
	v14 =	vadd.f32 v45, v47;
	v47 =	vld [tilespmem:$0x1FF10];
	_ =	sdelay $0x1  }
0xea: {  	v20 =	vld [tilespmem:$0x1FFD0]  }
0xeb: {  	v16 =	vmul.f32 v9, v16;
	v32 =	vmul.f32 v25, v44;
	v45 =	vld [tilespmem:$0x1FEB0]  }
0xec: {  	s21 =	smov.u32 s19  }
0xed: {  	s18 =	smov.u32 s21;
	v13 =	vmul.f32 v25, v13;
	v44 =	vmul.f32 v25, v47;
	v47 =	vadd.f32 v32, v16;
	v16 =	vld [tilespmem:$0x1FEF0]  }
0xee: {  	s20 =	sadd.s32 $0xFFFFFFF1, s18;
	v37 =	vmul.f32 v25, v63;
	v40 =	vmul.f32 v9, v58;
	v15 =	vld [tilespmem:$0x1FFB0]  }
0xef: {  	v26 =	vor.u32 s20, v7;
	v42 =	vmul.f32 v9, v52;
	v34 =	vmul.f32 v25, v20;
	v20 =	vld [tilespmem:$0x1FEA0]  }
0xf0: {  	v28 =	vmul.f32 v8, v54;
	v43 =	vmul.f32 v25, v45;
	v45 =	vadd.f32 v48, v30  }
0xf1: {  	v35 =	vor.u32 s20, v11;
	v36 =	vmul.f32 v8, v60;
	v27 =	vmul.f32 v8, v50  }
0xf2: {  	v48 =	vmul.f32 v8, v16;
	v16 =	vadd.f32 v39, v45;
	v39 =	vadd.f32 v44, v22;
	v22 =	vld [tilespmem:$0x1FF50]  }
0xf3: {  	v18 =	vor.u32 s20, v3;
	v38 =	vmul.f32 v8, v1;
	v15 =	vmul.f32 v25, v15  }
0xf4: {  	p0 =	sne.s32 s19, $0x610F;
	s31 =	sadd.s32 $0xFFFFFFF9, s18;
	v23 =	vor.u32 s20, v5;
	v29 =	vmul.f32 v9, v56;
	v31 =	vmul.f32 v9, v20  }
.Ltmp1:
0xf5: {  	v12 =	vor.u32 s31, v7;
	v17 =	vmul.f32 v9, v51;
	v20 =	vmul.f32 v25, v4;
	(pc) =	sbr.rel @p0 .LBB2_4-.Ltmp1, $4  }
0xf6: {  	v19 =	vadd.f32 v19, v55;
	v30 =	vmul.f32 v8, v57;
	v43 =	vadd.f32 v43, v31  }
0xf7: {  	v32 =	vmul.f32 v8, v6;
	v31 =	vadd.f32 v48, v47;
	v48 =	vmul.f32 v9, v22  }
0xf8: {  	v41 =	vadd.f32 v41, v43;
	v43 =	vmul.f32 v25, v53;
	v44 =	vmul.f32 v9, v61  }
0xf9: {  	s19 =	sadd.s32 $0x100, s19;
	v45 =	vmul.f32 v9, v10;
	v22 =	vmul.f32 v8, v59;
	v25 =	vadd.f32 v49, v48  }
0xfa: {  	v1 =	vld [tilespmem:$0x1FD30]  }
0xfb: {  	v52 =	vld [tilespmem:$0x1FEE0]  }
0xfc: {  	v53 =	vld [tilespmem:$0x1FDC0]  }
0xfd: {  	v56 =	vld [tilespmem:$0x1FF60]  }
0xfe: {  	v37 =	vadd.f32 v37, v44;
	v58 =	vld [tilespmem:$0x1FCF0]  }
0xff: {  	v10 =	vadd.f32 v36, v39;
	v24 =	vadd.f32 v43, v42;
	v61 =	vld [tilespmem:$0x1FD00]  }
0x100: {  	v55 =	vadd.f32 v34, v40;
	v57 =	vor.u32 s20, v2;
	v27 =	vadd.f32 v27, v37;
	v37 =	vld [tilespmem:$0x1FD10]  }
0x101: {  	v59 =	vor.u32 $0x6, v7;
	v42 =	vld [tilespmem:$0x1FD20];
	v20 =	vadd.f32 v20, v29;
	v24 =	vadd.f32 v28, v24  }
0x102: {  	v60 =	vor.u32 $0x5, v7;
	v43 =	vld [tilespmem:$0x1FF70];
	v50 =	vadd.f32 v32, v14;
	v15 =	vadd.f32 v15, v17  }
0x103: {  	[tilespmem:v26+s15+$0x0] =	vst.idx.msk $0xffff, v21;
	v51 =	vld [tilespmem:$0x1FD40];
	v33 =	vadd.f32 v33, v45;
	v63 =	vor.u32 s20, v60;
	v24 =	vadd.f32 v24, v58  }
0x104: {  	v45 =	vld [tilespmem:$0x1FE20];
	v36 =	vadd.f32 v41, v1;
	v54 =	vmul.f32 v8, v53;
	v21 =	vadd.f32 v31, v61  }
0x105: {  	v40 =	vor.u32 s20, v59;
	v4 =	vmul.f32 v8, v52;
	v52 =	vld [tilespmem:$0x1FD50];
	v10 =	vadd.f32 v10, v37;
	[tilespmem:v35+s15+$0x0] =	vst.idx.msk $0xffff, v24  }
0x106: {  	s17 =	sadd.s32 $0xFFFFFFFA, s18;
	v41 =	vor.u32 s20, v0;
	v27 =	vadd.f32 v27, v42;
	v39 =	vadd.f32 v54, v33;
	v54 =	vld [tilespmem:$0x1FD60];
	[tilespmem:v23+s15+$0x0] =	vst.idx.msk $0xffff, v21  }
0x107: {  	s28 =	sadd.s32 $0xFFFFFFFB, s18;
	v48 =	vor.u32 s17, v11;
	v44 =	vadd.f32 v38, v55;
	v6 =	vmul.f32 v9, v56;
	v56 =	vld [tilespmem:$0x1FDB0];
	[tilespmem:v18+s15+$0x0] =	vst.idx.msk $0xffff, v10  }
0x108: {  	s19 =	sadd.s32 $0xFFFFFFFE, s18;
	v5 =	vor.u32 s28, v5;
	v49 =	vadd.f32 v30, v20;
	v1 =	vmul.f32 v8, v43;
	v53 =	vld [tilespmem:$0x1FDD0];
	[tilespmem:v57+s15+$0x0] =	vst.idx.msk $0xffff, v27  }
0x109: {  	s29 =	sadd.s32 $0xFFFFFFFC, s18;
	v7 =	vor.u32 s19, v60;
	v60 =	vld [tilespmem:$0x1FDE0];
	v14 =	vadd.f32 v16, v51;
	v47 =	vmul.f32 v8, v45;
	[tilespmem:v63+s15+$0x0] =	vst.idx.msk $0xffff, v19  }
0x10a: {  	s30 =	sadd.s32 $0xFFFFFFFD, s18;
	v3 =	vor.u32 s29, v3;
	v61 =	vld [tilespmem:$0x1FEC0];
	v6 =	vadd.f32 v13, v6;
	v9 =	vadd.f32 v49, v52;
	[tilespmem:v40+s15+$0x0] =	vst.idx.msk $0xffff, v36  }
0x10b: {  	v55 =	vor.u32 s30, v2;
	v4 =	vadd.f32 v4, v62;
	v62 =	vld [tilespmem:$0x1FF20];
	v11 =	vadd.f32 v50, v54;
	[tilespmem:v41+s15+$0x0] =	vst.idx.msk $0xffff, v14  }
0x10c: {  	s31 =	sadd.s32 $0xFFFFFFFF, s18;
	v57 =	vadd.f32 v22, v15;
	v63 =	vld [tilespmem:$0x1FF80];
	v14 =	vadd.f32 v44, v56;
	[tilespmem:v12+s15+$0x0] =	vst.idx.msk $0xffff, v9  }
0x10d: {  	v58 =	vor.u32 s31, v59;
	v8 =	vadd.f32 v47, v25;
	v16 =	vadd.f32 v39, v53;
	[tilespmem:v48+s15+$0x0] =	vst.idx.msk $0xffff, v11  }
0x10e: {  	v59 =	vor.u32 s18, v0;
	[tilespmem:v5+s15+$0x0] =	vst.idx.msk $0xffff, v14;
	v5 =	vadd.f32 v57, v60  }
0x10f: {  	v1 =	vadd.f32 v1, v6;
	v8 =	vadd.f32 v8, v61;
	[tilespmem:v3+s15+$0x0] =	vst.idx.msk $0xffff, v16  }
0x110: {  	v3 =	vadd.f32 v4, v62;
	[tilespmem:v55+s15+$0x0] =	vst.idx.msk $0xffff, v5  }
0x111: {  	s16 =	sadd.s32 $0x1, s16;
	v1 =	vadd.f32 v1, v63;
	[tilespmem:v7+s15+$0x0] =	vst.idx.msk $0xffff, v8  }
0x112: {  	p0 =	sne.s32 s16, s9;
	[tilespmem:v58+s15+$0x0] =	vst.idx.msk $0xffff, v3  }
.Ltmp2:
0x113: {  	[tilespmem:v59+s15+$0x0] =	vst.idx.msk $0xffff, v1;
	(pc) =	sbr.rel @p0 .LBB2_1-.Ltmp2, $4  }
0x114: {  	[hbm4b:s8+s3] =	stream.linear.scatter [tilespmem:s15], [sflag:$0x1], $0x6200, $0x38;
	[tilespmem:$0xABC0] =	vst v63  }
0x115: {  	_ =	swait.ge [sflag:s10], $0x6200  }
0x116: {  	[sflag:s10] =	ssyncset.done $0x0  }
0x117: {  	[sflag:s10] =	ssyncadd.s32 $0xFFFF9E00  }
0x118: {  	_ =	sfence.sel $0x180000  }
0x119: {  	[bflag:$0x0] =	sbarrier.arrive $0xFFFF  }
0x11a: {  	p0 =	sne.s32 s0, $0x0;
	_ =	strace $0x90000050  }
0x11b: {  	s0 =	sadd.s32 @!p0 $0x100000, s1;
	[bflag:$0x2] =	sbarrier.arrive $0xFFFF  }
0x11c: {  	[sflag:s0] =	ssyncadd.tile.s32 @!p0 $0x1;
	_ =	shalt  }
.Lfunc_end2:
_tile_overlayer_lowered:
.L_overlay_start_2:
0x11d: {  	(tag) =	ssettag $0x2  }
0x11e: {  	s0 =	rddreg [dreg:$0x0];
	s2 =	stileid.u32  }
0x11f: {  	s1 =	rddreg [dreg:$0x1];
	p0 =	sne.s32 s2, $0x0  }
0x120: {  	s3 =	rddreg [dreg:$0x2];
	[bflag:$0x3] =	sbarrier.arrive $0xFFFF;
	s2 =	simm.s32 @!p0 $0x1C01  }
0x121: {  	[timem:s3], [sflag:s2] =	dma.local @!p0 [hbm:s0], s1  }
0x122: {  	s0 =	simm.s32 @!p0 $0x1  }
0x123: {  	_ =	swait.ge @!p0 [sflag:s0], s1  }
0x124: {  	s1 =	ssub.s32 @!p0 $0x0, s1;
	[sflag:s0] =	ssyncset.done @!p0 $0x0  }
0x125: {  	[sflag:s0] =	ssyncadd.s32 @!p0 s1  }
0x126: {  	[bflag:$0x3] =	sbarrier.arrive $0xFFFF  }
0x127: {  	_ =	shalt  }

</sc_bundles>
